<compile_context>
chip_gen: v7x
topology: tpu7x:2x2x1
jax: 0.10.2.dev20260603
libtpu: 0.0.44.dev20260713+nightly
codegen_flags: <defaults>
</compile_context>

<pallas_src>
import functools

import jax
import jax.numpy as jnp
import numpy as np
from jax import lax
from jax.experimental import pallas as pl
from jax.experimental.pallas import tpu as pltpu
from jax.experimental.pallas import tpu_sc as plsc

_B, _T, _P, _D = 8, 32, 196, 768
_DS = 128
_NDG = _D // _DS
_TH = _T // 2
_NLANE = 16
_NW = 32
_UPW = 3

_S_SIZES = np.array([5, 22, 30, 12, 11, 10, 1, 10], dtype=np.int32)


def _sc_tokens(tokens, mask_token):
    mesh = plsc.VectorSubcoreMesh(core_axis_name="c", subcore_axis_name="s")

    @functools.partial(
        pl.kernel,
        out_type=jax.ShapeDtypeStruct((_B, _T, _P, _D), jnp.float32),
        mesh=mesh,
        scratch_types=[
            pltpu.VMEM((_P, _DS), jnp.float32),
            pltpu.VMEM((_P, _DS), jnp.float32),
            pltpu.VMEM((_P, _DS), jnp.float32),
            pltpu.VMEM((_P, _DS), jnp.float32),
            pltpu.SemaphoreType.DMA,
            pltpu.SemaphoreType.DMA,
            pltpu.SemaphoreType.DMA,
            pltpu.SemaphoreType.DMA,
            pltpu.SemaphoreType.DMA,
            pltpu.SemaphoreType.DMA,
        ],
    )
    def body(tok, mtok, out, buf0, buf1, mtA, mtB, sr0, sr1, sw0, sw1, ssA, ssB):
        cid = lax.axis_index("c")
        sid = lax.axis_index("s")
        wid = cid * 16 + sid
        bufs = (buf0, buf1)
        srs = (sr0, sr1)
        sws = (sw0, sw1)
        mts = (mtA, mtB)
        sss = (ssA, ssB)

        def unit_params(j):
            u = wid + _NW * j
            b = u % _B
            v = u // _B
            d0 = pl.multiple_of((v % _NDG) * _DS, 128)
            t0 = (v // _NDG) * _TH
            s_rt = jnp.int32(int(_S_SIZES[0]))
            for i in range(1, _B):
                s_rt = jnp.where(b == i, jnp.int32(int(_S_SIZES[i])), s_rt)
            c_hi = jnp.clip(s_rt, t0, t0 + _TH)
            return b, d0, t0, c_hi

        def drain_unit_sfx(j):
            b, d0, t0, c_hi = unit_params(j)
            mtile = mts[j % 2]

            def drain(t, carry):
                pltpu.make_async_copy(
                    mtile, out.at[b, t0, :, pl.ds(d0, _DS)], sss[j % 2]
                ).wait()
                return carry

            lax.fori_loop(c_hi, t0 + _TH, drain, 0)

        for j in range(_UPW):
            b, d0, t0, c_hi = unit_params(j)
            c_lo = t0
            mtile = mts[j % 2]
            ssfx = sss[j % 2]
            if j >= 2:
                drain_unit_sfx(j - 2)

            pltpu.sync_copy(mtok.at[b, 0, pl.ds(d0, _DS)], mtile.at[0])
            vs = [
                mtile[0, pl.ds(_NLANE * q, _NLANE)]
                for q in range(_DS // _NLANE)
            ]

            def fill(r, carry):
                for q in range(_DS // _NLANE):
                    mtile[r, pl.ds(_NLANE * q, _NLANE)] = vs[q]
                return carry

            lax.fori_loop(1, _P, fill, 0)

            def oslab(t, b=b, d0=d0):
                return out.at[b, t, :, pl.ds(d0, _DS)]

            def fire_sfx(t, carry, oslab=oslab):
                pltpu.async_copy(mtile, oslab(t), ssfx)
                return carry

            lax.fori_loop(c_hi, t0 + _TH, fire_sfx, 0)

            def copy_row(i, carry, b=b, d0=d0, oslab=oslab, c_lo=c_lo):
                for par in (0, 1):
                    @pl.when(i % 2 == par)
                    def _(par=par):
                        @pl.when(i >= c_lo + 2)
                        def _():
                            pltpu.make_async_copy(
                                bufs[par], oslab(i), sws[par]
                            ).wait()

                        pltpu.async_copy(
                            tok.at[b, i, :, pl.ds(d0, _DS)],
                            bufs[par],
                            srs[par],
                        ).wait()
                        pltpu.async_copy(bufs[par], oslab(i), sws[par])
                return carry

            lax.fori_loop(c_lo, c_hi, copy_row, 0)

            ncopy = c_hi - c_lo
            par_last = (c_hi - 1) % 2

            @pl.when(ncopy >= 1)
            def _():
                @pl.when(par_last == 0)
                def _():
                    pltpu.make_async_copy(buf0, oslab(t0), sw0).wait()

                @pl.when(par_last == 1)
                def _():
                    pltpu.make_async_copy(buf1, oslab(t0), sw1).wait()

            @pl.when(ncopy >= 2)
            def _():
                @pl.when(par_last == 0)
                def _():
                    pltpu.make_async_copy(buf1, oslab(t0), sw1).wait()

                @pl.when(par_last == 1)
                def _():
                    pltpu.make_async_copy(buf0, oslab(t0), sw0).wait()

        drain_unit_sfx(_UPW - 2)
        drain_unit_sfx(_UPW - 1)

    return body(tokens, mask_token)


def _pos_body(s_ref, out_ref):
    t_ids = jax.lax.broadcasted_iota(jnp.int32, (_B, _T), 1)
    out_ref[...] = (t_ids >= s_ref[...]).astype(jnp.int32)


def kernel(tokens, mask_token):
    s = jnp.asarray(_S_SIZES, dtype=jnp.int32)
    masked_tokens = _sc_tokens(tokens, mask_token)
    positions_i32 = pl.pallas_call(
        _pos_body,
        out_shape=jax.ShapeDtypeStruct((_B, _T), jnp.int32),
    )(s[:, None])
    return masked_tokens, positions_i32.astype(jnp.bool_)

# --- scband reference (transcript-rebuilt; emitter-appended) ---
"""Pipeline reference for scband-token-subsampling-2345052144170 (READ-ONLY COPY).

The authoritative reference and input builder live on the scoring server;
editing this copy changes nothing except your own understanding.
"""

import jax, jax.numpy as jnp
import numpy as np

DROP_RATIO = 0.5  # nonzero during training; only its nonzero-ness affects the computation


def _scatter_suffix(data, mask, indices, scatter_data):
    """For each (b, p) with mask[b, p] True, overwrite data[b, t, p, ...] with
    scatter_data for all t >= indices[b, p] (suffix overwrite along time axis)."""
    T = data.shape[1]
    t_idx = jnp.arange(T)[None, :, None]                 # [1, T, 1]
    suffix = t_idx >= indices[:, None, :]                # [B, T, P]
    combined = jnp.logical_and(suffix, mask[:, None, :]) # [B, T, P]
    while combined.ndim < data.ndim:
        combined = combined[..., None]
    sd = scatter_data
    for _ in range(data.ndim - sd.ndim):
        sd = jnp.expand_dims(sd, 1)
    return jnp.where(combined, sd, data)


def setup_inputs(seed: int = 0) -> dict:
    key = jax.random.key(seed)
    k1, k2 = jax.random.split(key)
    tokens = jax.random.normal(k1, (8, 32, 196, 768), dtype=jnp.float32)
    mask_token = jax.random.normal(k2, (8, 1, 768), dtype=jnp.float32)
    return {"tokens": tokens, "mask_token": mask_token}


def reference(tokens, mask_token):
    n_batch, seq_len, num_tokens, _ = tokens.shape
    drop_ratio = DROP_RATIO  # is_training=True
    if drop_ratio == 0.0:
        return tokens, jnp.ones(tokens.shape[:2], dtype=jnp.bool_)
    # mask_temporal_tokens=True -> mask along the temporal axis
    n_tokens = int(seq_len) - 1
    num_vis_patches = tokens.shape[2]
    rng = jax.random.key(42)  # stands in for self.make_rng('degradation')
    subkey, _ = jax.random.split(rng, 2)
    masked_tokens = tokens
    subsample_size = jax.random.choice(subkey, n_tokens - 1, shape=(n_batch,))
    subsample_size = subsample_size + 1
    mask = jnp.ones((n_batch, num_vis_patches), dtype=jnp.bool_)
    indices = jnp.tile(subsample_size[:, None], (1, num_vis_patches))
    scatter_data = mask_token[:, 0]
    masked_tokens = _scatter_suffix(masked_tokens, mask, indices, scatter_data)
    masked_positions = jnp.zeros((n_batch, n_tokens + 1, 1, 1), dtype=jnp.bool_)
    mask2 = jnp.ones((n_batch, 1), dtype=jnp.bool_)
    masked_positions = _scatter_suffix(
        masked_positions, mask2, subsample_size[:, None],
        jnp.ones((n_batch, 1, 1), dtype=jnp.bool_))[..., 0, 0]
    return masked_tokens, masked_positions

if __name__ == "__main__":
    import jax
    _d = setup_inputs()
    print(jax.jit(kernel)(*tuple(_d.values())))

</pallas_src>

<mosaic_0001>
#map = affine_map<(d0, d1) -> (0, 0, 0, 0)>
#map1 = affine_map<(d0, d1) -> (0, 0, 0)>
module attributes {stable_mosaic.version = 14 : i64} {
  func.func @body(%arg0: i32, %arg1: i32, %arg2: memref<8x32x196x768xf32, #tpu.memory_space<hbm>>, %arg3: memref<8x1x768xf32, #tpu.memory_space<hbm>>, %arg4: memref<8x32x196x768xf32, #tpu.memory_space<hbm>>, %arg5: memref<196x128xf32, #tpu.memory_space<vmem>>, %arg6: memref<196x128xf32, #tpu.memory_space<vmem>>, %arg7: memref<196x128xf32, #tpu.memory_space<vmem>>, %arg8: memref<196x128xf32, #tpu.memory_space<vmem>>, %arg9: memref<!tpu.dma_semaphore, #tpu.memory_space<semaphore_mem>>, %arg10: memref<!tpu.dma_semaphore, #tpu.memory_space<semaphore_mem>>, %arg11: memref<!tpu.dma_semaphore, #tpu.memory_space<semaphore_mem>>, %arg12: memref<!tpu.dma_semaphore, #tpu.memory_space<semaphore_mem>>, %arg13: memref<!tpu.dma_semaphore, #tpu.memory_space<semaphore_mem>>, %arg14: memref<!tpu.dma_semaphore, #tpu.memory_space<semaphore_mem>>) attributes {dimension_semantics = [#tpu.dimension_semantics<core_parallel>, #tpu.dimension_semantics<subcore_parallel>], iteration_bounds = array<i64: 2, 16>, scalar_prefetch = 0 : i64, scratch_operands = 10 : i64, tpu.core_type = #tpu.core_type<sc_vector_subcore>, window_params = [{transform_indices = #map}, {transform_indices = #map1}, {transform_indices = #map}]} {
    %mul3A = arith.constant 16 : i32
    %mul3A_0 = arith.muli %arg0, %mul3A : i32
    %add3A = arith.addi %mul3A_0, %arg1 : i32
    %add3A_1 = arith.constant 0 : i32
    %add3A_2 = arith.addi %add3A, %add3A_1 : i32
    %jit3A = arith.constant 8 : i32
    %eq3A = arith.constant 0 : i32
    %eq3A_3 = arith.cmpi eq, %jit3A, %eq3A : i32
    %jit3A_4 = arith.constant 1 : i32
    %select_n3A = arith.select %eq3A_3, %jit3A_4, %jit3A : i32
    %rem3A = arith.remsi %add3A_2, %select_n3A : i32
    %ne3A = arith.constant 0 : i32
    %ne3A_5 = arith.cmpi ne, %rem3A, %ne3A : i32
    %lt3A = arith.constant 0 : i32
    %lt3A_6 = arith.cmpi slt, %rem3A, %lt3A : i32
    %lt3A_7 = arith.constant 0 : i32
    %lt3A_8 = arith.cmpi slt, %select_n3A, %lt3A_7 : i32
    %ne3A_9 = arith.xori %lt3A_6, %lt3A_8 : i1
    %and3A = arith.andi %ne3A_9, %ne3A_5 : i1
    %add3A_10 = arith.addi %rem3A, %select_n3A : i32
    %select_n3A_11 = arith.select %and3A, %add3A_10, %rem3A : i32
    %jit3A_12 = arith.constant 8 : i32
    %div3A = arith.divsi %add3A_2, %jit3A_12 : i32
    %sign3A = arith.constant 0 : i32
    %sign3A_13 = arith.cmpi sgt, %add3A_2, %sign3A : i32
    %sign3A_14 = arith.extui %sign3A_13 : i1 to i32
    %sign3A_15 = arith.constant 0 : i32
    %sign3A_16 = arith.cmpi slt, %add3A_2, %sign3A_15 : i32
    %sign3A_17 = arith.extui %sign3A_16 : i1 to i32
    %sign3A_18 = arith.subi %sign3A_14, %sign3A_17 : i32
    %sign3A_19 = arith.constant 0 : i32
    %sign3A_20 = arith.cmpi sgt, %jit3A_12, %sign3A_19 : i32
    %sign3A_21 = arith.extui %sign3A_20 : i1 to i32
    %sign3A_22 = arith.constant 0 : i32
    %sign3A_23 = arith.cmpi slt, %jit3A_12, %sign3A_22 : i32
    %sign3A_24 = arith.extui %sign3A_23 : i1 to i32
    %sign3A_25 = arith.subi %sign3A_21, %sign3A_24 : i32
    %ne3A_26 = arith.cmpi ne, %sign3A_18, %sign3A_25 : i32
    %rem3A_27 = arith.remsi %add3A_2, %jit3A_12 : i32
    %ne3A_28 = arith.constant 0 : i32
    %ne3A_29 = arith.cmpi ne, %rem3A_27, %ne3A_28 : i32
    %and3A_30 = arith.andi %ne3A_26, %ne3A_29 : i1
    %sub3A = arith.constant 1 : i32
    %sub3A_31 = arith.subi %div3A, %sub3A : i32
    %select_n3A_32 = arith.select %and3A_30, %sub3A_31, %div3A : i32
    %jit3A_33 = arith.constant 6 : i32
    %eq3A_34 = arith.constant 0 : i32
    %eq3A_35 = arith.cmpi eq, %jit3A_33, %eq3A_34 : i32
    %jit3A_36 = arith.constant 1 : i32
    %select_n3A_37 = arith.select %eq3A_35, %jit3A_36, %jit3A_33 : i32
    %rem3A_38 = arith.remsi %select_n3A_32, %select_n3A_37 : i32
    %ne3A_39 = arith.constant 0 : i32
    %ne3A_40 = arith.cmpi ne, %rem3A_38, %ne3A_39 : i32
    %lt3A_41 = arith.constant 0 : i32
    %lt3A_42 = arith.cmpi slt, %rem3A_38, %lt3A_41 : i32
    %lt3A_43 = arith.constant 0 : i32
    %lt3A_44 = arith.cmpi slt, %select_n3A_37, %lt3A_43 : i32
    %ne3A_45 = arith.xori %lt3A_42, %lt3A_44 : i1
    %and3A_46 = arith.andi %ne3A_45, %ne3A_40 : i1
    %add3A_47 = arith.addi %rem3A_38, %select_n3A_37 : i32
    %select_n3A_48 = arith.select %and3A_46, %add3A_47, %rem3A_38 : i32
    %mul3A_49 = arith.constant 128 : i32
    %mul3A_50 = arith.muli %select_n3A_48, %mul3A_49 : i32
    %multiple_of3A = tpu.assume_multiple %mul3A_50, 128 : i32
    %jit3A_51 = arith.constant 6 : i32
    %div3A_52 = arith.divsi %select_n3A_32, %jit3A_51 : i32
    %sign3A_53 = arith.constant 0 : i32
    %sign3A_54 = arith.cmpi sgt, %select_n3A_32, %sign3A_53 : i32
    %sign3A_55 = arith.extui %sign3A_54 : i1 to i32
    %sign3A_56 = arith.constant 0 : i32
    %sign3A_57 = arith.cmpi slt, %select_n3A_32, %sign3A_56 : i32
    %sign3A_58 = arith.extui %sign3A_57 : i1 to i32
    %sign3A_59 = arith.subi %sign3A_55, %sign3A_58 : i32
    %sign3A_60 = arith.constant 0 : i32
    %sign3A_61 = arith.cmpi sgt, %jit3A_51, %sign3A_60 : i32
    %sign3A_62 = arith.extui %sign3A_61 : i1 to i32
    %sign3A_63 = arith.constant 0 : i32
    %sign3A_64 = arith.cmpi slt, %jit3A_51, %sign3A_63 : i32
    %sign3A_65 = arith.extui %sign3A_64 : i1 to i32
    %sign3A_66 = arith.subi %sign3A_62, %sign3A_65 : i32
    %ne3A_67 = arith.cmpi ne, %sign3A_59, %sign3A_66 : i32
    %rem3A_68 = arith.remsi %select_n3A_32, %jit3A_51 : i32
    %ne3A_69 = arith.constant 0 : i32
    %ne3A_70 = arith.cmpi ne, %rem3A_68, %ne3A_69 : i32
    %and3A_71 = arith.andi %ne3A_67, %ne3A_70 : i1
    %sub3A_72 = arith.constant 1 : i32
    %sub3A_73 = arith.subi %div3A_52, %sub3A_72 : i32
    %select_n3A_74 = arith.select %and3A_71, %sub3A_73, %div3A_52 : i32
    %mul3A_75 = arith.constant 16 : i32
    %mul3A_76 = arith.muli %select_n3A_74, %mul3A_75 : i32
    %eq3A_77 = arith.constant 1 : i32
    %eq3A_78 = arith.cmpi eq, %select_n3A_11, %eq3A_77 : i32
    %jit3A_79 = arith.constant 22 : i32
    %jit3A_80 = arith.constant 5 : i32
    %select_n3A_81 = arith.select %eq3A_78, %jit3A_79, %jit3A_80 : i32
    %eq3A_82 = arith.constant 2 : i32
    %eq3A_83 = arith.cmpi eq, %select_n3A_11, %eq3A_82 : i32
    %jit3A_84 = arith.constant 30 : i32
    %select_n3A_85 = arith.select %eq3A_83, %jit3A_84, %select_n3A_81 : i32
    %eq3A_86 = arith.constant 3 : i32
    %eq3A_87 = arith.cmpi eq, %select_n3A_11, %eq3A_86 : i32
    %jit3A_88 = arith.constant 12 : i32
    %select_n3A_89 = arith.select %eq3A_87, %jit3A_88, %select_n3A_85 : i32
    %eq3A_90 = arith.constant 4 : i32
    %eq3A_91 = arith.cmpi eq, %select_n3A_11, %eq3A_90 : i32
    %jit3A_92 = arith.constant 11 : i32
    %select_n3A_93 = arith.select %eq3A_91, %jit3A_92, %select_n3A_89 : i32
    %eq3A_94 = arith.constant 5 : i32
    %eq3A_95 = arith.cmpi eq, %select_n3A_11, %eq3A_94 : i32
    %jit3A_96 = arith.constant 10 : i32
    %select_n3A_97 = arith.select %eq3A_95, %jit3A_96, %select_n3A_93 : i32
    %eq3A_98 = arith.constant 6 : i32
    %eq3A_99 = arith.cmpi eq, %select_n3A_11, %eq3A_98 : i32
    %jit3A_100 = arith.constant 1 : i32
    %select_n3A_101 = arith.select %eq3A_99, %jit3A_100, %select_n3A_97 : i32
    %eq3A_102 = arith.constant 7 : i32
    %eq3A_103 = arith.cmpi eq, %select_n3A_11, %eq3A_102 : i32
    %jit3A_104 = arith.constant 10 : i32
    %select_n3A_105 = arith.select %eq3A_103, %jit3A_104, %select_n3A_101 : i32
    %add3A_106 = arith.constant 16 : i32
    %add3A_107 = arith.addi %mul3A_76, %add3A_106 : i32
    %max3A = arith.maxsi %mul3A_76, %select_n3A_105 : i32
    %min3A = arith.minsi %add3A_107, %max3A : i32
    %run_scoped3A = arith.constant 0 : i32
    %run_scoped3A_108 = arith.constant 0 : i32
    "tpu.region"() ({
      %run_scoped3A_1025 = tpu.sem_alloc : memref<!tpu.dma_semaphore, #tpu.memory_space<semaphore_mem>>
      %dma_start3A = arith.constant 0 : i32
      %dma_start3A_1026 = tpu.memref_slice %arg7[%run_scoped3A_108, %dma_start3A] : memref<196x128xf32, #tpu.memory_space<vmem>> -> memref<1x128xf32, #tpu.memory_space<vmem>>
      %dma_start3A_1027 = tpu.memref_squeeze %dma_start3A_1026 : memref<1x128xf32, #tpu.memory_space<vmem>> -> memref<128xf32, #tpu.memory_space<vmem>>
      %dma_start3A_1028 = tpu.memref_slice %arg3[%select_n3A_11, %run_scoped3A, %multiple_of3A] : memref<8x1x768xf32, #tpu.memory_space<hbm>> -> memref<1x1x128xf32, #tpu.memory_space<hbm>>
      %dma_start3A_1029 = tpu.memref_squeeze %dma_start3A_1028 : memref<1x1x128xf32, #tpu.memory_space<hbm>> -> memref<128xf32, #tpu.memory_space<hbm>>
      %dma_start3A_1030 = arith.constant 0 : i32
      %dma_start3A_1031 = tpu.memref_slice %arg7[%run_scoped3A_108, %dma_start3A_1030] : memref<196x128xf32, #tpu.memory_space<vmem>> -> memref<1x128xf32, #tpu.memory_space<vmem>>
      %dma_start3A_1032 = tpu.memref_squeeze %dma_start3A_1031 : memref<1x128xf32, #tpu.memory_space<vmem>> -> memref<128xf32, #tpu.memory_space<vmem>>
      %dma_start3A_1033 = tpu.memref_slice %arg3[%select_n3A_11, %run_scoped3A, %multiple_of3A] : memref<8x1x768xf32, #tpu.memory_space<hbm>> -> memref<1x1x128xf32, #tpu.memory_space<hbm>>
      %dma_start3A_1034 = tpu.memref_squeeze %dma_start3A_1033 : memref<1x1x128xf32, #tpu.memory_space<hbm>> -> memref<128xf32, #tpu.memory_space<hbm>>
      tpu.enqueue_dma source(%dma_start3A_1034 : memref<128xf32, #tpu.memory_space<hbm>>) target(%dma_start3A_1032 : memref<128xf32, #tpu.memory_space<vmem>>) target_semaphore(%run_scoped3A_1025 : memref<!tpu.dma_semaphore, #tpu.memory_space<semaphore_mem>>)
      %dma_wait3A = arith.constant 0 : i32
      %dma_wait3A_1035 = tpu.memref_slice %arg7[%run_scoped3A_108, %dma_wait3A] : memref<196x128xf32, #tpu.memory_space<vmem>> -> memref<1x128xf32, #tpu.memory_space<vmem>>
      %dma_wait3A_1036 = tpu.memref_squeeze %dma_wait3A_1035 : memref<1x128xf32, #tpu.memory_space<vmem>> -> memref<128xf32, #tpu.memory_space<vmem>>
      %dma_wait3A_1037 = tpu.memref_slice %arg3[%select_n3A_11, %run_scoped3A, %multiple_of3A] : memref<8x1x768xf32, #tpu.memory_space<hbm>> -> memref<1x1x128xf32, #tpu.memory_space<hbm>>
      %dma_wait3A_1038 = tpu.memref_squeeze %dma_wait3A_1037 : memref<1x1x128xf32, #tpu.memory_space<hbm>> -> memref<128xf32, #tpu.memory_space<hbm>>
      %dma_wait3A_1039 = arith.constant 0 : i32
      %dma_wait3A_1040 = tpu.memref_slice %arg7[%run_scoped3A_108, %dma_wait3A_1039] : memref<196x128xf32, #tpu.memory_space<vmem>> -> memref<1x128xf32, #tpu.memory_space<vmem>>
      %dma_wait3A_1041 = tpu.memref_squeeze %dma_wait3A_1040 : memref<1x128xf32, #tpu.memory_space<vmem>> -> memref<128xf32, #tpu.memory_space<vmem>>
      %dma_wait3A_1042 = tpu.memref_slice %arg3[%select_n3A_11, %run_scoped3A, %multiple_of3A] : memref<8x1x768xf32, #tpu.memory_space<hbm>> -> memref<1x1x128xf32, #tpu.memory_space<hbm>>
      %dma_wait3A_1043 = tpu.memref_squeeze %dma_wait3A_1042 : memref<1x1x128xf32, #tpu.memory_space<hbm>> -> memref<128xf32, #tpu.memory_space<hbm>>
      tpu.wait_dma2 semaphore(%run_scoped3A_1025 : memref<!tpu.dma_semaphore, #tpu.memory_space<semaphore_mem>>) src(%dma_wait3A_1043 : memref<128xf32, #tpu.memory_space<hbm>>) dst(%dma_wait3A_1041 : memref<128xf32, #tpu.memory_space<vmem>>)
      tpu.yield
    }) : () -> ()
    %get3A = arith.constant 0 : i32
    %get3A_109 = arith.index_cast %get3A : i32 to index
    %get3A_110 = arith.constant 0 : index
    %get3A_111 = tpu.vector_load %arg7[%get3A_109, %get3A_110] {strides = array<i32>} : memref<196x128xf32, #tpu.memory_space<vmem>>, vector<1x16xf32>,
    %get3A_112 = vector.shape_cast %get3A_111 : vector<1x16xf32> to vector<16xf32>
    %get3A_113 = arith.constant 0 : i32
    %get3A_114 = arith.index_cast %get3A_113 : i32 to index
    %get3A_115 = arith.constant 16 : index
    %get3A_116 = tpu.vector_load %arg7[%get3A_114, %get3A_115] {strides = array<i32>} : memref<196x128xf32, #tpu.memory_space<vmem>>, vector<1x16xf32>,
    %get3A_117 = vector.shape_cast %get3A_116 : vector<1x16xf32> to vector<16xf32>
    %get3A_118 = arith.constant 0 : i32
    %get3A_119 = arith.index_cast %get3A_118 : i32 to index
    %get3A_120 = arith.constant 32 : index
    %get3A_121 = tpu.vector_load %arg7[%get3A_119, %get3A_120] {strides = array<i32>} : memref<196x128xf32, #tpu.memory_space<vmem>>, vector<1x16xf32>,
    %get3A_122 = vector.shape_cast %get3A_121 : vector<1x16xf32> to vector<16xf32>
    %get3A_123 = arith.constant 0 : i32
    %get3A_124 = arith.index_cast %get3A_123 : i32 to index
    %get3A_125 = arith.constant 48 : index
    %get3A_126 = tpu.vector_load %arg7[%get3A_124, %get3A_125] {strides = array<i32>} : memref<196x128xf32, #tpu.memory_space<vmem>>, vector<1x16xf32>,
    %get3A_127 = vector.shape_cast %get3A_126 : vector<1x16xf32> to vector<16xf32>
    %get3A_128 = arith.constant 0 : i32
    %get3A_129 = arith.index_cast %get3A_128 : i32 to index
    %get3A_130 = arith.constant 64 : index
    %get3A_131 = tpu.vector_load %arg7[%get3A_129, %get3A_130] {strides = array<i32>} : memref<196x128xf32, #tpu.memory_space<vmem>>, vector<1x16xf32>,
    %get3A_132 = vector.shape_cast %get3A_131 : vector<1x16xf32> to vector<16xf32>
    %get3A_133 = arith.constant 0 : i32
    %get3A_134 = arith.index_cast %get3A_133 : i32 to index
    %get3A_135 = arith.constant 80 : index
    %get3A_136 = tpu.vector_load %arg7[%get3A_134, %get3A_135] {strides = array<i32>} : memref<196x128xf32, #tpu.memory_space<vmem>>, vector<1x16xf32>,
    %get3A_137 = vector.shape_cast %get3A_136 : vector<1x16xf32> to vector<16xf32>
    %get3A_138 = arith.constant 0 : i32
    %get3A_139 = arith.index_cast %get3A_138 : i32 to index
    %get3A_140 = arith.constant 96 : index
    %get3A_141 = tpu.vector_load %arg7[%get3A_139, %get3A_140] {strides = array<i32>} : memref<196x128xf32, #tpu.memory_space<vmem>>, vector<1x16xf32>,
    %get3A_142 = vector.shape_cast %get3A_141 : vector<1x16xf32> to vector<16xf32>
    %get3A_143 = arith.constant 0 : i32
    %get3A_144 = arith.index_cast %get3A_143 : i32 to index
    %get3A_145 = arith.constant 112 : index
    %get3A_146 = tpu.vector_load %arg7[%get3A_144, %get3A_145] {strides = array<i32>} : memref<196x128xf32, #tpu.memory_space<vmem>>, vector<1x16xf32>,
    %get3A_147 = vector.shape_cast %get3A_146 : vector<1x16xf32> to vector<16xf32>
    %scan3A = arith.constant 0 : i32
    %scan3A_148 = arith.constant 1 : i32
    %scan3A_149 = arith.constant 195 : i32
    %scan3A_150 = arith.addi %scan3A_148, %scan3A_149 : i32
    %scan3A_151 = arith.constant 1 : i32
    scf.for %scan3A_1025 = %scan3A_148 to %scan3A_150 step %scan3A_151  : i32 {
      %swap3A = arith.index_cast %scan3A_1025 : i32 to index
      %swap3A_1026 = arith.constant 0 : index
      %swap3A_1027 = tpu.vector_load %arg7[%swap3A, %swap3A_1026] {strides = array<i32>} : memref<196x128xf32, #tpu.memory_space<vmem>>, vector<1x16xf32>,
      %swap3A_1028 = vector.shape_cast %swap3A_1027 : vector<1x16xf32> to vector<16xf32>
      %swap3A_1029 = vector.shape_cast %get3A_112 : vector<16xf32> to vector<1x16xf32>
      tpu.vector_store %arg7[%swap3A, %swap3A_1026], %swap3A_1029 {strides = array<i32>} : memref<196x128xf32, #tpu.memory_space<vmem>>, vector<1x16xf32>,
      %swap3A_1030 = arith.index_cast %scan3A_1025 : i32 to index
      %swap3A_1031 = arith.constant 16 : index
      %swap3A_1032 = tpu.vector_load %arg7[%swap3A_1030, %swap3A_1031] {strides = array<i32>} : memref<196x128xf32, #tpu.memory_space<vmem>>, vector<1x16xf32>,
      %swap3A_1033 = vector.shape_cast %swap3A_1032 : vector<1x16xf32> to vector<16xf32>
      %swap3A_1034 = vector.shape_cast %get3A_117 : vector<16xf32> to vector<1x16xf32>
      tpu.vector_store %arg7[%swap3A_1030, %swap3A_1031], %swap3A_1034 {strides = array<i32>} : memref<196x128xf32, #tpu.memory_space<vmem>>, vector<1x16xf32>,
      %swap3A_1035 = arith.index_cast %scan3A_1025 : i32 to index
      %swap3A_1036 = arith.constant 32 : index
      %swap3A_1037 = tpu.vector_load %arg7[%swap3A_1035, %swap3A_1036] {strides = array<i32>} : memref<196x128xf32, #tpu.memory_space<vmem>>, vector<1x16xf32>,
      %swap3A_1038 = vector.shape_cast %swap3A_1037 : vector<1x16xf32> to vector<16xf32>
      %swap3A_1039 = vector.shape_cast %get3A_122 : vector<16xf32> to vector<1x16xf32>
      tpu.vector_store %arg7[%swap3A_1035, %swap3A_1036], %swap3A_1039 {strides = array<i32>} : memref<196x128xf32, #tpu.memory_space<vmem>>, vector<1x16xf32>,
      %swap3A_1040 = arith.index_cast %scan3A_1025 : i32 to index
      %swap3A_1041 = arith.constant 48 : index
      %swap3A_1042 = tpu.vector_load %arg7[%swap3A_1040, %swap3A_1041] {strides = array<i32>} : memref<196x128xf32, #tpu.memory_space<vmem>>, vector<1x16xf32>,
      %swap3A_1043 = vector.shape_cast %swap3A_1042 : vector<1x16xf32> to vector<16xf32>
      %swap3A_1044 = vector.shape_cast %get3A_127 : vector<16xf32> to vector<1x16xf32>
      tpu.vector_store %arg7[%swap3A_1040, %swap3A_1041], %swap3A_1044 {strides = array<i32>} : memref<196x128xf32, #tpu.memory_space<vmem>>, vector<1x16xf32>,
      %swap3A_1045 = arith.index_cast %scan3A_1025 : i32 to index
      %swap3A_1046 = arith.constant 64 : index
      %swap3A_1047 = tpu.vector_load %arg7[%swap3A_1045, %swap3A_1046] {strides = array<i32>} : memref<196x128xf32, #tpu.memory_space<vmem>>, vector<1x16xf32>,
      %swap3A_1048 = vector.shape_cast %swap3A_1047 : vector<1x16xf32> to vector<16xf32>
      %swap3A_1049 = vector.shape_cast %get3A_132 : vector<16xf32> to vector<1x16xf32>
      tpu.vector_store %arg7[%swap3A_1045, %swap3A_1046], %swap3A_1049 {strides = array<i32>} : memref<196x128xf32, #tpu.memory_space<vmem>>, vector<1x16xf32>,
      %swap3A_1050 = arith.index_cast %scan3A_1025 : i32 to index
      %swap3A_1051 = arith.constant 80 : index
      %swap3A_1052 = tpu.vector_load %arg7[%swap3A_1050, %swap3A_1051] {strides = array<i32>} : memref<196x128xf32, #tpu.memory_space<vmem>>, vector<1x16xf32>,
      %swap3A_1053 = vector.shape_cast %swap3A_1052 : vector<1x16xf32> to vector<16xf32>
      %swap3A_1054 = vector.shape_cast %get3A_137 : vector<16xf32> to vector<1x16xf32>
      tpu.vector_store %arg7[%swap3A_1050, %swap3A_1051], %swap3A_1054 {strides = array<i32>} : memref<196x128xf32, #tpu.memory_space<vmem>>, vector<1x16xf32>,
      %swap3A_1055 = arith.index_cast %scan3A_1025 : i32 to index
      %swap3A_1056 = arith.constant 96 : index
      %swap3A_1057 = tpu.vector_load %arg7[%swap3A_1055, %swap3A_1056] {strides = array<i32>} : memref<196x128xf32, #tpu.memory_space<vmem>>, vector<1x16xf32>,
      %swap3A_1058 = vector.shape_cast %swap3A_1057 : vector<1x16xf32> to vector<16xf32>
      %swap3A_1059 = vector.shape_cast %get3A_142 : vector<16xf32> to vector<1x16xf32>
      tpu.vector_store %arg7[%swap3A_1055, %swap3A_1056], %swap3A_1059 {strides = array<i32>} : memref<196x128xf32, #tpu.memory_space<vmem>>, vector<1x16xf32>,
      %swap3A_1060 = arith.index_cast %scan3A_1025 : i32 to index
      %swap3A_1061 = arith.constant 112 : index
      %swap3A_1062 = tpu.vector_load %arg7[%swap3A_1060, %swap3A_1061] {strides = array<i32>} : memref<196x128xf32, #tpu.memory_space<vmem>>, vector<1x16xf32>,
      %swap3A_1063 = vector.shape_cast %swap3A_1062 : vector<1x16xf32> to vector<16xf32>
      %swap3A_1064 = vector.shape_cast %get3A_147 : vector<16xf32> to vector<1x16xf32>
      tpu.vector_store %arg7[%swap3A_1060, %swap3A_1061], %swap3A_1064 {strides = array<i32>} : memref<196x128xf32, #tpu.memory_space<vmem>>, vector<1x16xf32>,
    }
    %scan3A_152 = arith.constant 195 : i32
    %add3A_153 = arith.constant 16 : i32
    %add3A_154 = arith.addi %mul3A_76, %add3A_153 : i32
    %while3A = arith.constant 0 : i32
    %while3A_155 = arith.subi %add3A_154, %min3A : i32
    %while3A_156 = arith.addi %min3A, %while3A_155 : i32
    %while3A_157 = arith.constant 1 : i32
    %while3A_158 = arith.divsi %while3A_155, %while3A_157 : i32
    %while3A_159 = arith.muli %while3A_158, %while3A_157 : i32
    %while3A_160 = arith.addi %min3A, %while3A_159 : i32
    %while3A_161 = arith.constant 1 : i32
    scf.for %while3A_1025 = %min3A to %while3A_160 step %while3A_161  : i32 {
      %dma_start3A = arith.constant 0 : i32
      %dma_start3A_1026 = tpu.memref_slice %arg4[%select_n3A_11, %while3A_1025, %dma_start3A, %multiple_of3A] : memref<8x32x196x768xf32, #tpu.memory_space<hbm>> -> memref<1x1x196x128xf32, #tpu.memory_space<hbm>>
      %dma_start3A_1027 = tpu.memref_squeeze %dma_start3A_1026 : memref<1x1x196x128xf32, #tpu.memory_space<hbm>> -> memref<196x128xf32, #tpu.memory_space<hbm>>
      %dma_start3A_1028 = arith.constant 0 : i32
      %dma_start3A_1029 = tpu.memref_slice %arg4[%select_n3A_11, %while3A_1025, %dma_start3A_1028, %multiple_of3A] : memref<8x32x196x768xf32, #tpu.memory_space<hbm>> -> memref<1x1x196x128xf32, #tpu.memory_space<hbm>>
      %dma_start3A_1030 = tpu.memref_squeeze %dma_start3A_1029 : memref<1x1x196x128xf32, #tpu.memory_space<hbm>> -> memref<196x128xf32, #tpu.memory_space<hbm>>
      tpu.enqueue_dma source(%arg7 : memref<196x128xf32, #tpu.memory_space<vmem>>) target(%dma_start3A_1030 : memref<196x128xf32, #tpu.memory_space<hbm>>) target_semaphore(%arg13 : memref<!tpu.dma_semaphore, #tpu.memory_space<semaphore_mem>>)
    }
    %while3A_162 = arith.constant 1 : i32
    scf.for %while3A_1025 = %while3A_160 to %while3A_156 step %while3A_162  : i32 {
      %dma_start3A = arith.constant 0 : i32
      %dma_start3A_1026 = tpu.memref_slice %arg4[%select_n3A_11, %while3A_1025, %dma_start3A, %multiple_of3A] : memref<8x32x196x768xf32, #tpu.memory_space<hbm>> -> memref<1x1x196x128xf32, #tpu.memory_space<hbm>>
      %dma_start3A_1027 = tpu.memref_squeeze %dma_start3A_1026 : memref<1x1x196x128xf32, #tpu.memory_space<hbm>> -> memref<196x128xf32, #tpu.memory_space<hbm>>
      %dma_start3A_1028 = arith.constant 0 : i32
      %dma_start3A_1029 = tpu.memref_slice %arg4[%select_n3A_11, %while3A_1025, %dma_start3A_1028, %multiple_of3A] : memref<8x32x196x768xf32, #tpu.memory_space<hbm>> -> memref<1x1x196x128xf32, #tpu.memory_space<hbm>>
      %dma_start3A_1030 = tpu.memref_squeeze %dma_start3A_1029 : memref<1x1x196x128xf32, #tpu.memory_space<hbm>> -> memref<196x128xf32, #tpu.memory_space<hbm>>
      tpu.enqueue_dma source(%arg7 : memref<196x128xf32, #tpu.memory_space<vmem>>) target(%dma_start3A_1030 : memref<196x128xf32, #tpu.memory_space<hbm>>) target_semaphore(%arg13 : memref<!tpu.dma_semaphore, #tpu.memory_space<semaphore_mem>>)
    }
    %while3A_163 = arith.constant 0 : i32
    %while3A_164 = arith.subi %min3A, %mul3A_76 : i32
    %while3A_165 = arith.addi %mul3A_76, %while3A_164 : i32
    %while3A_166 = arith.constant 1 : i32
    %while3A_167 = arith.divsi %while3A_164, %while3A_166 : i32
    %while3A_168 = arith.muli %while3A_167, %while3A_166 : i32
    %while3A_169 = arith.addi %mul3A_76, %while3A_168 : i32
    %while3A_170 = arith.constant 1 : i32
    scf.for %while3A_1025 = %mul3A_76 to %while3A_169 step %while3A_170  : i32 {
      %jit3A_1026 = arith.constant 2 : i32
      %eq3A_1027 = arith.constant 0 : i32
      %eq3A_1028 = arith.cmpi eq, %jit3A_1026, %eq3A_1027 : i32
      %jit3A_1029 = arith.constant 1 : i32
      %select_n3A_1030 = arith.select %eq3A_1028, %jit3A_1029, %jit3A_1026 : i32
      %rem3A_1031 = arith.remsi %while3A_1025, %select_n3A_1030 : i32
      %ne3A_1032 = arith.constant 0 : i32
      %ne3A_1033 = arith.cmpi ne, %rem3A_1031, %ne3A_1032 : i32
      %lt3A_1034 = arith.constant 0 : i32
      %lt3A_1035 = arith.cmpi slt, %rem3A_1031, %lt3A_1034 : i32
      %lt3A_1036 = arith.constant 0 : i32
      %lt3A_1037 = arith.cmpi slt, %select_n3A_1030, %lt3A_1036 : i32
      %ne3A_1038 = arith.xori %lt3A_1035, %lt3A_1037 : i1
      %and3A_1039 = arith.andi %ne3A_1038, %ne3A_1033 : i1
      %add3A_1040 = arith.addi %rem3A_1031, %select_n3A_1030 : i32
      %select_n3A_1041 = arith.select %and3A_1039, %add3A_1040, %rem3A_1031 : i32
      %eq3A_1042 = arith.constant 0 : i32
      %eq3A_1043 = arith.cmpi eq, %select_n3A_1041, %eq3A_1042 : i32
      %convert_element_type3A_1044 = arith.extui %eq3A_1043 : i1 to i32
      %cond3A_1045 = arith.constant 0 : i32
      %cond3A_1046 = arith.cmpi ne, %convert_element_type3A_1044, %cond3A_1045 : i32
      scf.if %cond3A_1046 {
        %add3A_1068 = arith.constant 2 : i32
        %add3A_1069 = arith.addi %mul3A_76, %add3A_1068 : i32
        %ge3A_1070 = arith.cmpi sge, %while3A_1025, %add3A_1069 : i32
        %convert_element_type3A_1071 = arith.extui %ge3A_1070 : i1 to i32
        %cond3A_1072 = arith.constant 0 : i32
        %cond3A_1073 = arith.cmpi ne, %convert_element_type3A_1071, %cond3A_1072 : i32
        scf.if %cond3A_1073 {
          %dma_wait3A_1090 = arith.constant 0 : i32
          %dma_wait3A_1091 = tpu.memref_slice %arg4[%select_n3A_11, %while3A_1025, %dma_wait3A_1090, %multiple_of3A] : memref<8x32x196x768xf32, #tpu.memory_space<hbm>> -> memref<1x1x196x128xf32, #tpu.memory_space<hbm>>
          %dma_wait3A_1092 = tpu.memref_squeeze %dma_wait3A_1091 : memref<1x1x196x128xf32, #tpu.memory_space<hbm>> -> memref<196x128xf32, #tpu.memory_space<hbm>>
          %dma_wait3A_1093 = arith.constant 0 : i32
          %dma_wait3A_1094 = tpu.memref_slice %arg4[%select_n3A_11, %while3A_1025, %dma_wait3A_1093, %multiple_of3A] : memref<8x32x196x768xf32, #tpu.memory_space<hbm>> -> memref<1x1x196x128xf32, #tpu.memory_space<hbm>>
          %dma_wait3A_1095 = tpu.memref_squeeze %dma_wait3A_1094 : memref<1x1x196x128xf32, #tpu.memory_space<hbm>> -> memref<196x128xf32, #tpu.memory_space<hbm>>
          tpu.wait_dma2 semaphore(%arg11 : memref<!tpu.dma_semaphore, #tpu.memory_space<semaphore_mem>>) src(%arg5 : memref<196x128xf32, #tpu.memory_space<vmem>>) dst(%dma_wait3A_1095 : memref<196x128xf32, #tpu.memory_space<hbm>>)
        } else {
        }
        %dma_start3A = arith.constant 0 : i32
        %dma_start3A_1074 = tpu.memref_slice %arg2[%select_n3A_11, %while3A_1025, %dma_start3A, %multiple_of3A] : memref<8x32x196x768xf32, #tpu.memory_space<hbm>> -> memref<1x1x196x128xf32, #tpu.memory_space<hbm>>
        %dma_start3A_1075 = tpu.memref_squeeze %dma_start3A_1074 : memref<1x1x196x128xf32, #tpu.memory_space<hbm>> -> memref<196x128xf32, #tpu.memory_space<hbm>>
        %dma_start3A_1076 = arith.constant 0 : i32
        %dma_start3A_1077 = tpu.memref_slice %arg2[%select_n3A_11, %while3A_1025, %dma_start3A_1076, %multiple_of3A] : memref<8x32x196x768xf32, #tpu.memory_space<hbm>> -> memref<1x1x196x128xf32, #tpu.memory_space<hbm>>
        %dma_start3A_1078 = tpu.memref_squeeze %dma_start3A_1077 : memref<1x1x196x128xf32, #tpu.memory_space<hbm>> -> memref<196x128xf32, #tpu.memory_space<hbm>>
        tpu.enqueue_dma source(%dma_start3A_1078 : memref<196x128xf32, #tpu.memory_space<hbm>>) target(%arg5 : memref<196x128xf32, #tpu.memory_space<vmem>>) target_semaphore(%arg9 : memref<!tpu.dma_semaphore, #tpu.memory_space<semaphore_mem>>)
        %dma_wait3A = arith.constant 0 : i32
        %dma_wait3A_1079 = tpu.memref_slice %arg2[%select_n3A_11, %while3A_1025, %dma_wait3A, %multiple_of3A] : memref<8x32x196x768xf32, #tpu.memory_space<hbm>> -> memref<1x1x196x128xf32, #tpu.memory_space<hbm>>
        %dma_wait3A_1080 = tpu.memref_squeeze %dma_wait3A_1079 : memref<1x1x196x128xf32, #tpu.memory_space<hbm>> -> memref<196x128xf32, #tpu.memory_space<hbm>>
        %dma_wait3A_1081 = arith.constant 0 : i32
        %dma_wait3A_1082 = tpu.memref_slice %arg2[%select_n3A_11, %while3A_1025, %dma_wait3A_1081, %multiple_of3A] : memref<8x32x196x768xf32, #tpu.memory_space<hbm>> -> memref<1x1x196x128xf32, #tpu.memory_space<hbm>>
        %dma_wait3A_1083 = tpu.memref_squeeze %dma_wait3A_1082 : memref<1x1x196x128xf32, #tpu.memory_space<hbm>> -> memref<196x128xf32, #tpu.memory_space<hbm>>
        tpu.wait_dma2 semaphore(%arg9 : memref<!tpu.dma_semaphore, #tpu.memory_space<semaphore_mem>>) src(%dma_wait3A_1083 : memref<196x128xf32, #tpu.memory_space<hbm>>) dst(%arg5 : memref<196x128xf32, #tpu.memory_space<vmem>>)
        %dma_start3A_1084 = arith.constant 0 : i32
        %dma_start3A_1085 = tpu.memref_slice %arg4[%select_n3A_11, %while3A_1025, %dma_start3A_1084, %multiple_of3A] : memref<8x32x196x768xf32, #tpu.memory_space<hbm>> -> memref<1x1x196x128xf32, #tpu.memory_space<hbm>>
        %dma_start3A_1086 = tpu.memref_squeeze %dma_start3A_1085 : memref<1x1x196x128xf32, #tpu.memory_space<hbm>> -> memref<196x128xf32, #tpu.memory_space<hbm>>
        %dma_start3A_1087 = arith.constant 0 : i32
        %dma_start3A_1088 = tpu.memref_slice %arg4[%select_n3A_11, %while3A_1025, %dma_start3A_1087, %multiple_of3A] : memref<8x32x196x768xf32, #tpu.memory_space<hbm>> -> memref<1x1x196x128xf32, #tpu.memory_space<hbm>>
        %dma_start3A_1089 = tpu.memref_squeeze %dma_start3A_1088 : memref<1x1x196x128xf32, #tpu.memory_space<hbm>> -> memref<196x128xf32, #tpu.memory_space<hbm>>
        tpu.enqueue_dma source(%arg5 : memref<196x128xf32, #tpu.memory_space<vmem>>) target(%dma_start3A_1089 : memref<196x128xf32, #tpu.memory_space<hbm>>) target_semaphore(%arg11 : memref<!tpu.dma_semaphore, #tpu.memory_space<semaphore_mem>>)
      } else {
      }
      %jit3A_1047 = arith.constant 2 : i32
      %eq3A_1048 = arith.constant 0 : i32
      %eq3A_1049 = arith.cmpi eq, %jit3A_1047, %eq3A_1048 : i32
      %jit3A_1050 = arith.constant 1 : i32
      %select_n3A_1051 = arith.select %eq3A_1049, %jit3A_1050, %jit3A_1047 : i32
      %rem3A_1052 = arith.remsi %while3A_1025, %select_n3A_1051 : i32
      %ne3A_1053 = arith.constant 0 : i32
      %ne3A_1054 = arith.cmpi ne, %rem3A_1052, %ne3A_1053 : i32
      %lt3A_1055 = arith.constant 0 : i32
      %lt3A_1056 = arith.cmpi slt, %rem3A_1052, %lt3A_1055 : i32
      %lt3A_1057 = arith.constant 0 : i32
      %lt3A_1058 = arith.cmpi slt, %select_n3A_1051, %lt3A_1057 : i32
      %ne3A_1059 = arith.xori %lt3A_1056, %lt3A_1058 : i1
      %and3A_1060 = arith.andi %ne3A_1059, %ne3A_1054 : i1
      %add3A_1061 = arith.addi %rem3A_1052, %select_n3A_1051 : i32
      %select_n3A_1062 = arith.select %and3A_1060, %add3A_1061, %rem3A_1052 : i32
      %eq3A_1063 = arith.constant 1 : i32
      %eq3A_1064 = arith.cmpi eq, %select_n3A_1062, %eq3A_1063 : i32
      %convert_element_type3A_1065 = arith.extui %eq3A_1064 : i1 to i32
      %cond3A_1066 = arith.constant 0 : i32
      %cond3A_1067 = arith.cmpi ne, %convert_element_type3A_1065, %cond3A_1066 : i32
      scf.if %cond3A_1067 {
        %add3A_1068 = arith.constant 2 : i32
        %add3A_1069 = arith.addi %mul3A_76, %add3A_1068 : i32
        %ge3A_1070 = arith.cmpi sge, %while3A_1025, %add3A_1069 : i32
        %convert_element_type3A_1071 = arith.extui %ge3A_1070 : i1 to i32
        %cond3A_1072 = arith.constant 0 : i32
        %cond3A_1073 = arith.cmpi ne, %convert_element_type3A_1071, %cond3A_1072 : i32
        scf.if %cond3A_1073 {
          %dma_wait3A_1090 = arith.constant 0 : i32
          %dma_wait3A_1091 = tpu.memref_slice %arg4[%select_n3A_11, %while3A_1025, %dma_wait3A_1090, %multiple_of3A] : memref<8x32x196x768xf32, #tpu.memory_space<hbm>> -> memref<1x1x196x128xf32, #tpu.memory_space<hbm>>
          %dma_wait3A_1092 = tpu.memref_squeeze %dma_wait3A_1091 : memref<1x1x196x128xf32, #tpu.memory_space<hbm>> -> memref<196x128xf32, #tpu.memory_space<hbm>>
          %dma_wait3A_1093 = arith.constant 0 : i32
          %dma_wait3A_1094 = tpu.memref_slice %arg4[%select_n3A_11, %while3A_1025, %dma_wait3A_1093, %multiple_of3A] : memref<8x32x196x768xf32, #tpu.memory_space<hbm>> -> memref<1x1x196x128xf32, #tpu.memory_space<hbm>>
          %dma_wait3A_1095 = tpu.memref_squeeze %dma_wait3A_1094 : memref<1x1x196x128xf32, #tpu.memory_space<hbm>> -> memref<196x128xf32, #tpu.memory_space<hbm>>
          tpu.wait_dma2 semaphore(%arg12 : memref<!tpu.dma_semaphore, #tpu.memory_space<semaphore_mem>>) src(%arg6 : memref<196x128xf32, #tpu.memory_space<vmem>>) dst(%dma_wait3A_1095 : memref<196x128xf32, #tpu.memory_space<hbm>>)
        } else {
        }
        %dma_start3A = arith.constant 0 : i32
        %dma_start3A_1074 = tpu.memref_slice %arg2[%select_n3A_11, %while3A_1025, %dma_start3A, %multiple_of3A] : memref<8x32x196x768xf32, #tpu.memory_space<hbm>> -> memref<1x1x196x128xf32, #tpu.memory_space<hbm>>
        %dma_start3A_1075 = tpu.memref_squeeze %dma_start3A_1074 : memref<1x1x196x128xf32, #tpu.memory_space<hbm>> -> memref<196x128xf32, #tpu.memory_space<hbm>>
        %dma_start3A_1076 = arith.constant 0 : i32
        %dma_start3A_1077 = tpu.memref_slice %arg2[%select_n3A_11, %while3A_1025, %dma_start3A_1076, %multiple_of3A] : memref<8x32x196x768xf32, #tpu.memory_space<hbm>> -> memref<1x1x196x128xf32, #tpu.memory_space<hbm>>
        %dma_start3A_1078 = tpu.memref_squeeze %dma_start3A_1077 : memref<1x1x196x128xf32, #tpu.memory_space<hbm>> -> memref<196x128xf32, #tpu.memory_space<hbm>>
        tpu.enqueue_dma source(%dma_start3A_1078 : memref<196x128xf32, #tpu.memory_space<hbm>>) target(%arg6 : memref<196x128xf32, #tpu.memory_space<vmem>>) target_semaphore(%arg10 : memref<!tpu.dma_semaphore, #tpu.memory_space<semaphore_mem>>)
        %dma_wait3A = arith.constant 0 : i32
        %dma_wait3A_1079 = tpu.memref_slice %arg2[%select_n3A_11, %while3A_1025, %dma_wait3A, %multiple_of3A] : memref<8x32x196x768xf32, #tpu.memory_space<hbm>> -> memref<1x1x196x128xf32, #tpu.memory_space<hbm>>
        %dma_wait3A_1080 = tpu.memref_squeeze %dma_wait3A_1079 : memref<1x1x196x128xf32, #tpu.memory_space<hbm>> -> memref<196x128xf32, #tpu.memory_space<hbm>>
        %dma_wait3A_1081 = arith.constant 0 : i32
        %dma_wait3A_1082 = tpu.memref_slice %arg2[%select_n3A_11, %while3A_1025, %dma_wait3A_1081, %multiple_of3A] : memref<8x32x196x768xf32, #tpu.memory_space<hbm>> -> memref<1x1x196x128xf32, #tpu.memory_space<hbm>>
        %dma_wait3A_1083 = tpu.memref_squeeze %dma_wait3A_1082 : memref<1x1x196x128xf32, #tpu.memory_space<hbm>> -> memref<196x128xf32, #tpu.memory_space<hbm>>
        tpu.wait_dma2 semaphore(%arg10 : memref<!tpu.dma_semaphore, #tpu.memory_space<semaphore_mem>>) src(%dma_wait3A_1083 : memref<196x128xf32, #tpu.memory_space<hbm>>) dst(%arg6 : memref<196x128xf32, #tpu.memory_space<vmem>>)
        %dma_start3A_1084 = arith.constant 0 : i32
        %dma_start3A_1085 = tpu.memref_slice %arg4[%select_n3A_11, %while3A_1025, %dma_start3A_1084, %multiple_of3A] : memref<8x32x196x768xf32, #tpu.memory_space<hbm>> -> memref<1x1x196x128xf32, #tpu.memory_space<hbm>>
        %dma_start3A_1086 = tpu.memref_squeeze %dma_start3A_1085 : memref<1x1x196x128xf32, #tpu.memory_space<hbm>> -> memref<196x128xf32, #tpu.memory_space<hbm>>
        %dma_start3A_1087 = arith.constant 0 : i32
        %dma_start3A_1088 = tpu.memref_slice %arg4[%select_n3A_11, %while3A_1025, %dma_start3A_1087, %multiple_of3A] : memref<8x32x196x768xf32, #tpu.memory_space<hbm>> -> memref<1x1x196x128xf32, #tpu.memory_space<hbm>>
        %dma_start3A_1089 = tpu.memref_squeeze %dma_start3A_1088 : memref<1x1x196x128xf32, #tpu.memory_space<hbm>> -> memref<196x128xf32, #tpu.memory_space<hbm>>
        tpu.enqueue_dma source(%arg6 : memref<196x128xf32, #tpu.memory_space<vmem>>) target(%dma_start3A_1089 : memref<196x128xf32, #tpu.memory_space<hbm>>) target_semaphore(%arg12 : memref<!tpu.dma_semaphore, #tpu.memory_space<semaphore_mem>>)
      } else {
      }
    }
    %while3A_171 = arith.constant 1 : i32
    scf.for %while3A_1025 = %while3A_169 to %while3A_165 step %while3A_171  : i32 {
      %jit3A_1026 = arith.constant 2 : i32
      %eq3A_1027 = arith.constant 0 : i32
      %eq3A_1028 = arith.cmpi eq, %jit3A_1026, %eq3A_1027 : i32
      %jit3A_1029 = arith.constant 1 : i32
      %select_n3A_1030 = arith.select %eq3A_1028, %jit3A_1029, %jit3A_1026 : i32
      %rem3A_1031 = arith.remsi %while3A_1025, %select_n3A_1030 : i32
      %ne3A_1032 = arith.constant 0 : i32
      %ne3A_1033 = arith.cmpi ne, %rem3A_1031, %ne3A_1032 : i32
      %lt3A_1034 = arith.constant 0 : i32
      %lt3A_1035 = arith.cmpi slt, %rem3A_1031, %lt3A_1034 : i32
      %lt3A_1036 = arith.constant 0 : i32
      %lt3A_1037 = arith.cmpi slt, %select_n3A_1030, %lt3A_1036 : i32
      %ne3A_1038 = arith.xori %lt3A_1035, %lt3A_1037 : i1
      %and3A_1039 = arith.andi %ne3A_1038, %ne3A_1033 : i1
      %add3A_1040 = arith.addi %rem3A_1031, %select_n3A_1030 : i32
      %select_n3A_1041 = arith.select %and3A_1039, %add3A_1040, %rem3A_1031 : i32
      %eq3A_1042 = arith.constant 0 : i32
      %eq3A_1043 = arith.cmpi eq, %select_n3A_1041, %eq3A_1042 : i32
      %convert_element_type3A_1044 = arith.extui %eq3A_1043 : i1 to i32
      %cond3A_1045 = arith.constant 0 : i32
      %cond3A_1046 = arith.cmpi ne, %convert_element_type3A_1044, %cond3A_1045 : i32
      scf.if %cond3A_1046 {
        %add3A_1068 = arith.constant 2 : i32
        %add3A_1069 = arith.addi %mul3A_76, %add3A_1068 : i32
        %ge3A_1070 = arith.cmpi sge, %while3A_1025, %add3A_1069 : i32
        %convert_element_type3A_1071 = arith.extui %ge3A_1070 : i1 to i32
        %cond3A_1072 = arith.constant 0 : i32
        %cond3A_1073 = arith.cmpi ne, %convert_element_type3A_1071, %cond3A_1072 : i32
        scf.if %cond3A_1073 {
          %dma_wait3A_1090 = arith.constant 0 : i32
          %dma_wait3A_1091 = tpu.memref_slice %arg4[%select_n3A_11, %while3A_1025, %dma_wait3A_1090, %multiple_of3A] : memref<8x32x196x768xf32, #tpu.memory_space<hbm>> -> memref<1x1x196x128xf32, #tpu.memory_space<hbm>>
          %dma_wait3A_1092 = tpu.memref_squeeze %dma_wait3A_1091 : memref<1x1x196x128xf32, #tpu.memory_space<hbm>> -> memref<196x128xf32, #tpu.memory_space<hbm>>
          %dma_wait3A_1093 = arith.constant 0 : i32
          %dma_wait3A_1094 = tpu.memref_slice %arg4[%select_n3A_11, %while3A_1025, %dma_wait3A_1093, %multiple_of3A] : memref<8x32x196x768xf32, #tpu.memory_space<hbm>> -> memref<1x1x196x128xf32, #tpu.memory_space<hbm>>
          %dma_wait3A_1095 = tpu.memref_squeeze %dma_wait3A_1094 : memref<1x1x196x128xf32, #tpu.memory_space<hbm>> -> memref<196x128xf32, #tpu.memory_space<hbm>>
          tpu.wait_dma2 semaphore(%arg11 : memref<!tpu.dma_semaphore, #tpu.memory_space<semaphore_mem>>) src(%arg5 : memref<196x128xf32, #tpu.memory_space<vmem>>) dst(%dma_wait3A_1095 : memref<196x128xf32, #tpu.memory_space<hbm>>)
        } else {
        }
        %dma_start3A = arith.constant 0 : i32
        %dma_start3A_1074 = tpu.memref_slice %arg2[%select_n3A_11, %while3A_1025, %dma_start3A, %multiple_of3A] : memref<8x32x196x768xf32, #tpu.memory_space<hbm>> -> memref<1x1x196x128xf32, #tpu.memory_space<hbm>>
        %dma_start3A_1075 = tpu.memref_squeeze %dma_start3A_1074 : memref<1x1x196x128xf32, #tpu.memory_space<hbm>> -> memref<196x128xf32, #tpu.memory_space<hbm>>
        %dma_start3A_1076 = arith.constant 0 : i32
        %dma_start3A_1077 = tpu.memref_slice %arg2[%select_n3A_11, %while3A_1025, %dma_start3A_1076, %multiple_of3A] : memref<8x32x196x768xf32, #tpu.memory_space<hbm>> -> memref<1x1x196x128xf32, #tpu.memory_space<hbm>>
        %dma_start3A_1078 = tpu.memref_squeeze %dma_start3A_1077 : memref<1x1x196x128xf32, #tpu.memory_space<hbm>> -> memref<196x128xf32, #tpu.memory_space<hbm>>
        tpu.enqueue_dma source(%dma_start3A_1078 : memref<196x128xf32, #tpu.memory_space<hbm>>) target(%arg5 : memref<196x128xf32, #tpu.memory_space<vmem>>) target_semaphore(%arg9 : memref<!tpu.dma_semaphore, #tpu.memory_space<semaphore_mem>>)
        %dma_wait3A = arith.constant 0 : i32
        %dma_wait3A_1079 = tpu.memref_slice %arg2[%select_n3A_11, %while3A_1025, %dma_wait3A, %multiple_of3A] : memref<8x32x196x768xf32, #tpu.memory_space<hbm>> -> memref<1x1x196x128xf32, #tpu.memory_space<hbm>>
        %dma_wait3A_1080 = tpu.memref_squeeze %dma_wait3A_1079 : memref<1x1x196x128xf32, #tpu.memory_space<hbm>> -> memref<196x128xf32, #tpu.memory_space<hbm>>
        %dma_wait3A_1081 = arith.constant 0 : i32
        %dma_wait3A_1082 = tpu.memref_slice %arg2[%select_n3A_11, %while3A_1025, %dma_wait3A_1081, %multiple_of3A] : memref<8x32x196x768xf32, #tpu.memory_space<hbm>> -> memref<1x1x196x128xf32, #tpu.memory_space<hbm>>
        %dma_wait3A_1083 = tpu.memref_squeeze %dma_wait3A_1082 : memref<1x1x196x128xf32, #tpu.memory_space<hbm>> -> memref<196x128xf32, #tpu.memory_space<hbm>>
        tpu.wait_dma2 semaphore(%arg9 : memref<!tpu.dma_semaphore, #tpu.memory_space<semaphore_mem>>) src(%dma_wait3A_1083 : memref<196x128xf32, #tpu.memory_space<hbm>>) dst(%arg5 : memref<196x128xf32, #tpu.memory_space<vmem>>)
        %dma_start3A_1084 = arith.constant 0 : i32
        %dma_start3A_1085 = tpu.memref_slice %arg4[%select_n3A_11, %while3A_1025, %dma_start3A_1084, %multiple_of3A] : memref<8x32x196x768xf32, #tpu.memory_space<hbm>> -> memref<1x1x196x128xf32, #tpu.memory_space<hbm>>
        %dma_start3A_1086 = tpu.memref_squeeze %dma_start3A_1085 : memref<1x1x196x128xf32, #tpu.memory_space<hbm>> -> memref<196x128xf32, #tpu.memory_space<hbm>>
        %dma_start3A_1087 = arith.constant 0 : i32
        %dma_start3A_1088 = tpu.memref_slice %arg4[%select_n3A_11, %while3A_1025, %dma_start3A_1087, %multiple_of3A] : memref<8x32x196x768xf32, #tpu.memory_space<hbm>> -> memref<1x1x196x128xf32, #tpu.memory_space<hbm>>
        %dma_start3A_1089 = tpu.memref_squeeze %dma_start3A_1088 : memref<1x1x196x128xf32, #tpu.memory_space<hbm>> -> memref<196x128xf32, #tpu.memory_space<hbm>>
        tpu.enqueue_dma source(%arg5 : memref<196x128xf32, #tpu.memory_space<vmem>>) target(%dma_start3A_1089 : memref<196x128xf32, #tpu.memory_space<hbm>>) target_semaphore(%arg11 : memref<!tpu.dma_semaphore, #tpu.memory_space<semaphore_mem>>)
      } else {
      }
      %jit3A_1047 = arith.constant 2 : i32
      %eq3A_1048 = arith.constant 0 : i32
      %eq3A_1049 = arith.cmpi eq, %jit3A_1047, %eq3A_1048 : i32
      %jit3A_1050 = arith.constant 1 : i32
      %select_n3A_1051 = arith.select %eq3A_1049, %jit3A_1050, %jit3A_1047 : i32
      %rem3A_1052 = arith.remsi %while3A_1025, %select_n3A_1051 : i32
      %ne3A_1053 = arith.constant 0 : i32
      %ne3A_1054 = arith.cmpi ne, %rem3A_1052, %ne3A_1053 : i32
      %lt3A_1055 = arith.constant 0 : i32
      %lt3A_1056 = arith.cmpi slt, %rem3A_1052, %lt3A_1055 : i32
      %lt3A_1057 = arith.constant 0 : i32
      %lt3A_1058 = arith.cmpi slt, %select_n3A_1051, %lt3A_1057 : i32
      %ne3A_1059 = arith.xori %lt3A_1056, %lt3A_1058 : i1
      %and3A_1060 = arith.andi %ne3A_1059, %ne3A_1054 : i1
      %add3A_1061 = arith.addi %rem3A_1052, %select_n3A_1051 : i32
      %select_n3A_1062 = arith.select %and3A_1060, %add3A_1061, %rem3A_1052 : i32
      %eq3A_1063 = arith.constant 1 : i32
      %eq3A_1064 = arith.cmpi eq, %select_n3A_1062, %eq3A_1063 : i32
      %convert_element_type3A_1065 = arith.extui %eq3A_1064 : i1 to i32
      %cond3A_1066 = arith.constant 0 : i32
      %cond3A_1067 = arith.cmpi ne, %convert_element_type3A_1065, %cond3A_1066 : i32
      scf.if %cond3A_1067 {
        %add3A_1068 = arith.constant 2 : i32
        %add3A_1069 = arith.addi %mul3A_76, %add3A_1068 : i32
        %ge3A_1070 = arith.cmpi sge, %while3A_1025, %add3A_1069 : i32
        %convert_element_type3A_1071 = arith.extui %ge3A_1070 : i1 to i32
        %cond3A_1072 = arith.constant 0 : i32
        %cond3A_1073 = arith.cmpi ne, %convert_element_type3A_1071, %cond3A_1072 : i32
        scf.if %cond3A_1073 {
          %dma_wait3A_1090 = arith.constant 0 : i32
          %dma_wait3A_1091 = tpu.memref_slice %arg4[%select_n3A_11, %while3A_1025, %dma_wait3A_1090, %multiple_of3A] : memref<8x32x196x768xf32, #tpu.memory_space<hbm>> -> memref<1x1x196x128xf32, #tpu.memory_space<hbm>>
          %dma_wait3A_1092 = tpu.memref_squeeze %dma_wait3A_1091 : memref<1x1x196x128xf32, #tpu.memory_space<hbm>> -> memref<196x128xf32, #tpu.memory_space<hbm>>
          %dma_wait3A_1093 = arith.constant 0 : i32
          %dma_wait3A_1094 = tpu.memref_slice %arg4[%select_n3A_11, %while3A_1025, %dma_wait3A_1093, %multiple_of3A] : memref<8x32x196x768xf32, #tpu.memory_space<hbm>> -> memref<1x1x196x128xf32, #tpu.memory_space<hbm>>
          %dma_wait3A_1095 = tpu.memref_squeeze %dma_wait3A_1094 : memref<1x1x196x128xf32, #tpu.memory_space<hbm>> -> memref<196x128xf32, #tpu.memory_space<hbm>>
          tpu.wait_dma2 semaphore(%arg12 : memref<!tpu.dma_semaphore, #tpu.memory_space<semaphore_mem>>) src(%arg6 : memref<196x128xf32, #tpu.memory_space<vmem>>) dst(%dma_wait3A_1095 : memref<196x128xf32, #tpu.memory_space<hbm>>)
        } else {
        }
        %dma_start3A = arith.constant 0 : i32
        %dma_start3A_1074 = tpu.memref_slice %arg2[%select_n3A_11, %while3A_1025, %dma_start3A, %multiple_of3A] : memref<8x32x196x768xf32, #tpu.memory_space<hbm>> -> memref<1x1x196x128xf32, #tpu.memory_space<hbm>>
        %dma_start3A_1075 = tpu.memref_squeeze %dma_start3A_1074 : memref<1x1x196x128xf32, #tpu.memory_space<hbm>> -> memref<196x128xf32, #tpu.memory_space<hbm>>
        %dma_start3A_1076 = arith.constant 0 : i32
        %dma_start3A_1077 = tpu.memref_slice %arg2[%select_n3A_11, %while3A_1025, %dma_start3A_1076, %multiple_of3A] : memref<8x32x196x768xf32, #tpu.memory_space<hbm>> -> memref<1x1x196x128xf32, #tpu.memory_space<hbm>>
        %dma_start3A_1078 = tpu.memref_squeeze %dma_start3A_1077 : memref<1x1x196x128xf32, #tpu.memory_space<hbm>> -> memref<196x128xf32, #tpu.memory_space<hbm>>
        tpu.enqueue_dma source(%dma_start3A_1078 : memref<196x128xf32, #tpu.memory_space<hbm>>) target(%arg6 : memref<196x128xf32, #tpu.memory_space<vmem>>) target_semaphore(%arg10 : memref<!tpu.dma_semaphore, #tpu.memory_space<semaphore_mem>>)
        %dma_wait3A = arith.constant 0 : i32
        %dma_wait3A_1079 = tpu.memref_slice %arg2[%select_n3A_11, %while3A_1025, %dma_wait3A, %multiple_of3A] : memref<8x32x196x768xf32, #tpu.memory_space<hbm>> -> memref<1x1x196x128xf32, #tpu.memory_space<hbm>>
        %dma_wait3A_1080 = tpu.memref_squeeze %dma_wait3A_1079 : memref<1x1x196x128xf32, #tpu.memory_space<hbm>> -> memref<196x128xf32, #tpu.memory_space<hbm>>
        %dma_wait3A_1081 = arith.constant 0 : i32
        %dma_wait3A_1082 = tpu.memref_slice %arg2[%select_n3A_11, %while3A_1025, %dma_wait3A_1081, %multiple_of3A] : memref<8x32x196x768xf32, #tpu.memory_space<hbm>> -> memref<1x1x196x128xf32, #tpu.memory_space<hbm>>
        %dma_wait3A_1083 = tpu.memref_squeeze %dma_wait3A_1082 : memref<1x1x196x128xf32, #tpu.memory_space<hbm>> -> memref<196x128xf32, #tpu.memory_space<hbm>>
        tpu.wait_dma2 semaphore(%arg10 : memref<!tpu.dma_semaphore, #tpu.memory_space<semaphore_mem>>) src(%dma_wait3A_1083 : memref<196x128xf32, #tpu.memory_space<hbm>>) dst(%arg6 : memref<196x128xf32, #tpu.memory_space<vmem>>)
        %dma_start3A_1084 = arith.constant 0 : i32
        %dma_start3A_1085 = tpu.memref_slice %arg4[%select_n3A_11, %while3A_1025, %dma_start3A_1084, %multiple_of3A] : memref<8x32x196x768xf32, #tpu.memory_space<hbm>> -> memref<1x1x196x128xf32, #tpu.memory_space<hbm>>
        %dma_start3A_1086 = tpu.memref_squeeze %dma_start3A_1085 : memref<1x1x196x128xf32, #tpu.memory_space<hbm>> -> memref<196x128xf32, #tpu.memory_space<hbm>>
        %dma_start3A_1087 = arith.constant 0 : i32
        %dma_start3A_1088 = tpu.memref_slice %arg4[%select_n3A_11, %while3A_1025, %dma_start3A_1087, %multiple_of3A] : memref<8x32x196x768xf32, #tpu.memory_space<hbm>> -> memref<1x1x196x128xf32, #tpu.memory_space<hbm>>
        %dma_start3A_1089 = tpu.memref_squeeze %dma_start3A_1088 : memref<1x1x196x128xf32, #tpu.memory_space<hbm>> -> memref<196x128xf32, #tpu.memory_space<hbm>>
        tpu.enqueue_dma source(%arg6 : memref<196x128xf32, #tpu.memory_space<vmem>>) target(%dma_start3A_1089 : memref<196x128xf32, #tpu.memory_space<hbm>>) target_semaphore(%arg12 : memref<!tpu.dma_semaphore, #tpu.memory_space<semaphore_mem>>)
      } else {
      }
    }
    %sub3A_172 = arith.subi %min3A, %mul3A_76 : i32
    %sub3A_173 = arith.constant 1 : i32
    %sub3A_174 = arith.subi %min3A, %sub3A_173 : i32
    %jit3A_175 = arith.constant 2 : i32
    %eq3A_176 = arith.constant 0 : i32
    %eq3A_177 = arith.cmpi eq, %jit3A_175, %eq3A_176 : i32
    %jit3A_178 = arith.constant 1 : i32
    %select_n3A_179 = arith.select %eq3A_177, %jit3A_178, %jit3A_175 : i32
    %rem3A_180 = arith.remsi %sub3A_174, %select_n3A_179 : i32
    %ne3A_181 = arith.constant 0 : i32
    %ne3A_182 = arith.cmpi ne, %rem3A_180, %ne3A_181 : i32
    %lt3A_183 = arith.constant 0 : i32
    %lt3A_184 = arith.cmpi slt, %rem3A_180, %lt3A_183 : i32
    %lt3A_185 = arith.constant 0 : i32
    %lt3A_186 = arith.cmpi slt, %select_n3A_179, %lt3A_185 : i32
    %ne3A_187 = arith.xori %lt3A_184, %lt3A_186 : i1
    %and3A_188 = arith.andi %ne3A_187, %ne3A_182 : i1
    %add3A_189 = arith.addi %rem3A_180, %select_n3A_179 : i32
    %select_n3A_190 = arith.select %and3A_188, %add3A_189, %rem3A_180 : i32
    %ge3A = arith.constant 1 : i32
    %ge3A_191 = arith.cmpi sge, %sub3A_172, %ge3A : i32
    %convert_element_type3A = arith.extui %ge3A_191 : i1 to i32
    %cond3A = arith.constant 0 : i32
    %cond3A_192 = arith.cmpi ne, %convert_element_type3A, %cond3A : i32
    scf.if %cond3A_192 {
      %eq3A_1025 = arith.constant 0 : i32
      %eq3A_1026 = arith.cmpi eq, %select_n3A_190, %eq3A_1025 : i32
      %convert_element_type3A_1027 = arith.extui %eq3A_1026 : i1 to i32
      %cond3A_1028 = arith.constant 0 : i32
      %cond3A_1029 = arith.cmpi ne, %convert_element_type3A_1027, %cond3A_1028 : i32
      scf.if %cond3A_1029 {
        %dma_wait3A = arith.constant 0 : i32
        %dma_wait3A_1035 = tpu.memref_slice %arg4[%select_n3A_11, %mul3A_76, %dma_wait3A, %multiple_of3A] : memref<8x32x196x768xf32, #tpu.memory_space<hbm>> -> memref<1x1x196x128xf32, #tpu.memory_space<hbm>>
        %dma_wait3A_1036 = tpu.memref_squeeze %dma_wait3A_1035 : memref<1x1x196x128xf32, #tpu.memory_space<hbm>> -> memref<196x128xf32, #tpu.memory_space<hbm>>
        %dma_wait3A_1037 = arith.constant 0 : i32
        %dma_wait3A_1038 = tpu.memref_slice %arg4[%select_n3A_11, %mul3A_76, %dma_wait3A_1037, %multiple_of3A] : memref<8x32x196x768xf32, #tpu.memory_space<hbm>> -> memref<1x1x196x128xf32, #tpu.memory_space<hbm>>
        %dma_wait3A_1039 = tpu.memref_squeeze %dma_wait3A_1038 : memref<1x1x196x128xf32, #tpu.memory_space<hbm>> -> memref<196x128xf32, #tpu.memory_space<hbm>>
        tpu.wait_dma2 semaphore(%arg11 : memref<!tpu.dma_semaphore, #tpu.memory_space<semaphore_mem>>) src(%arg5 : memref<196x128xf32, #tpu.memory_space<vmem>>) dst(%dma_wait3A_1039 : memref<196x128xf32, #tpu.memory_space<hbm>>)
      } else {
      }
      %eq3A_1030 = arith.constant 1 : i32
      %eq3A_1031 = arith.cmpi eq, %select_n3A_190, %eq3A_1030 : i32
      %convert_element_type3A_1032 = arith.extui %eq3A_1031 : i1 to i32
      %cond3A_1033 = arith.constant 0 : i32
      %cond3A_1034 = arith.cmpi ne, %convert_element_type3A_1032, %cond3A_1033 : i32
      scf.if %cond3A_1034 {
        %dma_wait3A = arith.constant 0 : i32
        %dma_wait3A_1035 = tpu.memref_slice %arg4[%select_n3A_11, %mul3A_76, %dma_wait3A, %multiple_of3A] : memref<8x32x196x768xf32, #tpu.memory_space<hbm>> -> memref<1x1x196x128xf32, #tpu.memory_space<hbm>>
        %dma_wait3A_1036 = tpu.memref_squeeze %dma_wait3A_1035 : memref<1x1x196x128xf32, #tpu.memory_space<hbm>> -> memref<196x128xf32, #tpu.memory_space<hbm>>
        %dma_wait3A_1037 = arith.constant 0 : i32
        %dma_wait3A_1038 = tpu.memref_slice %arg4[%select_n3A_11, %mul3A_76, %dma_wait3A_1037, %multiple_of3A] : memref<8x32x196x768xf32, #tpu.memory_space<hbm>> -> memref<1x1x196x128xf32, #tpu.memory_space<hbm>>
        %dma_wait3A_1039 = tpu.memref_squeeze %dma_wait3A_1038 : memref<1x1x196x128xf32, #tpu.memory_space<hbm>> -> memref<196x128xf32, #tpu.memory_space<hbm>>
        tpu.wait_dma2 semaphore(%arg12 : memref<!tpu.dma_semaphore, #tpu.memory_space<semaphore_mem>>) src(%arg6 : memref<196x128xf32, #tpu.memory_space<vmem>>) dst(%dma_wait3A_1039 : memref<196x128xf32, #tpu.memory_space<hbm>>)
      } else {
      }
    } else {
    }
    %ge3A_193 = arith.constant 2 : i32
    %ge3A_194 = arith.cmpi sge, %sub3A_172, %ge3A_193 : i32
    %convert_element_type3A_195 = arith.extui %ge3A_194 : i1 to i32
    %cond3A_196 = arith.constant 0 : i32
    %cond3A_197 = arith.cmpi ne, %convert_element_type3A_195, %cond3A_196 : i32
    scf.if %cond3A_197 {
      %eq3A_1025 = arith.constant 0 : i32
      %eq3A_1026 = arith.cmpi eq, %select_n3A_190, %eq3A_1025 : i32
      %convert_element_type3A_1027 = arith.extui %eq3A_1026 : i1 to i32
      %cond3A_1028 = arith.constant 0 : i32
      %cond3A_1029 = arith.cmpi ne, %convert_element_type3A_1027, %cond3A_1028 : i32
      scf.if %cond3A_1029 {
        %dma_wait3A = arith.constant 0 : i32
        %dma_wait3A_1035 = tpu.memref_slice %arg4[%select_n3A_11, %mul3A_76, %dma_wait3A, %multiple_of3A] : memref<8x32x196x768xf32, #tpu.memory_space<hbm>> -> memref<1x1x196x128xf32, #tpu.memory_space<hbm>>
        %dma_wait3A_1036 = tpu.memref_squeeze %dma_wait3A_1035 : memref<1x1x196x128xf32, #tpu.memory_space<hbm>> -> memref<196x128xf32, #tpu.memory_space<hbm>>
        %dma_wait3A_1037 = arith.constant 0 : i32
        %dma_wait3A_1038 = tpu.memref_slice %arg4[%select_n3A_11, %mul3A_76, %dma_wait3A_1037, %multiple_of3A] : memref<8x32x196x768xf32, #tpu.memory_space<hbm>> -> memref<1x1x196x128xf32, #tpu.memory_space<hbm>>
        %dma_wait3A_1039 = tpu.memref_squeeze %dma_wait3A_1038 : memref<1x1x196x128xf32, #tpu.memory_space<hbm>> -> memref<196x128xf32, #tpu.memory_space<hbm>>
        tpu.wait_dma2 semaphore(%arg12 : memref<!tpu.dma_semaphore, #tpu.memory_space<semaphore_mem>>) src(%arg6 : memref<196x128xf32, #tpu.memory_space<vmem>>) dst(%dma_wait3A_1039 : memref<196x128xf32, #tpu.memory_space<hbm>>)
      } else {
      }
      %eq3A_1030 = arith.constant 1 : i32
      %eq3A_1031 = arith.cmpi eq, %select_n3A_190, %eq3A_1030 : i32
      %convert_element_type3A_1032 = arith.extui %eq3A_1031 : i1 to i32
      %cond3A_1033 = arith.constant 0 : i32
      %cond3A_1034 = arith.cmpi ne, %convert_element_type3A_1032, %cond3A_1033 : i32
      scf.if %cond3A_1034 {
        %dma_wait3A = arith.constant 0 : i32
        %dma_wait3A_1035 = tpu.memref_slice %arg4[%select_n3A_11, %mul3A_76, %dma_wait3A, %multiple_of3A] : memref<8x32x196x768xf32, #tpu.memory_space<hbm>> -> memref<1x1x196x128xf32, #tpu.memory_space<hbm>>
        %dma_wait3A_1036 = tpu.memref_squeeze %dma_wait3A_1035 : memref<1x1x196x128xf32, #tpu.memory_space<hbm>> -> memref<196x128xf32, #tpu.memory_space<hbm>>
        %dma_wait3A_1037 = arith.constant 0 : i32
        %dma_wait3A_1038 = tpu.memref_slice %arg4[%select_n3A_11, %mul3A_76, %dma_wait3A_1037, %multiple_of3A] : memref<8x32x196x768xf32, #tpu.memory_space<hbm>> -> memref<1x1x196x128xf32, #tpu.memory_space<hbm>>
        %dma_wait3A_1039 = tpu.memref_squeeze %dma_wait3A_1038 : memref<1x1x196x128xf32, #tpu.memory_space<hbm>> -> memref<196x128xf32, #tpu.memory_space<hbm>>
        tpu.wait_dma2 semaphore(%arg11 : memref<!tpu.dma_semaphore, #tpu.memory_space<semaphore_mem>>) src(%arg5 : memref<196x128xf32, #tpu.memory_space<vmem>>) dst(%dma_wait3A_1039 : memref<196x128xf32, #tpu.memory_space<hbm>>)
      } else {
      }
    } else {
    }
    %add3A_198 = arith.constant 32 : i32
    %add3A_199 = arith.addi %add3A, %add3A_198 : i32
    %jit3A_200 = arith.constant 8 : i32
    %eq3A_201 = arith.constant 0 : i32
    %eq3A_202 = arith.cmpi eq, %jit3A_200, %eq3A_201 : i32
    %jit3A_203 = arith.constant 1 : i32
    %select_n3A_204 = arith.select %eq3A_202, %jit3A_203, %jit3A_200 : i32
    %rem3A_205 = arith.remsi %add3A_199, %select_n3A_204 : i32
    %ne3A_206 = arith.constant 0 : i32
    %ne3A_207 = arith.cmpi ne, %rem3A_205, %ne3A_206 : i32
    %lt3A_208 = arith.constant 0 : i32
    %lt3A_209 = arith.cmpi slt, %rem3A_205, %lt3A_208 : i32
    %lt3A_210 = arith.constant 0 : i32
    %lt3A_211 = arith.cmpi slt, %select_n3A_204, %lt3A_210 : i32
    %ne3A_212 = arith.xori %lt3A_209, %lt3A_211 : i1
    %and3A_213 = arith.andi %ne3A_212, %ne3A_207 : i1
    %add3A_214 = arith.addi %rem3A_205, %select_n3A_204 : i32
    %select_n3A_215 = arith.select %and3A_213, %add3A_214, %rem3A_205 : i32
    %jit3A_216 = arith.constant 8 : i32
    %div3A_217 = arith.divsi %add3A_199, %jit3A_216 : i32
    %sign3A_218 = arith.constant 0 : i32
    %sign3A_219 = arith.cmpi sgt, %add3A_199, %sign3A_218 : i32
    %sign3A_220 = arith.extui %sign3A_219 : i1 to i32
    %sign3A_221 = arith.constant 0 : i32
    %sign3A_222 = arith.cmpi slt, %add3A_199, %sign3A_221 : i32
    %sign3A_223 = arith.extui %sign3A_222 : i1 to i32
    %sign3A_224 = arith.subi %sign3A_220, %sign3A_223 : i32
    %sign3A_225 = arith.constant 0 : i32
    %sign3A_226 = arith.cmpi sgt, %jit3A_216, %sign3A_225 : i32
    %sign3A_227 = arith.extui %sign3A_226 : i1 to i32
    %sign3A_228 = arith.constant 0 : i32
    %sign3A_229 = arith.cmpi slt, %jit3A_216, %sign3A_228 : i32
    %sign3A_230 = arith.extui %sign3A_229 : i1 to i32
    %sign3A_231 = arith.subi %sign3A_227, %sign3A_230 : i32
    %ne3A_232 = arith.cmpi ne, %sign3A_224, %sign3A_231 : i32
    %rem3A_233 = arith.remsi %add3A_199, %jit3A_216 : i32
    %ne3A_234 = arith.constant 0 : i32
    %ne3A_235 = arith.cmpi ne, %rem3A_233, %ne3A_234 : i32
    %and3A_236 = arith.andi %ne3A_232, %ne3A_235 : i1
    %sub3A_237 = arith.constant 1 : i32
    %sub3A_238 = arith.subi %div3A_217, %sub3A_237 : i32
    %select_n3A_239 = arith.select %and3A_236, %sub3A_238, %div3A_217 : i32
    %jit3A_240 = arith.constant 6 : i32
    %eq3A_241 = arith.constant 0 : i32
    %eq3A_242 = arith.cmpi eq, %jit3A_240, %eq3A_241 : i32
    %jit3A_243 = arith.constant 1 : i32
    %select_n3A_244 = arith.select %eq3A_242, %jit3A_243, %jit3A_240 : i32
    %rem3A_245 = arith.remsi %select_n3A_239, %select_n3A_244 : i32
    %ne3A_246 = arith.constant 0 : i32
    %ne3A_247 = arith.cmpi ne, %rem3A_245, %ne3A_246 : i32
    %lt3A_248 = arith.constant 0 : i32
    %lt3A_249 = arith.cmpi slt, %rem3A_245, %lt3A_248 : i32
    %lt3A_250 = arith.constant 0 : i32
    %lt3A_251 = arith.cmpi slt, %select_n3A_244, %lt3A_250 : i32
    %ne3A_252 = arith.xori %lt3A_249, %lt3A_251 : i1
    %and3A_253 = arith.andi %ne3A_252, %ne3A_247 : i1
    %add3A_254 = arith.addi %rem3A_245, %select_n3A_244 : i32
    %select_n3A_255 = arith.select %and3A_253, %add3A_254, %rem3A_245 : i32
    %mul3A_256 = arith.constant 128 : i32
    %mul3A_257 = arith.muli %select_n3A_255, %mul3A_256 : i32
    %multiple_of3A_258 = tpu.assume_multiple %mul3A_257, 128 : i32
    %jit3A_259 = arith.constant 6 : i32
    %div3A_260 = arith.divsi %select_n3A_239, %jit3A_259 : i32
    %sign3A_261 = arith.constant 0 : i32
    %sign3A_262 = arith.cmpi sgt, %select_n3A_239, %sign3A_261 : i32
    %sign3A_263 = arith.extui %sign3A_262 : i1 to i32
    %sign3A_264 = arith.constant 0 : i32
    %sign3A_265 = arith.cmpi slt, %select_n3A_239, %sign3A_264 : i32
    %sign3A_266 = arith.extui %sign3A_265 : i1 to i32
    %sign3A_267 = arith.subi %sign3A_263, %sign3A_266 : i32
    %sign3A_268 = arith.constant 0 : i32
    %sign3A_269 = arith.cmpi sgt, %jit3A_259, %sign3A_268 : i32
    %sign3A_270 = arith.extui %sign3A_269 : i1 to i32
    %sign3A_271 = arith.constant 0 : i32
    %sign3A_272 = arith.cmpi slt, %jit3A_259, %sign3A_271 : i32
    %sign3A_273 = arith.extui %sign3A_272 : i1 to i32
    %sign3A_274 = arith.subi %sign3A_270, %sign3A_273 : i32
    %ne3A_275 = arith.cmpi ne, %sign3A_267, %sign3A_274 : i32
    %rem3A_276 = arith.remsi %select_n3A_239, %jit3A_259 : i32
    %ne3A_277 = arith.constant 0 : i32
    %ne3A_278 = arith.cmpi ne, %rem3A_276, %ne3A_277 : i32
    %and3A_279 = arith.andi %ne3A_275, %ne3A_278 : i1
    %sub3A_280 = arith.constant 1 : i32
    %sub3A_281 = arith.subi %div3A_260, %sub3A_280 : i32
    %select_n3A_282 = arith.select %and3A_279, %sub3A_281, %div3A_260 : i32
    %mul3A_283 = arith.constant 16 : i32
    %mul3A_284 = arith.muli %select_n3A_282, %mul3A_283 : i32
    %eq3A_285 = arith.constant 1 : i32
    %eq3A_286 = arith.cmpi eq, %select_n3A_215, %eq3A_285 : i32
    %jit3A_287 = arith.constant 22 : i32
    %jit3A_288 = arith.constant 5 : i32
    %select_n3A_289 = arith.select %eq3A_286, %jit3A_287, %jit3A_288 : i32
    %eq3A_290 = arith.constant 2 : i32
    %eq3A_291 = arith.cmpi eq, %select_n3A_215, %eq3A_290 : i32
    %jit3A_292 = arith.constant 30 : i32
    %select_n3A_293 = arith.select %eq3A_291, %jit3A_292, %select_n3A_289 : i32
    %eq3A_294 = arith.constant 3 : i32
    %eq3A_295 = arith.cmpi eq, %select_n3A_215, %eq3A_294 : i32
    %jit3A_296 = arith.constant 12 : i32
    %select_n3A_297 = arith.select %eq3A_295, %jit3A_296, %select_n3A_293 : i32
    %eq3A_298 = arith.constant 4 : i32
    %eq3A_299 = arith.cmpi eq, %select_n3A_215, %eq3A_298 : i32
    %jit3A_300 = arith.constant 11 : i32
    %select_n3A_301 = arith.select %eq3A_299, %jit3A_300, %select_n3A_297 : i32
    %eq3A_302 = arith.constant 5 : i32
    %eq3A_303 = arith.cmpi eq, %select_n3A_215, %eq3A_302 : i32
    %jit3A_304 = arith.constant 10 : i32
    %select_n3A_305 = arith.select %eq3A_303, %jit3A_304, %select_n3A_301 : i32
    %eq3A_306 = arith.constant 6 : i32
    %eq3A_307 = arith.cmpi eq, %select_n3A_215, %eq3A_306 : i32
    %jit3A_308 = arith.constant 1 : i32
    %select_n3A_309 = arith.select %eq3A_307, %jit3A_308, %select_n3A_305 : i32
    %eq3A_310 = arith.constant 7 : i32
    %eq3A_311 = arith.cmpi eq, %select_n3A_215, %eq3A_310 : i32
    %jit3A_312 = arith.constant 10 : i32
    %select_n3A_313 = arith.select %eq3A_311, %jit3A_312, %select_n3A_309 : i32
    %add3A_314 = arith.constant 16 : i32
    %add3A_315 = arith.addi %mul3A_284, %add3A_314 : i32
    %max3A_316 = arith.maxsi %mul3A_284, %select_n3A_313 : i32
    %min3A_317 = arith.minsi %add3A_315, %max3A_316 : i32
    %run_scoped3A_318 = arith.constant 0 : i32
    %run_scoped3A_319 = arith.constant 0 : i32
    "tpu.region"() ({
      %run_scoped3A_1025 = tpu.sem_alloc : memref<!tpu.dma_semaphore, #tpu.memory_space<semaphore_mem>>
      %dma_start3A = arith.constant 0 : i32
      %dma_start3A_1026 = tpu.memref_slice %arg8[%run_scoped3A_319, %dma_start3A] : memref<196x128xf32, #tpu.memory_space<vmem>> -> memref<1x128xf32, #tpu.memory_space<vmem>>
      %dma_start3A_1027 = tpu.memref_squeeze %dma_start3A_1026 : memref<1x128xf32, #tpu.memory_space<vmem>> -> memref<128xf32, #tpu.memory_space<vmem>>
      %dma_start3A_1028 = tpu.memref_slice %arg3[%select_n3A_215, %run_scoped3A_318, %multiple_of3A_258] : memref<8x1x768xf32, #tpu.memory_space<hbm>> -> memref<1x1x128xf32, #tpu.memory_space<hbm>>
      %dma_start3A_1029 = tpu.memref_squeeze %dma_start3A_1028 : memref<1x1x128xf32, #tpu.memory_space<hbm>> -> memref<128xf32, #tpu.memory_space<hbm>>
      %dma_start3A_1030 = arith.constant 0 : i32
      %dma_start3A_1031 = tpu.memref_slice %arg8[%run_scoped3A_319, %dma_start3A_1030] : memref<196x128xf32, #tpu.memory_space<vmem>> -> memref<1x128xf32, #tpu.memory_space<vmem>>
      %dma_start3A_1032 = tpu.memref_squeeze %dma_start3A_1031 : memref<1x128xf32, #tpu.memory_space<vmem>> -> memref<128xf32, #tpu.memory_space<vmem>>
      %dma_start3A_1033 = tpu.memref_slice %arg3[%select_n3A_215, %run_scoped3A_318, %multiple_of3A_258] : memref<8x1x768xf32, #tpu.memory_space<hbm>> -> memref<1x1x128xf32, #tpu.memory_space<hbm>>
      %dma_start3A_1034 = tpu.memref_squeeze %dma_start3A_1033 : memref<1x1x128xf32, #tpu.memory_space<hbm>> -> memref<128xf32, #tpu.memory_space<hbm>>
      tpu.enqueue_dma source(%dma_start3A_1034 : memref<128xf32, #tpu.memory_space<hbm>>) target(%dma_start3A_1032 : memref<128xf32, #tpu.memory_space<vmem>>) target_semaphore(%run_scoped3A_1025 : memref<!tpu.dma_semaphore, #tpu.memory_space<semaphore_mem>>)
      %dma_wait3A = arith.constant 0 : i32
      %dma_wait3A_1035 = tpu.memref_slice %arg8[%run_scoped3A_319, %dma_wait3A] : memref<196x128xf32, #tpu.memory_space<vmem>> -> memref<1x128xf32, #tpu.memory_space<vmem>>
      %dma_wait3A_1036 = tpu.memref_squeeze %dma_wait3A_1035 : memref<1x128xf32, #tpu.memory_space<vmem>> -> memref<128xf32, #tpu.memory_space<vmem>>
      %dma_wait3A_1037 = tpu.memref_slice %arg3[%select_n3A_215, %run_scoped3A_318, %multiple_of3A_258] : memref<8x1x768xf32, #tpu.memory_space<hbm>> -> memref<1x1x128xf32, #tpu.memory_space<hbm>>
      %dma_wait3A_1038 = tpu.memref_squeeze %dma_wait3A_1037 : memref<1x1x128xf32, #tpu.memory_space<hbm>> -> memref<128xf32, #tpu.memory_space<hbm>>
      %dma_wait3A_1039 = arith.constant 0 : i32
      %dma_wait3A_1040 = tpu.memref_slice %arg8[%run_scoped3A_319, %dma_wait3A_1039] : memref<196x128xf32, #tpu.memory_space<vmem>> -> memref<1x128xf32, #tpu.memory_space<vmem>>
      %dma_wait3A_1041 = tpu.memref_squeeze %dma_wait3A_1040 : memref<1x128xf32, #tpu.memory_space<vmem>> -> memref<128xf32, #tpu.memory_space<vmem>>
      %dma_wait3A_1042 = tpu.memref_slice %arg3[%select_n3A_215, %run_scoped3A_318, %multiple_of3A_258] : memref<8x1x768xf32, #tpu.memory_space<hbm>> -> memref<1x1x128xf32, #tpu.memory_space<hbm>>
      %dma_wait3A_1043 = tpu.memref_squeeze %dma_wait3A_1042 : memref<1x1x128xf32, #tpu.memory_space<hbm>> -> memref<128xf32, #tpu.memory_space<hbm>>
      tpu.wait_dma2 semaphore(%run_scoped3A_1025 : memref<!tpu.dma_semaphore, #tpu.memory_space<semaphore_mem>>) src(%dma_wait3A_1043 : memref<128xf32, #tpu.memory_space<hbm>>) dst(%dma_wait3A_1041 : memref<128xf32, #tpu.memory_space<vmem>>)
      tpu.yield
    }) : () -> ()
    %get3A_320 = arith.constant 0 : i32
    %get3A_321 = arith.index_cast %get3A_320 : i32 to index
    %get3A_322 = arith.constant 0 : index
    %get3A_323 = tpu.vector_load %arg8[%get3A_321, %get3A_322] {strides = array<i32>} : memref<196x128xf32, #tpu.memory_space<vmem>>, vector<1x16xf32>,
    %get3A_324 = vector.shape_cast %get3A_323 : vector<1x16xf32> to vector<16xf32>
    %get3A_325 = arith.constant 0 : i32
    %get3A_326 = arith.index_cast %get3A_325 : i32 to index
    %get3A_327 = arith.constant 16 : index
    %get3A_328 = tpu.vector_load %arg8[%get3A_326, %get3A_327] {strides = array<i32>} : memref<196x128xf32, #tpu.memory_space<vmem>>, vector<1x16xf32>,
    %get3A_329 = vector.shape_cast %get3A_328 : vector<1x16xf32> to vector<16xf32>
    %get3A_330 = arith.constant 0 : i32
    %get3A_331 = arith.index_cast %get3A_330 : i32 to index
    %get3A_332 = arith.constant 32 : index
    %get3A_333 = tpu.vector_load %arg8[%get3A_331, %get3A_332] {strides = array<i32>} : memref<196x128xf32, #tpu.memory_space<vmem>>, vector<1x16xf32>,
    %get3A_334 = vector.shape_cast %get3A_333 : vector<1x16xf32> to vector<16xf32>
    %get3A_335 = arith.constant 0 : i32
    %get3A_336 = arith.index_cast %get3A_335 : i32 to index
    %get3A_337 = arith.constant 48 : index
    %get3A_338 = tpu.vector_load %arg8[%get3A_336, %get3A_337] {strides = array<i32>} : memref<196x128xf32, #tpu.memory_space<vmem>>, vector<1x16xf32>,
    %get3A_339 = vector.shape_cast %get3A_338 : vector<1x16xf32> to vector<16xf32>
    %get3A_340 = arith.constant 0 : i32
    %get3A_341 = arith.index_cast %get3A_340 : i32 to index
    %get3A_342 = arith.constant 64 : index
    %get3A_343 = tpu.vector_load %arg8[%get3A_341, %get3A_342] {strides = array<i32>} : memref<196x128xf32, #tpu.memory_space<vmem>>, vector<1x16xf32>,
    %get3A_344 = vector.shape_cast %get3A_343 : vector<1x16xf32> to vector<16xf32>
    %get3A_345 = arith.constant 0 : i32
    %get3A_346 = arith.index_cast %get3A_345 : i32 to index
    %get3A_347 = arith.constant 80 : index
    %get3A_348 = tpu.vector_load %arg8[%get3A_346, %get3A_347] {strides = array<i32>} : memref<196x128xf32, #tpu.memory_space<vmem>>, vector<1x16xf32>,
    %get3A_349 = vector.shape_cast %get3A_348 : vector<1x16xf32> to vector<16xf32>
    %get3A_350 = arith.constant 0 : i32
    %get3A_351 = arith.index_cast %get3A_350 : i32 to index
    %get3A_352 = arith.constant 96 : index
    %get3A_353 = tpu.vector_load %arg8[%get3A_351, %get3A_352] {strides = array<i32>} : memref<196x128xf32, #tpu.memory_space<vmem>>, vector<1x16xf32>,
    %get3A_354 = vector.shape_cast %get3A_353 : vector<1x16xf32> to vector<16xf32>
    %get3A_355 = arith.constant 0 : i32
    %get3A_356 = arith.index_cast %get3A_355 : i32 to index
    %get3A_357 = arith.constant 112 : index
    %get3A_358 = tpu.vector_load %arg8[%get3A_356, %get3A_357] {strides = array<i32>} : memref<196x128xf32, #tpu.memory_space<vmem>>, vector<1x16xf32>,
    %get3A_359 = vector.shape_cast %get3A_358 : vector<1x16xf32> to vector<16xf32>
    %scan3A_360 = arith.constant 0 : i32
    %scan3A_361 = arith.constant 1 : i32
    %scan3A_362 = arith.constant 195 : i32
    %scan3A_363 = arith.addi %scan3A_361, %scan3A_362 : i32
    %scan3A_364 = arith.constant 1 : i32
    scf.for %scan3A_1025 = %scan3A_361 to %scan3A_363 step %scan3A_364  : i32 {
      %swap3A = arith.index_cast %scan3A_1025 : i32 to index
      %swap3A_1026 = arith.constant 0 : index
      %swap3A_1027 = tpu.vector_load %arg8[%swap3A, %swap3A_1026] {strides = array<i32>} : memref<196x128xf32, #tpu.memory_space<vmem>>, vector<1x16xf32>,
      %swap3A_1028 = vector.shape_cast %swap3A_1027 : vector<1x16xf32> to vector<16xf32>
      %swap3A_1029 = vector.shape_cast %get3A_324 : vector<16xf32> to vector<1x16xf32>
      tpu.vector_store %arg8[%swap3A, %swap3A_1026], %swap3A_1029 {strides = array<i32>} : memref<196x128xf32, #tpu.memory_space<vmem>>, vector<1x16xf32>,
      %swap3A_1030 = arith.index_cast %scan3A_1025 : i32 to index
      %swap3A_1031 = arith.constant 16 : index
      %swap3A_1032 = tpu.vector_load %arg8[%swap3A_1030, %swap3A_1031] {strides = array<i32>} : memref<196x128xf32, #tpu.memory_space<vmem>>, vector<1x16xf32>,
      %swap3A_1033 = vector.shape_cast %swap3A_1032 : vector<1x16xf32> to vector<16xf32>
      %swap3A_1034 = vector.shape_cast %get3A_329 : vector<16xf32> to vector<1x16xf32>
      tpu.vector_store %arg8[%swap3A_1030, %swap3A_1031], %swap3A_1034 {strides = array<i32>} : memref<196x128xf32, #tpu.memory_space<vmem>>, vector<1x16xf32>,
      %swap3A_1035 = arith.index_cast %scan3A_1025 : i32 to index
      %swap3A_1036 = arith.constant 32 : index
      %swap3A_1037 = tpu.vector_load %arg8[%swap3A_1035, %swap3A_1036] {strides = array<i32>} : memref<196x128xf32, #tpu.memory_space<vmem>>, vector<1x16xf32>,
      %swap3A_1038 = vector.shape_cast %swap3A_1037 : vector<1x16xf32> to vector<16xf32>
      %swap3A_1039 = vector.shape_cast %get3A_334 : vector<16xf32> to vector<1x16xf32>
      tpu.vector_store %arg8[%swap3A_1035, %swap3A_1036], %swap3A_1039 {strides = array<i32>} : memref<196x128xf32, #tpu.memory_space<vmem>>, vector<1x16xf32>,
      %swap3A_1040 = arith.index_cast %scan3A_1025 : i32 to index
      %swap3A_1041 = arith.constant 48 : index
      %swap3A_1042 = tpu.vector_load %arg8[%swap3A_1040, %swap3A_1041] {strides = array<i32>} : memref<196x128xf32, #tpu.memory_space<vmem>>, vector<1x16xf32>,
      %swap3A_1043 = vector.shape_cast %swap3A_1042 : vector<1x16xf32> to vector<16xf32>
      %swap3A_1044 = vector.shape_cast %get3A_339 : vector<16xf32> to vector<1x16xf32>
      tpu.vector_store %arg8[%swap3A_1040, %swap3A_1041], %swap3A_1044 {strides = array<i32>} : memref<196x128xf32, #tpu.memory_space<vmem>>, vector<1x16xf32>,
      %swap3A_1045 = arith.index_cast %scan3A_1025 : i32 to index
      %swap3A_1046 = arith.constant 64 : index
      %swap3A_1047 = tpu.vector_load %arg8[%swap3A_1045, %swap3A_1046] {strides = array<i32>} : memref<196x128xf32, #tpu.memory_space<vmem>>, vector<1x16xf32>,
      %swap3A_1048 = vector.shape_cast %swap3A_1047 : vector<1x16xf32> to vector<16xf32>
      %swap3A_1049 = vector.shape_cast %get3A_344 : vector<16xf32> to vector<1x16xf32>
      tpu.vector_store %arg8[%swap3A_1045, %swap3A_1046], %swap3A_1049 {strides = array<i32>} : memref<196x128xf32, #tpu.memory_space<vmem>>, vector<1x16xf32>,
      %swap3A_1050 = arith.index_cast %scan3A_1025 : i32 to index
      %swap3A_1051 = arith.constant 80 : index
      %swap3A_1052 = tpu.vector_load %arg8[%swap3A_1050, %swap3A_1051] {strides = array<i32>} : memref<196x128xf32, #tpu.memory_space<vmem>>, vector<1x16xf32>,
      %swap3A_1053 = vector.shape_cast %swap3A_1052 : vector<1x16xf32> to vector<16xf32>
      %swap3A_1054 = vector.shape_cast %get3A_349 : vector<16xf32> to vector<1x16xf32>
      tpu.vector_store %arg8[%swap3A_1050, %swap3A_1051], %swap3A_1054 {strides = array<i32>} : memref<196x128xf32, #tpu.memory_space<vmem>>, vector<1x16xf32>,
      %swap3A_1055 = arith.index_cast %scan3A_1025 : i32 to index
      %swap3A_1056 = arith.constant 96 : index
      %swap3A_1057 = tpu.vector_load %arg8[%swap3A_1055, %swap3A_1056] {strides = array<i32>} : memref<196x128xf32, #tpu.memory_space<vmem>>, vector<1x16xf32>,
      %swap3A_1058 = vector.shape_cast %swap3A_1057 : vector<1x16xf32> to vector<16xf32>
      %swap3A_1059 = vector.shape_cast %get3A_354 : vector<16xf32> to vector<1x16xf32>
      tpu.vector_store %arg8[%swap3A_1055, %swap3A_1056], %swap3A_1059 {strides = array<i32>} : memref<196x128xf32, #tpu.memory_space<vmem>>, vector<1x16xf32>,
      %swap3A_1060 = arith.index_cast %scan3A_1025 : i32 to index
      %swap3A_1061 = arith.constant 112 : index
      %swap3A_1062 = tpu.vector_load %arg8[%swap3A_1060, %swap3A_1061] {strides = array<i32>} : memref<196x128xf32, #tpu.memory_space<vmem>>, vector<1x16xf32>,
      %swap3A_1063 = vector.shape_cast %swap3A_1062 : vector<1x16xf32> to vector<16xf32>
      %swap3A_1064 = vector.shape_cast %get3A_359 : vector<16xf32> to vector<1x16xf32>
      tpu.vector_store %arg8[%swap3A_1060, %swap3A_1061], %swap3A_1064 {strides = array<i32>} : memref<196x128xf32, #tpu.memory_space<vmem>>, vector<1x16xf32>,
    }
    %scan3A_365 = arith.constant 195 : i32
    %add3A_366 = arith.constant 16 : i32
    %add3A_367 = arith.addi %mul3A_284, %add3A_366 : i32
    %while3A_368 = arith.constant 0 : i32
    %while3A_369 = arith.subi %add3A_367, %min3A_317 : i32
    %while3A_370 = arith.addi %min3A_317, %while3A_369 : i32
    %while3A_371 = arith.constant 1 : i32
    %while3A_372 = arith.divsi %while3A_369, %while3A_371 : i32
    %while3A_373 = arith.muli %while3A_372, %while3A_371 : i32
    %while3A_374 = arith.addi %min3A_317, %while3A_373 : i32
    %while3A_375 = arith.constant 1 : i32
    scf.for %while3A_1025 = %min3A_317 to %while3A_374 step %while3A_375  : i32 {
      %dma_start3A = arith.constant 0 : i32
      %dma_start3A_1026 = tpu.memref_slice %arg4[%select_n3A_215, %while3A_1025, %dma_start3A, %multiple_of3A_258] : memref<8x32x196x768xf32, #tpu.memory_space<hbm>> -> memref<1x1x196x128xf32, #tpu.memory_space<hbm>>
      %dma_start3A_1027 = tpu.memref_squeeze %dma_start3A_1026 : memref<1x1x196x128xf32, #tpu.memory_space<hbm>> -> memref<196x128xf32, #tpu.memory_space<hbm>>
      %dma_start3A_1028 = arith.constant 0 : i32
      %dma_start3A_1029 = tpu.memref_slice %arg4[%select_n3A_215, %while3A_1025, %dma_start3A_1028, %multiple_of3A_258] : memref<8x32x196x768xf32, #tpu.memory_space<hbm>> -> memref<1x1x196x128xf32, #tpu.memory_space<hbm>>
      %dma_start3A_1030 = tpu.memref_squeeze %dma_start3A_1029 : memref<1x1x196x128xf32, #tpu.memory_space<hbm>> -> memref<196x128xf32, #tpu.memory_space<hbm>>
      tpu.enqueue_dma source(%arg8 : memref<196x128xf32, #tpu.memory_space<vmem>>) target(%dma_start3A_1030 : memref<196x128xf32, #tpu.memory_space<hbm>>) target_semaphore(%arg14 : memref<!tpu.dma_semaphore, #tpu.memory_space<semaphore_mem>>)
    }
    %while3A_376 = arith.constant 1 : i32
    scf.for %while3A_1025 = %while3A_374 to %while3A_370 step %while3A_376  : i32 {
      %dma_start3A = arith.constant 0 : i32
      %dma_start3A_1026 = tpu.memref_slice %arg4[%select_n3A_215, %while3A_1025, %dma_start3A, %multiple_of3A_258] : memref<8x32x196x768xf32, #tpu.memory_space<hbm>> -> memref<1x1x196x128xf32, #tpu.memory_space<hbm>>
      %dma_start3A_1027 = tpu.memref_squeeze %dma_start3A_1026 : memref<1x1x196x128xf32, #tpu.memory_space<hbm>> -> memref<196x128xf32, #tpu.memory_space<hbm>>
      %dma_start3A_1028 = arith.constant 0 : i32
      %dma_start3A_1029 = tpu.memref_slice %arg4[%select_n3A_215, %while3A_1025, %dma_start3A_1028, %multiple_of3A_258] : memref<8x32x196x768xf32, #tpu.memory_space<hbm>> -> memref<1x1x196x128xf32, #tpu.memory_space<hbm>>
      %dma_start3A_1030 = tpu.memref_squeeze %dma_start3A_1029 : memref<1x1x196x128xf32, #tpu.memory_space<hbm>> -> memref<196x128xf32, #tpu.memory_space<hbm>>
      tpu.enqueue_dma source(%arg8 : memref<196x128xf32, #tpu.memory_space<vmem>>) target(%dma_start3A_1030 : memref<196x128xf32, #tpu.memory_space<hbm>>) target_semaphore(%arg14 : memref<!tpu.dma_semaphore, #tpu.memory_space<semaphore_mem>>)
    }
    %while3A_377 = arith.constant 0 : i32
    %while3A_378 = arith.subi %min3A_317, %mul3A_284 : i32
    %while3A_379 = arith.addi %mul3A_284, %while3A_378 : i32
    %while3A_380 = arith.constant 1 : i32
    %while3A_381 = arith.divsi %while3A_378, %while3A_380 : i32
    %while3A_382 = arith.muli %while3A_381, %while3A_380 : i32
    %while3A_383 = arith.addi %mul3A_284, %while3A_382 : i32
    %while3A_384 = arith.constant 1 : i32
    scf.for %while3A_1025 = %mul3A_284 to %while3A_383 step %while3A_384  : i32 {
      %jit3A_1026 = arith.constant 2 : i32
      %eq3A_1027 = arith.constant 0 : i32
      %eq3A_1028 = arith.cmpi eq, %jit3A_1026, %eq3A_1027 : i32
      %jit3A_1029 = arith.constant 1 : i32
      %select_n3A_1030 = arith.select %eq3A_1028, %jit3A_1029, %jit3A_1026 : i32
      %rem3A_1031 = arith.remsi %while3A_1025, %select_n3A_1030 : i32
      %ne3A_1032 = arith.constant 0 : i32
      %ne3A_1033 = arith.cmpi ne, %rem3A_1031, %ne3A_1032 : i32
      %lt3A_1034 = arith.constant 0 : i32
      %lt3A_1035 = arith.cmpi slt, %rem3A_1031, %lt3A_1034 : i32
      %lt3A_1036 = arith.constant 0 : i32
      %lt3A_1037 = arith.cmpi slt, %select_n3A_1030, %lt3A_1036 : i32
      %ne3A_1038 = arith.xori %lt3A_1035, %lt3A_1037 : i1
      %and3A_1039 = arith.andi %ne3A_1038, %ne3A_1033 : i1
      %add3A_1040 = arith.addi %rem3A_1031, %select_n3A_1030 : i32
      %select_n3A_1041 = arith.select %and3A_1039, %add3A_1040, %rem3A_1031 : i32
      %eq3A_1042 = arith.constant 0 : i32
      %eq3A_1043 = arith.cmpi eq, %select_n3A_1041, %eq3A_1042 : i32
      %convert_element_type3A_1044 = arith.extui %eq3A_1043 : i1 to i32
      %cond3A_1045 = arith.constant 0 : i32
      %cond3A_1046 = arith.cmpi ne, %convert_element_type3A_1044, %cond3A_1045 : i32
      scf.if %cond3A_1046 {
        %add3A_1068 = arith.constant 2 : i32
        %add3A_1069 = arith.addi %mul3A_284, %add3A_1068 : i32
        %ge3A_1070 = arith.cmpi sge, %while3A_1025, %add3A_1069 : i32
        %convert_element_type3A_1071 = arith.extui %ge3A_1070 : i1 to i32
        %cond3A_1072 = arith.constant 0 : i32
        %cond3A_1073 = arith.cmpi ne, %convert_element_type3A_1071, %cond3A_1072 : i32
        scf.if %cond3A_1073 {
          %dma_wait3A_1090 = arith.constant 0 : i32
          %dma_wait3A_1091 = tpu.memref_slice %arg4[%select_n3A_215, %while3A_1025, %dma_wait3A_1090, %multiple_of3A_258] : memref<8x32x196x768xf32, #tpu.memory_space<hbm>> -> memref<1x1x196x128xf32, #tpu.memory_space<hbm>>
          %dma_wait3A_1092 = tpu.memref_squeeze %dma_wait3A_1091 : memref<1x1x196x128xf32, #tpu.memory_space<hbm>> -> memref<196x128xf32, #tpu.memory_space<hbm>>
          %dma_wait3A_1093 = arith.constant 0 : i32
          %dma_wait3A_1094 = tpu.memref_slice %arg4[%select_n3A_215, %while3A_1025, %dma_wait3A_1093, %multiple_of3A_258] : memref<8x32x196x768xf32, #tpu.memory_space<hbm>> -> memref<1x1x196x128xf32, #tpu.memory_space<hbm>>
          %dma_wait3A_1095 = tpu.memref_squeeze %dma_wait3A_1094 : memref<1x1x196x128xf32, #tpu.memory_space<hbm>> -> memref<196x128xf32, #tpu.memory_space<hbm>>
          tpu.wait_dma2 semaphore(%arg11 : memref<!tpu.dma_semaphore, #tpu.memory_space<semaphore_mem>>) src(%arg5 : memref<196x128xf32, #tpu.memory_space<vmem>>) dst(%dma_wait3A_1095 : memref<196x128xf32, #tpu.memory_space<hbm>>)
        } else {
        }
        %dma_start3A = arith.constant 0 : i32
        %dma_start3A_1074 = tpu.memref_slice %arg2[%select_n3A_215, %while3A_1025, %dma_start3A, %multiple_of3A_258] : memref<8x32x196x768xf32, #tpu.memory_space<hbm>> -> memref<1x1x196x128xf32, #tpu.memory_space<hbm>>
        %dma_start3A_1075 = tpu.memref_squeeze %dma_start3A_1074 : memref<1x1x196x128xf32, #tpu.memory_space<hbm>> -> memref<196x128xf32, #tpu.memory_space<hbm>>
        %dma_start3A_1076 = arith.constant 0 : i32
        %dma_start3A_1077 = tpu.memref_slice %arg2[%select_n3A_215, %while3A_1025, %dma_start3A_1076, %multiple_of3A_258] : memref<8x32x196x768xf32, #tpu.memory_space<hbm>> -> memref<1x1x196x128xf32, #tpu.memory_space<hbm>>
        %dma_start3A_1078 = tpu.memref_squeeze %dma_start3A_1077 : memref<1x1x196x128xf32, #tpu.memory_space<hbm>> -> memref<196x128xf32, #tpu.memory_space<hbm>>
        tpu.enqueue_dma source(%dma_start3A_1078 : memref<196x128xf32, #tpu.memory_space<hbm>>) target(%arg5 : memref<196x128xf32, #tpu.memory_space<vmem>>) target_semaphore(%arg9 : memref<!tpu.dma_semaphore, #tpu.memory_space<semaphore_mem>>)
        %dma_wait3A = arith.constant 0 : i32
        %dma_wait3A_1079 = tpu.memref_slice %arg2[%select_n3A_215, %while3A_1025, %dma_wait3A, %multiple_of3A_258] : memref<8x32x196x768xf32, #tpu.memory_space<hbm>> -> memref<1x1x196x128xf32, #tpu.memory_space<hbm>>
        %dma_wait3A_1080 = tpu.memref_squeeze %dma_wait3A_1079 : memref<1x1x196x128xf32, #tpu.memory_space<hbm>> -> memref<196x128xf32, #tpu.memory_space<hbm>>
        %dma_wait3A_1081 = arith.constant 0 : i32
        %dma_wait3A_1082 = tpu.memref_slice %arg2[%select_n3A_215, %while3A_1025, %dma_wait3A_1081, %multiple_of3A_258] : memref<8x32x196x768xf32, #tpu.memory_space<hbm>> -> memref<1x1x196x128xf32, #tpu.memory_space<hbm>>
        %dma_wait3A_1083 = tpu.memref_squeeze %dma_wait3A_1082 : memref<1x1x196x128xf32, #tpu.memory_space<hbm>> -> memref<196x128xf32, #tpu.memory_space<hbm>>
        tpu.wait_dma2 semaphore(%arg9 : memref<!tpu.dma_semaphore, #tpu.memory_space<semaphore_mem>>) src(%dma_wait3A_1083 : memref<196x128xf32, #tpu.memory_space<hbm>>) dst(%arg5 : memref<196x128xf32, #tpu.memory_space<vmem>>)
        %dma_start3A_1084 = arith.constant 0 : i32
        %dma_start3A_1085 = tpu.memref_slice %arg4[%select_n3A_215, %while3A_1025, %dma_start3A_1084, %multiple_of3A_258] : memref<8x32x196x768xf32, #tpu.memory_space<hbm>> -> memref<1x1x196x128xf32, #tpu.memory_space<hbm>>
        %dma_start3A_1086 = tpu.memref_squeeze %dma_start3A_1085 : memref<1x1x196x128xf32, #tpu.memory_space<hbm>> -> memref<196x128xf32, #tpu.memory_space<hbm>>
        %dma_start3A_1087 = arith.constant 0 : i32
        %dma_start3A_1088 = tpu.memref_slice %arg4[%select_n3A_215, %while3A_1025, %dma_start3A_1087, %multiple_of3A_258] : memref<8x32x196x768xf32, #tpu.memory_space<hbm>> -> memref<1x1x196x128xf32, #tpu.memory_space<hbm>>
        %dma_start3A_1089 = tpu.memref_squeeze %dma_start3A_1088 : memref<1x1x196x128xf32, #tpu.memory_space<hbm>> -> memref<196x128xf32, #tpu.memory_space<hbm>>
        tpu.enqueue_dma source(%arg5 : memref<196x128xf32, #tpu.memory_space<vmem>>) target(%dma_start3A_1089 : memref<196x128xf32, #tpu.memory_space<hbm>>) target_semaphore(%arg11 : memref<!tpu.dma_semaphore, #tpu.memory_space<semaphore_mem>>)
      } else {
      }
      %jit3A_1047 = arith.constant 2 : i32
      %eq3A_1048 = arith.constant 0 : i32
      %eq3A_1049 = arith.cmpi eq, %jit3A_1047, %eq3A_1048 : i32
      %jit3A_1050 = arith.constant 1 : i32
      %select_n3A_1051 = arith.select %eq3A_1049, %jit3A_1050, %jit3A_1047 : i32
      %rem3A_1052 = arith.remsi %while3A_1025, %select_n3A_1051 : i32
      %ne3A_1053 = arith.constant 0 : i32
      %ne3A_1054 = arith.cmpi ne, %rem3A_1052, %ne3A_1053 : i32
      %lt3A_1055 = arith.constant 0 : i32
      %lt3A_1056 = arith.cmpi slt, %rem3A_1052, %lt3A_1055 : i32
      %lt3A_1057 = arith.constant 0 : i32
      %lt3A_1058 = arith.cmpi slt, %select_n3A_1051, %lt3A_1057 : i32
      %ne3A_1059 = arith.xori %lt3A_1056, %lt3A_1058 : i1
      %and3A_1060 = arith.andi %ne3A_1059, %ne3A_1054 : i1
      %add3A_1061 = arith.addi %rem3A_1052, %select_n3A_1051 : i32
      %select_n3A_1062 = arith.select %and3A_1060, %add3A_1061, %rem3A_1052 : i32
      %eq3A_1063 = arith.constant 1 : i32
      %eq3A_1064 = arith.cmpi eq, %select_n3A_1062, %eq3A_1063 : i32
      %convert_element_type3A_1065 = arith.extui %eq3A_1064 : i1 to i32
      %cond3A_1066 = arith.constant 0 : i32
      %cond3A_1067 = arith.cmpi ne, %convert_element_type3A_1065, %cond3A_1066 : i32
      scf.if %cond3A_1067 {
        %add3A_1068 = arith.constant 2 : i32
        %add3A_1069 = arith.addi %mul3A_284, %add3A_1068 : i32
        %ge3A_1070 = arith.cmpi sge, %while3A_1025, %add3A_1069 : i32
        %convert_element_type3A_1071 = arith.extui %ge3A_1070 : i1 to i32
        %cond3A_1072 = arith.constant 0 : i32
        %cond3A_1073 = arith.cmpi ne, %convert_element_type3A_1071, %cond3A_1072 : i32
        scf.if %cond3A_1073 {
          %dma_wait3A_1090 = arith.constant 0 : i32
          %dma_wait3A_1091 = tpu.memref_slice %arg4[%select_n3A_215, %while3A_1025, %dma_wait3A_1090, %multiple_of3A_258] : memref<8x32x196x768xf32, #tpu.memory_space<hbm>> -> memref<1x1x196x128xf32, #tpu.memory_space<hbm>>
          %dma_wait3A_1092 = tpu.memref_squeeze %dma_wait3A_1091 : memref<1x1x196x128xf32, #tpu.memory_space<hbm>> -> memref<196x128xf32, #tpu.memory_space<hbm>>
          %dma_wait3A_1093 = arith.constant 0 : i32
          %dma_wait3A_1094 = tpu.memref_slice %arg4[%select_n3A_215, %while3A_1025, %dma_wait3A_1093, %multiple_of3A_258] : memref<8x32x196x768xf32, #tpu.memory_space<hbm>> -> memref<1x1x196x128xf32, #tpu.memory_space<hbm>>
          %dma_wait3A_1095 = tpu.memref_squeeze %dma_wait3A_1094 : memref<1x1x196x128xf32, #tpu.memory_space<hbm>> -> memref<196x128xf32, #tpu.memory_space<hbm>>
          tpu.wait_dma2 semaphore(%arg12 : memref<!tpu.dma_semaphore, #tpu.memory_space<semaphore_mem>>) src(%arg6 : memref<196x128xf32, #tpu.memory_space<vmem>>) dst(%dma_wait3A_1095 : memref<196x128xf32, #tpu.memory_space<hbm>>)
        } else {
        }
        %dma_start3A = arith.constant 0 : i32
        %dma_start3A_1074 = tpu.memref_slice %arg2[%select_n3A_215, %while3A_1025, %dma_start3A, %multiple_of3A_258] : memref<8x32x196x768xf32, #tpu.memory_space<hbm>> -> memref<1x1x196x128xf32, #tpu.memory_space<hbm>>
        %dma_start3A_1075 = tpu.memref_squeeze %dma_start3A_1074 : memref<1x1x196x128xf32, #tpu.memory_space<hbm>> -> memref<196x128xf32, #tpu.memory_space<hbm>>
        %dma_start3A_1076 = arith.constant 0 : i32
        %dma_start3A_1077 = tpu.memref_slice %arg2[%select_n3A_215, %while3A_1025, %dma_start3A_1076, %multiple_of3A_258] : memref<8x32x196x768xf32, #tpu.memory_space<hbm>> -> memref<1x1x196x128xf32, #tpu.memory_space<hbm>>
        %dma_start3A_1078 = tpu.memref_squeeze %dma_start3A_1077 : memref<1x1x196x128xf32, #tpu.memory_space<hbm>> -> memref<196x128xf32, #tpu.memory_space<hbm>>
        tpu.enqueue_dma source(%dma_start3A_1078 : memref<196x128xf32, #tpu.memory_space<hbm>>) target(%arg6 : memref<196x128xf32, #tpu.memory_space<vmem>>) target_semaphore(%arg10 : memref<!tpu.dma_semaphore, #tpu.memory_space<semaphore_mem>>)
        %dma_wait3A = arith.constant 0 : i32
        %dma_wait3A_1079 = tpu.memref_slice %arg2[%select_n3A_215, %while3A_1025, %dma_wait3A, %multiple_of3A_258] : memref<8x32x196x768xf32, #tpu.memory_space<hbm>> -> memref<1x1x196x128xf32, #tpu.memory_space<hbm>>
        %dma_wait3A_1080 = tpu.memref_squeeze %dma_wait3A_1079 : memref<1x1x196x128xf32, #tpu.memory_space<hbm>> -> memref<196x128xf32, #tpu.memory_space<hbm>>
        %dma_wait3A_1081 = arith.constant 0 : i32
        %dma_wait3A_1082 = tpu.memref_slice %arg2[%select_n3A_215, %while3A_1025, %dma_wait3A_1081, %multiple_of3A_258] : memref<8x32x196x768xf32, #tpu.memory_space<hbm>> -> memref<1x1x196x128xf32, #tpu.memory_space<hbm>>
        %dma_wait3A_1083 = tpu.memref_squeeze %dma_wait3A_1082 : memref<1x1x196x128xf32, #tpu.memory_space<hbm>> -> memref<196x128xf32, #tpu.memory_space<hbm>>
        tpu.wait_dma2 semaphore(%arg10 : memref<!tpu.dma_semaphore, #tpu.memory_space<semaphore_mem>>) src(%dma_wait3A_1083 : memref<196x128xf32, #tpu.memory_space<hbm>>) dst(%arg6 : memref<196x128xf32, #tpu.memory_space<vmem>>)
        %dma_start3A_1084 = arith.constant 0 : i32
        %dma_start3A_1085 = tpu.memref_slice %arg4[%select_n3A_215, %while3A_1025, %dma_start3A_1084, %multiple_of3A_258] : memref<8x32x196x768xf32, #tpu.memory_space<hbm>> -> memref<1x1x196x128xf32, #tpu.memory_space<hbm>>
        %dma_start3A_1086 = tpu.memref_squeeze %dma_start3A_1085 : memref<1x1x196x128xf32, #tpu.memory_space<hbm>> -> memref<196x128xf32, #tpu.memory_space<hbm>>
        %dma_start3A_1087 = arith.constant 0 : i32
        %dma_start3A_1088 = tpu.memref_slice %arg4[%select_n3A_215, %while3A_1025, %dma_start3A_1087, %multiple_of3A_258] : memref<8x32x196x768xf32, #tpu.memory_space<hbm>> -> memref<1x1x196x128xf32, #tpu.memory_space<hbm>>
        %dma_start3A_1089 = tpu.memref_squeeze %dma_start3A_1088 : memref<1x1x196x128xf32, #tpu.memory_space<hbm>> -> memref<196x128xf32, #tpu.memory_space<hbm>>
        tpu.enqueue_dma source(%arg6 : memref<196x128xf32, #tpu.memory_space<vmem>>) target(%dma_start3A_1089 : memref<196x128xf32, #tpu.memory_space<hbm>>) target_semaphore(%arg12 : memref<!tpu.dma_semaphore, #tpu.memory_space<semaphore_mem>>)
      } else {
      }
    }
    %while3A_385 = arith.constant 1 : i32
    scf.for %while3A_1025 = %while3A_383 to %while3A_379 step %while3A_385  : i32 {
      %jit3A_1026 = arith.constant 2 : i32
      %eq3A_1027 = arith.constant 0 : i32
      %eq3A_1028 = arith.cmpi eq, %jit3A_1026, %eq3A_1027 : i32
      %jit3A_1029 = arith.constant 1 : i32
      %select_n3A_1030 = arith.select %eq3A_1028, %jit3A_1029, %jit3A_1026 : i32
      %rem3A_1031 = arith.remsi %while3A_1025, %select_n3A_1030 : i32
      %ne3A_1032 = arith.constant 0 : i32
      %ne3A_1033 = arith.cmpi ne, %rem3A_1031, %ne3A_1032 : i32
      %lt3A_1034 = arith.constant 0 : i32
      %lt3A_1035 = arith.cmpi slt, %rem3A_1031, %lt3A_1034 : i32
      %lt3A_1036 = arith.constant 0 : i32
      %lt3A_1037 = arith.cmpi slt, %select_n3A_1030, %lt3A_1036 : i32
      %ne3A_1038 = arith.xori %lt3A_1035, %lt3A_1037 : i1
      %and3A_1039 = arith.andi %ne3A_1038, %ne3A_1033 : i1
      %add3A_1040 = arith.addi %rem3A_1031, %select_n3A_1030 : i32
      %select_n3A_1041 = arith.select %and3A_1039, %add3A_1040, %rem3A_1031 : i32
      %eq3A_1042 = arith.constant 0 : i32
      %eq3A_1043 = arith.cmpi eq, %select_n3A_1041, %eq3A_1042 : i32
      %convert_element_type3A_1044 = arith.extui %eq3A_1043 : i1 to i32
      %cond3A_1045 = arith.constant 0 : i32
      %cond3A_1046 = arith.cmpi ne, %convert_element_type3A_1044, %cond3A_1045 : i32
      scf.if %cond3A_1046 {
        %add3A_1068 = arith.constant 2 : i32
        %add3A_1069 = arith.addi %mul3A_284, %add3A_1068 : i32
        %ge3A_1070 = arith.cmpi sge, %while3A_1025, %add3A_1069 : i32
        %convert_element_type3A_1071 = arith.extui %ge3A_1070 : i1 to i32
        %cond3A_1072 = arith.constant 0 : i32
        %cond3A_1073 = arith.cmpi ne, %convert_element_type3A_1071, %cond3A_1072 : i32
        scf.if %cond3A_1073 {
          %dma_wait3A_1090 = arith.constant 0 : i32
          %dma_wait3A_1091 = tpu.memref_slice %arg4[%select_n3A_215, %while3A_1025, %dma_wait3A_1090, %multiple_of3A_258] : memref<8x32x196x768xf32, #tpu.memory_space<hbm>> -> memref<1x1x196x128xf32, #tpu.memory_space<hbm>>
          %dma_wait3A_1092 = tpu.memref_squeeze %dma_wait3A_1091 : memref<1x1x196x128xf32, #tpu.memory_space<hbm>> -> memref<196x128xf32, #tpu.memory_space<hbm>>
          %dma_wait3A_1093 = arith.constant 0 : i32
          %dma_wait3A_1094 = tpu.memref_slice %arg4[%select_n3A_215, %while3A_1025, %dma_wait3A_1093, %multiple_of3A_258] : memref<8x32x196x768xf32, #tpu.memory_space<hbm>> -> memref<1x1x196x128xf32, #tpu.memory_space<hbm>>
          %dma_wait3A_1095 = tpu.memref_squeeze %dma_wait3A_1094 : memref<1x1x196x128xf32, #tpu.memory_space<hbm>> -> memref<196x128xf32, #tpu.memory_space<hbm>>
          tpu.wait_dma2 semaphore(%arg11 : memref<!tpu.dma_semaphore, #tpu.memory_space<semaphore_mem>>) src(%arg5 : memref<196x128xf32, #tpu.memory_space<vmem>>) dst(%dma_wait3A_1095 : memref<196x128xf32, #tpu.memory_space<hbm>>)
        } else {
        }
        %dma_start3A = arith.constant 0 : i32
        %dma_start3A_1074 = tpu.memref_slice %arg2[%select_n3A_215, %while3A_1025, %dma_start3A, %multiple_of3A_258] : memref<8x32x196x768xf32, #tpu.memory_space<hbm>> -> memref<1x1x196x128xf32, #tpu.memory_space<hbm>>
        %dma_start3A_1075 = tpu.memref_squeeze %dma_start3A_1074 : memref<1x1x196x128xf32, #tpu.memory_space<hbm>> -> memref<196x128xf32, #tpu.memory_space<hbm>>
        %dma_start3A_1076 = arith.constant 0 : i32
        %dma_start3A_1077 = tpu.memref_slice %arg2[%select_n3A_215, %while3A_1025, %dma_start3A_1076, %multiple_of3A_258] : memref<8x32x196x768xf32, #tpu.memory_space<hbm>> -> memref<1x1x196x128xf32, #tpu.memory_space<hbm>>
        %dma_start3A_1078 = tpu.memref_squeeze %dma_start3A_1077 : memref<1x1x196x128xf32, #tpu.memory_space<hbm>> -> memref<196x128xf32, #tpu.memory_space<hbm>>
        tpu.enqueue_dma source(%dma_start3A_1078 : memref<196x128xf32, #tpu.memory_space<hbm>>) target(%arg5 : memref<196x128xf32, #tpu.memory_space<vmem>>) target_semaphore(%arg9 : memref<!tpu.dma_semaphore, #tpu.memory_space<semaphore_mem>>)
        %dma_wait3A = arith.constant 0 : i32
        %dma_wait3A_1079 = tpu.memref_slice %arg2[%select_n3A_215, %while3A_1025, %dma_wait3A, %multiple_of3A_258] : memref<8x32x196x768xf32, #tpu.memory_space<hbm>> -> memref<1x1x196x128xf32, #tpu.memory_space<hbm>>
        %dma_wait3A_1080 = tpu.memref_squeeze %dma_wait3A_1079 : memref<1x1x196x128xf32, #tpu.memory_space<hbm>> -> memref<196x128xf32, #tpu.memory_space<hbm>>
        %dma_wait3A_1081 = arith.constant 0 : i32
        %dma_wait3A_1082 = tpu.memref_slice %arg2[%select_n3A_215, %while3A_1025, %dma_wait3A_1081, %multiple_of3A_258] : memref<8x32x196x768xf32, #tpu.memory_space<hbm>> -> memref<1x1x196x128xf32, #tpu.memory_space<hbm>>
        %dma_wait3A_1083 = tpu.memref_squeeze %dma_wait3A_1082 : memref<1x1x196x128xf32, #tpu.memory_space<hbm>> -> memref<196x128xf32, #tpu.memory_space<hbm>>
        tpu.wait_dma2 semaphore(%arg9 : memref<!tpu.dma_semaphore, #tpu.memory_space<semaphore_mem>>) src(%dma_wait3A_1083 : memref<196x128xf32, #tpu.memory_space<hbm>>) dst(%arg5 : memref<196x128xf32, #tpu.memory_space<vmem>>)
        %dma_start3A_1084 = arith.constant 0 : i32
        %dma_start3A_1085 = tpu.memref_slice %arg4[%select_n3A_215, %while3A_1025, %dma_start3A_1084, %multiple_of3A_258] : memref<8x32x196x768xf32, #tpu.memory_space<hbm>> -> memref<1x1x196x128xf32, #tpu.memory_space<hbm>>
        %dma_start3A_1086 = tpu.memref_squeeze %dma_start3A_1085 : memref<1x1x196x128xf32, #tpu.memory_space<hbm>> -> memref<196x128xf32, #tpu.memory_space<hbm>>
        %dma_start3A_1087 = arith.constant 0 : i32
        %dma_start3A_1088 = tpu.memref_slice %arg4[%select_n3A_215, %while3A_1025, %dma_start3A_1087, %multiple_of3A_258] : memref<8x32x196x768xf32, #tpu.memory_space<hbm>> -> memref<1x1x196x128xf32, #tpu.memory_space<hbm>>
        %dma_start3A_1089 = tpu.memref_squeeze %dma_start3A_1088 : memref<1x1x196x128xf32, #tpu.memory_space<hbm>> -> memref<196x128xf32, #tpu.memory_space<hbm>>
        tpu.enqueue_dma source(%arg5 : memref<196x128xf32, #tpu.memory_space<vmem>>) target(%dma_start3A_1089 : memref<196x128xf32, #tpu.memory_space<hbm>>) target_semaphore(%arg11 : memref<!tpu.dma_semaphore, #tpu.memory_space<semaphore_mem>>)
      } else {
      }
      %jit3A_1047 = arith.constant 2 : i32
      %eq3A_1048 = arith.constant 0 : i32
      %eq3A_1049 = arith.cmpi eq, %jit3A_1047, %eq3A_1048 : i32
      %jit3A_1050 = arith.constant 1 : i32
      %select_n3A_1051 = arith.select %eq3A_1049, %jit3A_1050, %jit3A_1047 : i32
      %rem3A_1052 = arith.remsi %while3A_1025, %select_n3A_1051 : i32
      %ne3A_1053 = arith.constant 0 : i32
      %ne3A_1054 = arith.cmpi ne, %rem3A_1052, %ne3A_1053 : i32
      %lt3A_1055 = arith.constant 0 : i32
      %lt3A_1056 = arith.cmpi slt, %rem3A_1052, %lt3A_1055 : i32
      %lt3A_1057 = arith.constant 0 : i32
      %lt3A_1058 = arith.cmpi slt, %select_n3A_1051, %lt3A_1057 : i32
      %ne3A_1059 = arith.xori %lt3A_1056, %lt3A_1058 : i1
      %and3A_1060 = arith.andi %ne3A_1059, %ne3A_1054 : i1
      %add3A_1061 = arith.addi %rem3A_1052, %select_n3A_1051 : i32
      %select_n3A_1062 = arith.select %and3A_1060, %add3A_1061, %rem3A_1052 : i32
      %eq3A_1063 = arith.constant 1 : i32
      %eq3A_1064 = arith.cmpi eq, %select_n3A_1062, %eq3A_1063 : i32
      %convert_element_type3A_1065 = arith.extui %eq3A_1064 : i1 to i32
      %cond3A_1066 = arith.constant 0 : i32
      %cond3A_1067 = arith.cmpi ne, %convert_element_type3A_1065, %cond3A_1066 : i32
      scf.if %cond3A_1067 {
        %add3A_1068 = arith.constant 2 : i32
        %add3A_1069 = arith.addi %mul3A_284, %add3A_1068 : i32
        %ge3A_1070 = arith.cmpi sge, %while3A_1025, %add3A_1069 : i32
        %convert_element_type3A_1071 = arith.extui %ge3A_1070 : i1 to i32
        %cond3A_1072 = arith.constant 0 : i32
        %cond3A_1073 = arith.cmpi ne, %convert_element_type3A_1071, %cond3A_1072 : i32
        scf.if %cond3A_1073 {
          %dma_wait3A_1090 = arith.constant 0 : i32
          %dma_wait3A_1091 = tpu.memref_slice %arg4[%select_n3A_215, %while3A_1025, %dma_wait3A_1090, %multiple_of3A_258] : memref<8x32x196x768xf32, #tpu.memory_space<hbm>> -> memref<1x1x196x128xf32, #tpu.memory_space<hbm>>
          %dma_wait3A_1092 = tpu.memref_squeeze %dma_wait3A_1091 : memref<1x1x196x128xf32, #tpu.memory_space<hbm>> -> memref<196x128xf32, #tpu.memory_space<hbm>>
          %dma_wait3A_1093 = arith.constant 0 : i32
          %dma_wait3A_1094 = tpu.memref_slice %arg4[%select_n3A_215, %while3A_1025, %dma_wait3A_1093, %multiple_of3A_258] : memref<8x32x196x768xf32, #tpu.memory_space<hbm>> -> memref<1x1x196x128xf32, #tpu.memory_space<hbm>>
          %dma_wait3A_1095 = tpu.memref_squeeze %dma_wait3A_1094 : memref<1x1x196x128xf32, #tpu.memory_space<hbm>> -> memref<196x128xf32, #tpu.memory_space<hbm>>
          tpu.wait_dma2 semaphore(%arg12 : memref<!tpu.dma_semaphore, #tpu.memory_space<semaphore_mem>>) src(%arg6 : memref<196x128xf32, #tpu.memory_space<vmem>>) dst(%dma_wait3A_1095 : memref<196x128xf32, #tpu.memory_space<hbm>>)
        } else {
        }
        %dma_start3A = arith.constant 0 : i32
        %dma_start3A_1074 = tpu.memref_slice %arg2[%select_n3A_215, %while3A_1025, %dma_start3A, %multiple_of3A_258] : memref<8x32x196x768xf32, #tpu.memory_space<hbm>> -> memref<1x1x196x128xf32, #tpu.memory_space<hbm>>
        %dma_start3A_1075 = tpu.memref_squeeze %dma_start3A_1074 : memref<1x1x196x128xf32, #tpu.memory_space<hbm>> -> memref<196x128xf32, #tpu.memory_space<hbm>>
        %dma_start3A_1076 = arith.constant 0 : i32
        %dma_start3A_1077 = tpu.memref_slice %arg2[%select_n3A_215, %while3A_1025, %dma_start3A_1076, %multiple_of3A_258] : memref<8x32x196x768xf32, #tpu.memory_space<hbm>> -> memref<1x1x196x128xf32, #tpu.memory_space<hbm>>
        %dma_start3A_1078 = tpu.memref_squeeze %dma_start3A_1077 : memref<1x1x196x128xf32, #tpu.memory_space<hbm>> -> memref<196x128xf32, #tpu.memory_space<hbm>>
        tpu.enqueue_dma source(%dma_start3A_1078 : memref<196x128xf32, #tpu.memory_space<hbm>>) target(%arg6 : memref<196x128xf32, #tpu.memory_space<vmem>>) target_semaphore(%arg10 : memref<!tpu.dma_semaphore, #tpu.memory_space<semaphore_mem>>)
        %dma_wait3A = arith.constant 0 : i32
        %dma_wait3A_1079 = tpu.memref_slice %arg2[%select_n3A_215, %while3A_1025, %dma_wait3A, %multiple_of3A_258] : memref<8x32x196x768xf32, #tpu.memory_space<hbm>> -> memref<1x1x196x128xf32, #tpu.memory_space<hbm>>
        %dma_wait3A_1080 = tpu.memref_squeeze %dma_wait3A_1079 : memref<1x1x196x128xf32, #tpu.memory_space<hbm>> -> memref<196x128xf32, #tpu.memory_space<hbm>>
        %dma_wait3A_1081 = arith.constant 0 : i32
        %dma_wait3A_1082 = tpu.memref_slice %arg2[%select_n3A_215, %while3A_1025, %dma_wait3A_1081, %multiple_of3A_258] : memref<8x32x196x768xf32, #tpu.memory_space<hbm>> -> memref<1x1x196x128xf32, #tpu.memory_space<hbm>>
        %dma_wait3A_1083 = tpu.memref_squeeze %dma_wait3A_1082 : memref<1x1x196x128xf32, #tpu.memory_space<hbm>> -> memref<196x128xf32, #tpu.memory_space<hbm>>
        tpu.wait_dma2 semaphore(%arg10 : memref<!tpu.dma_semaphore, #tpu.memory_space<semaphore_mem>>) src(%dma_wait3A_1083 : memref<196x128xf32, #tpu.memory_space<hbm>>) dst(%arg6 : memref<196x128xf32, #tpu.memory_space<vmem>>)
        %dma_start3A_1084 = arith.constant 0 : i32
        %dma_start3A_1085 = tpu.memref_slice %arg4[%select_n3A_215, %while3A_1025, %dma_start3A_1084, %multiple_of3A_258] : memref<8x32x196x768xf32, #tpu.memory_space<hbm>> -> memref<1x1x196x128xf32, #tpu.memory_space<hbm>>
        %dma_start3A_1086 = tpu.memref_squeeze %dma_start3A_1085 : memref<1x1x196x128xf32, #tpu.memory_space<hbm>> -> memref<196x128xf32, #tpu.memory_space<hbm>>
        %dma_start3A_1087 = arith.constant 0 : i32
        %dma_start3A_1088 = tpu.memref_slice %arg4[%select_n3A_215, %while3A_1025, %dma_start3A_1087, %multiple_of3A_258] : memref<8x32x196x768xf32, #tpu.memory_space<hbm>> -> memref<1x1x196x128xf32, #tpu.memory_space<hbm>>
        %dma_start3A_1089 = tpu.memref_squeeze %dma_start3A_1088 : memref<1x1x196x128xf32, #tpu.memory_space<hbm>> -> memref<196x128xf32, #tpu.memory_space<hbm>>
        tpu.enqueue_dma source(%arg6 : memref<196x128xf32, #tpu.memory_space<vmem>>) target(%dma_start3A_1089 : memref<196x128xf32, #tpu.memory_space<hbm>>) target_semaphore(%arg12 : memref<!tpu.dma_semaphore, #tpu.memory_space<semaphore_mem>>)
      } else {
      }
    }
    %sub3A_386 = arith.subi %min3A_317, %mul3A_284 : i32
    %sub3A_387 = arith.constant 1 : i32
    %sub3A_388 = arith.subi %min3A_317, %sub3A_387 : i32
    %jit3A_389 = arith.constant 2 : i32
    %eq3A_390 = arith.constant 0 : i32
    %eq3A_391 = arith.cmpi eq, %jit3A_389, %eq3A_390 : i32
    %jit3A_392 = arith.constant 1 : i32
    %select_n3A_393 = arith.select %eq3A_391, %jit3A_392, %jit3A_389 : i32
    %rem3A_394 = arith.remsi %sub3A_388, %select_n3A_393 : i32
    %ne3A_395 = arith.constant 0 : i32
    %ne3A_396 = arith.cmpi ne, %rem3A_394, %ne3A_395 : i32
    %lt3A_397 = arith.constant 0 : i32
    %lt3A_398 = arith.cmpi slt, %rem3A_394, %lt3A_397 : i32
    %lt3A_399 = arith.constant 0 : i32
    %lt3A_400 = arith.cmpi slt, %select_n3A_393, %lt3A_399 : i32
    %ne3A_401 = arith.xori %lt3A_398, %lt3A_400 : i1
    %and3A_402 = arith.andi %ne3A_401, %ne3A_396 : i1
    %add3A_403 = arith.addi %rem3A_394, %select_n3A_393 : i32
    %select_n3A_404 = arith.select %and3A_402, %add3A_403, %rem3A_394 : i32
    %ge3A_405 = arith.constant 1 : i32
    %ge3A_406 = arith.cmpi sge, %sub3A_386, %ge3A_405 : i32
    %convert_element_type3A_407 = arith.extui %ge3A_406 : i1 to i32
    %cond3A_408 = arith.constant 0 : i32
    %cond3A_409 = arith.cmpi ne, %convert_element_type3A_407, %cond3A_408 : i32
    scf.if %cond3A_409 {
      %eq3A_1025 = arith.constant 0 : i32
      %eq3A_1026 = arith.cmpi eq, %select_n3A_404, %eq3A_1025 : i32
      %convert_element_type3A_1027 = arith.extui %eq3A_1026 : i1 to i32
      %cond3A_1028 = arith.constant 0 : i32
      %cond3A_1029 = arith.cmpi ne, %convert_element_type3A_1027, %cond3A_1028 : i32
      scf.if %cond3A_1029 {
        %dma_wait3A = arith.constant 0 : i32
        %dma_wait3A_1035 = tpu.memref_slice %arg4[%select_n3A_215, %mul3A_284, %dma_wait3A, %multiple_of3A_258] : memref<8x32x196x768xf32, #tpu.memory_space<hbm>> -> memref<1x1x196x128xf32, #tpu.memory_space<hbm>>
        %dma_wait3A_1036 = tpu.memref_squeeze %dma_wait3A_1035 : memref<1x1x196x128xf32, #tpu.memory_space<hbm>> -> memref<196x128xf32, #tpu.memory_space<hbm>>
        %dma_wait3A_1037 = arith.constant 0 : i32
        %dma_wait3A_1038 = tpu.memref_slice %arg4[%select_n3A_215, %mul3A_284, %dma_wait3A_1037, %multiple_of3A_258] : memref<8x32x196x768xf32, #tpu.memory_space<hbm>> -> memref<1x1x196x128xf32, #tpu.memory_space<hbm>>
        %dma_wait3A_1039 = tpu.memref_squeeze %dma_wait3A_1038 : memref<1x1x196x128xf32, #tpu.memory_space<hbm>> -> memref<196x128xf32, #tpu.memory_space<hbm>>
        tpu.wait_dma2 semaphore(%arg11 : memref<!tpu.dma_semaphore, #tpu.memory_space<semaphore_mem>>) src(%arg5 : memref<196x128xf32, #tpu.memory_space<vmem>>) dst(%dma_wait3A_1039 : memref<196x128xf32, #tpu.memory_space<hbm>>)
      } else {
      }
      %eq3A_1030 = arith.constant 1 : i32
      %eq3A_1031 = arith.cmpi eq, %select_n3A_404, %eq3A_1030 : i32
      %convert_element_type3A_1032 = arith.extui %eq3A_1031 : i1 to i32
      %cond3A_1033 = arith.constant 0 : i32
      %cond3A_1034 = arith.cmpi ne, %convert_element_type3A_1032, %cond3A_1033 : i32
      scf.if %cond3A_1034 {
        %dma_wait3A = arith.constant 0 : i32
        %dma_wait3A_1035 = tpu.memref_slice %arg4[%select_n3A_215, %mul3A_284, %dma_wait3A, %multiple_of3A_258] : memref<8x32x196x768xf32, #tpu.memory_space<hbm>> -> memref<1x1x196x128xf32, #tpu.memory_space<hbm>>
        %dma_wait3A_1036 = tpu.memref_squeeze %dma_wait3A_1035 : memref<1x1x196x128xf32, #tpu.memory_space<hbm>> -> memref<196x128xf32, #tpu.memory_space<hbm>>
        %dma_wait3A_1037 = arith.constant 0 : i32
        %dma_wait3A_1038 = tpu.memref_slice %arg4[%select_n3A_215, %mul3A_284, %dma_wait3A_1037, %multiple_of3A_258] : memref<8x32x196x768xf32, #tpu.memory_space<hbm>> -> memref<1x1x196x128xf32, #tpu.memory_space<hbm>>
        %dma_wait3A_1039 = tpu.memref_squeeze %dma_wait3A_1038 : memref<1x1x196x128xf32, #tpu.memory_space<hbm>> -> memref<196x128xf32, #tpu.memory_space<hbm>>
        tpu.wait_dma2 semaphore(%arg12 : memref<!tpu.dma_semaphore, #tpu.memory_space<semaphore_mem>>) src(%arg6 : memref<196x128xf32, #tpu.memory_space<vmem>>) dst(%dma_wait3A_1039 : memref<196x128xf32, #tpu.memory_space<hbm>>)
      } else {
      }
    } else {
    }
    %ge3A_410 = arith.constant 2 : i32
    %ge3A_411 = arith.cmpi sge, %sub3A_386, %ge3A_410 : i32
    %convert_element_type3A_412 = arith.extui %ge3A_411 : i1 to i32
    %cond3A_413 = arith.constant 0 : i32
    %cond3A_414 = arith.cmpi ne, %convert_element_type3A_412, %cond3A_413 : i32
    scf.if %cond3A_414 {
      %eq3A_1025 = arith.constant 0 : i32
      %eq3A_1026 = arith.cmpi eq, %select_n3A_404, %eq3A_1025 : i32
      %convert_element_type3A_1027 = arith.extui %eq3A_1026 : i1 to i32
      %cond3A_1028 = arith.constant 0 : i32
      %cond3A_1029 = arith.cmpi ne, %convert_element_type3A_1027, %cond3A_1028 : i32
      scf.if %cond3A_1029 {
        %dma_wait3A = arith.constant 0 : i32
        %dma_wait3A_1035 = tpu.memref_slice %arg4[%select_n3A_215, %mul3A_284, %dma_wait3A, %multiple_of3A_258] : memref<8x32x196x768xf32, #tpu.memory_space<hbm>> -> memref<1x1x196x128xf32, #tpu.memory_space<hbm>>
        %dma_wait3A_1036 = tpu.memref_squeeze %dma_wait3A_1035 : memref<1x1x196x128xf32, #tpu.memory_space<hbm>> -> memref<196x128xf32, #tpu.memory_space<hbm>>
        %dma_wait3A_1037 = arith.constant 0 : i32
        %dma_wait3A_1038 = tpu.memref_slice %arg4[%select_n3A_215, %mul3A_284, %dma_wait3A_1037, %multiple_of3A_258] : memref<8x32x196x768xf32, #tpu.memory_space<hbm>> -> memref<1x1x196x128xf32, #tpu.memory_space<hbm>>
        %dma_wait3A_1039 = tpu.memref_squeeze %dma_wait3A_1038 : memref<1x1x196x128xf32, #tpu.memory_space<hbm>> -> memref<196x128xf32, #tpu.memory_space<hbm>>
        tpu.wait_dma2 semaphore(%arg12 : memref<!tpu.dma_semaphore, #tpu.memory_space<semaphore_mem>>) src(%arg6 : memref<196x128xf32, #tpu.memory_space<vmem>>) dst(%dma_wait3A_1039 : memref<196x128xf32, #tpu.memory_space<hbm>>)
      } else {
      }
      %eq3A_1030 = arith.constant 1 : i32
      %eq3A_1031 = arith.cmpi eq, %select_n3A_404, %eq3A_1030 : i32
      %convert_element_type3A_1032 = arith.extui %eq3A_1031 : i1 to i32
      %cond3A_1033 = arith.constant 0 : i32
      %cond3A_1034 = arith.cmpi ne, %convert_element_type3A_1032, %cond3A_1033 : i32
      scf.if %cond3A_1034 {
        %dma_wait3A = arith.constant 0 : i32
        %dma_wait3A_1035 = tpu.memref_slice %arg4[%select_n3A_215, %mul3A_284, %dma_wait3A, %multiple_of3A_258] : memref<8x32x196x768xf32, #tpu.memory_space<hbm>> -> memref<1x1x196x128xf32, #tpu.memory_space<hbm>>
        %dma_wait3A_1036 = tpu.memref_squeeze %dma_wait3A_1035 : memref<1x1x196x128xf32, #tpu.memory_space<hbm>> -> memref<196x128xf32, #tpu.memory_space<hbm>>
        %dma_wait3A_1037 = arith.constant 0 : i32
        %dma_wait3A_1038 = tpu.memref_slice %arg4[%select_n3A_215, %mul3A_284, %dma_wait3A_1037, %multiple_of3A_258] : memref<8x32x196x768xf32, #tpu.memory_space<hbm>> -> memref<1x1x196x128xf32, #tpu.memory_space<hbm>>
        %dma_wait3A_1039 = tpu.memref_squeeze %dma_wait3A_1038 : memref<1x1x196x128xf32, #tpu.memory_space<hbm>> -> memref<196x128xf32, #tpu.memory_space<hbm>>
        tpu.wait_dma2 semaphore(%arg11 : memref<!tpu.dma_semaphore, #tpu.memory_space<semaphore_mem>>) src(%arg5 : memref<196x128xf32, #tpu.memory_space<vmem>>) dst(%dma_wait3A_1039 : memref<196x128xf32, #tpu.memory_space<hbm>>)
      } else {
      }
    } else {
    }
    %add3A_415 = arith.constant 64 : i32
    %add3A_416 = arith.addi %add3A, %add3A_415 : i32
    %jit3A_417 = arith.constant 8 : i32
    %eq3A_418 = arith.constant 0 : i32
    %eq3A_419 = arith.cmpi eq, %jit3A_417, %eq3A_418 : i32
    %jit3A_420 = arith.constant 1 : i32
    %select_n3A_421 = arith.select %eq3A_419, %jit3A_420, %jit3A_417 : i32
    %rem3A_422 = arith.remsi %add3A_416, %select_n3A_421 : i32
    %ne3A_423 = arith.constant 0 : i32
    %ne3A_424 = arith.cmpi ne, %rem3A_422, %ne3A_423 : i32
    %lt3A_425 = arith.constant 0 : i32
    %lt3A_426 = arith.cmpi slt, %rem3A_422, %lt3A_425 : i32
    %lt3A_427 = arith.constant 0 : i32
    %lt3A_428 = arith.cmpi slt, %select_n3A_421, %lt3A_427 : i32
    %ne3A_429 = arith.xori %lt3A_426, %lt3A_428 : i1
    %and3A_430 = arith.andi %ne3A_429, %ne3A_424 : i1
    %add3A_431 = arith.addi %rem3A_422, %select_n3A_421 : i32
    %select_n3A_432 = arith.select %and3A_430, %add3A_431, %rem3A_422 : i32
    %jit3A_433 = arith.constant 8 : i32
    %div3A_434 = arith.divsi %add3A_416, %jit3A_433 : i32
    %sign3A_435 = arith.constant 0 : i32
    %sign3A_436 = arith.cmpi sgt, %add3A_416, %sign3A_435 : i32
    %sign3A_437 = arith.extui %sign3A_436 : i1 to i32
    %sign3A_438 = arith.constant 0 : i32
    %sign3A_439 = arith.cmpi slt, %add3A_416, %sign3A_438 : i32
    %sign3A_440 = arith.extui %sign3A_439 : i1 to i32
    %sign3A_441 = arith.subi %sign3A_437, %sign3A_440 : i32
    %sign3A_442 = arith.constant 0 : i32
    %sign3A_443 = arith.cmpi sgt, %jit3A_433, %sign3A_442 : i32
    %sign3A_444 = arith.extui %sign3A_443 : i1 to i32
    %sign3A_445 = arith.constant 0 : i32
    %sign3A_446 = arith.cmpi slt, %jit3A_433, %sign3A_445 : i32
    %sign3A_447 = arith.extui %sign3A_446 : i1 to i32
    %sign3A_448 = arith.subi %sign3A_444, %sign3A_447 : i32
    %ne3A_449 = arith.cmpi ne, %sign3A_441, %sign3A_448 : i32
    %rem3A_450 = arith.remsi %add3A_416, %jit3A_433 : i32
    %ne3A_451 = arith.constant 0 : i32
    %ne3A_452 = arith.cmpi ne, %rem3A_450, %ne3A_451 : i32
    %and3A_453 = arith.andi %ne3A_449, %ne3A_452 : i1
    %sub3A_454 = arith.constant 1 : i32
    %sub3A_455 = arith.subi %div3A_434, %sub3A_454 : i32
    %select_n3A_456 = arith.select %and3A_453, %sub3A_455, %div3A_434 : i32
    %jit3A_457 = arith.constant 6 : i32
    %eq3A_458 = arith.constant 0 : i32
    %eq3A_459 = arith.cmpi eq, %jit3A_457, %eq3A_458 : i32
    %jit3A_460 = arith.constant 1 : i32
    %select_n3A_461 = arith.select %eq3A_459, %jit3A_460, %jit3A_457 : i32
    %rem3A_462 = arith.remsi %select_n3A_456, %select_n3A_461 : i32
    %ne3A_463 = arith.constant 0 : i32
    %ne3A_464 = arith.cmpi ne, %rem3A_462, %ne3A_463 : i32
    %lt3A_465 = arith.constant 0 : i32
    %lt3A_466 = arith.cmpi slt, %rem3A_462, %lt3A_465 : i32
    %lt3A_467 = arith.constant 0 : i32
    %lt3A_468 = arith.cmpi slt, %select_n3A_461, %lt3A_467 : i32
    %ne3A_469 = arith.xori %lt3A_466, %lt3A_468 : i1
    %and3A_470 = arith.andi %ne3A_469, %ne3A_464 : i1
    %add3A_471 = arith.addi %rem3A_462, %select_n3A_461 : i32
    %select_n3A_472 = arith.select %and3A_470, %add3A_471, %rem3A_462 : i32
    %mul3A_473 = arith.constant 128 : i32
    %mul3A_474 = arith.muli %select_n3A_472, %mul3A_473 : i32
    %multiple_of3A_475 = tpu.assume_multiple %mul3A_474, 128 : i32
    %jit3A_476 = arith.constant 6 : i32
    %div3A_477 = arith.divsi %select_n3A_456, %jit3A_476 : i32
    %sign3A_478 = arith.constant 0 : i32
    %sign3A_479 = arith.cmpi sgt, %select_n3A_456, %sign3A_478 : i32
    %sign3A_480 = arith.extui %sign3A_479 : i1 to i32
    %sign3A_481 = arith.constant 0 : i32
    %sign3A_482 = arith.cmpi slt, %select_n3A_456, %sign3A_481 : i32
    %sign3A_483 = arith.extui %sign3A_482 : i1 to i32
    %sign3A_484 = arith.subi %sign3A_480, %sign3A_483 : i32
    %sign3A_485 = arith.constant 0 : i32
    %sign3A_486 = arith.cmpi sgt, %jit3A_476, %sign3A_485 : i32
    %sign3A_487 = arith.extui %sign3A_486 : i1 to i32
    %sign3A_488 = arith.constant 0 : i32
    %sign3A_489 = arith.cmpi slt, %jit3A_476, %sign3A_488 : i32
    %sign3A_490 = arith.extui %sign3A_489 : i1 to i32
    %sign3A_491 = arith.subi %sign3A_487, %sign3A_490 : i32
    %ne3A_492 = arith.cmpi ne, %sign3A_484, %sign3A_491 : i32
    %rem3A_493 = arith.remsi %select_n3A_456, %jit3A_476 : i32
    %ne3A_494 = arith.constant 0 : i32
    %ne3A_495 = arith.cmpi ne, %rem3A_493, %ne3A_494 : i32
    %and3A_496 = arith.andi %ne3A_492, %ne3A_495 : i1
    %sub3A_497 = arith.constant 1 : i32
    %sub3A_498 = arith.subi %div3A_477, %sub3A_497 : i32
    %select_n3A_499 = arith.select %and3A_496, %sub3A_498, %div3A_477 : i32
    %mul3A_500 = arith.constant 16 : i32
    %mul3A_501 = arith.muli %select_n3A_499, %mul3A_500 : i32
    %eq3A_502 = arith.constant 1 : i32
    %eq3A_503 = arith.cmpi eq, %select_n3A_432, %eq3A_502 : i32
    %jit3A_504 = arith.constant 22 : i32
    %jit3A_505 = arith.constant 5 : i32
    %select_n3A_506 = arith.select %eq3A_503, %jit3A_504, %jit3A_505 : i32
    %eq3A_507 = arith.constant 2 : i32
    %eq3A_508 = arith.cmpi eq, %select_n3A_432, %eq3A_507 : i32
    %jit3A_509 = arith.constant 30 : i32
    %select_n3A_510 = arith.select %eq3A_508, %jit3A_509, %select_n3A_506 : i32
    %eq3A_511 = arith.constant 3 : i32
    %eq3A_512 = arith.cmpi eq, %select_n3A_432, %eq3A_511 : i32
    %jit3A_513 = arith.constant 12 : i32
    %select_n3A_514 = arith.select %eq3A_512, %jit3A_513, %select_n3A_510 : i32
    %eq3A_515 = arith.constant 4 : i32
    %eq3A_516 = arith.cmpi eq, %select_n3A_432, %eq3A_515 : i32
    %jit3A_517 = arith.constant 11 : i32
    %select_n3A_518 = arith.select %eq3A_516, %jit3A_517, %select_n3A_514 : i32
    %eq3A_519 = arith.constant 5 : i32
    %eq3A_520 = arith.cmpi eq, %select_n3A_432, %eq3A_519 : i32
    %jit3A_521 = arith.constant 10 : i32
    %select_n3A_522 = arith.select %eq3A_520, %jit3A_521, %select_n3A_518 : i32
    %eq3A_523 = arith.constant 6 : i32
    %eq3A_524 = arith.cmpi eq, %select_n3A_432, %eq3A_523 : i32
    %jit3A_525 = arith.constant 1 : i32
    %select_n3A_526 = arith.select %eq3A_524, %jit3A_525, %select_n3A_522 : i32
    %eq3A_527 = arith.constant 7 : i32
    %eq3A_528 = arith.cmpi eq, %select_n3A_432, %eq3A_527 : i32
    %jit3A_529 = arith.constant 10 : i32
    %select_n3A_530 = arith.select %eq3A_528, %jit3A_529, %select_n3A_526 : i32
    %add3A_531 = arith.constant 16 : i32
    %add3A_532 = arith.addi %mul3A_501, %add3A_531 : i32
    %max3A_533 = arith.maxsi %mul3A_501, %select_n3A_530 : i32
    %min3A_534 = arith.minsi %add3A_532, %max3A_533 : i32
    %add3A_535 = arith.constant 0 : i32
    %add3A_536 = arith.addi %add3A, %add3A_535 : i32
    %jit3A_537 = arith.constant 8 : i32
    %eq3A_538 = arith.constant 0 : i32
    %eq3A_539 = arith.cmpi eq, %jit3A_537, %eq3A_538 : i32
    %jit3A_540 = arith.constant 1 : i32
    %select_n3A_541 = arith.select %eq3A_539, %jit3A_540, %jit3A_537 : i32
    %rem3A_542 = arith.remsi %add3A_536, %select_n3A_541 : i32
    %ne3A_543 = arith.constant 0 : i32
    %ne3A_544 = arith.cmpi ne, %rem3A_542, %ne3A_543 : i32
    %lt3A_545 = arith.constant 0 : i32
    %lt3A_546 = arith.cmpi slt, %rem3A_542, %lt3A_545 : i32
    %lt3A_547 = arith.constant 0 : i32
    %lt3A_548 = arith.cmpi slt, %select_n3A_541, %lt3A_547 : i32
    %ne3A_549 = arith.xori %lt3A_546, %lt3A_548 : i1
    %and3A_550 = arith.andi %ne3A_549, %ne3A_544 : i1
    %add3A_551 = arith.addi %rem3A_542, %select_n3A_541 : i32
    %select_n3A_552 = arith.select %and3A_550, %add3A_551, %rem3A_542 : i32
    %jit3A_553 = arith.constant 8 : i32
    %div3A_554 = arith.divsi %add3A_536, %jit3A_553 : i32
    %sign3A_555 = arith.constant 0 : i32
    %sign3A_556 = arith.cmpi sgt, %add3A_536, %sign3A_555 : i32
    %sign3A_557 = arith.extui %sign3A_556 : i1 to i32
    %sign3A_558 = arith.constant 0 : i32
    %sign3A_559 = arith.cmpi slt, %add3A_536, %sign3A_558 : i32
    %sign3A_560 = arith.extui %sign3A_559 : i1 to i32
    %sign3A_561 = arith.subi %sign3A_557, %sign3A_560 : i32
    %sign3A_562 = arith.constant 0 : i32
    %sign3A_563 = arith.cmpi sgt, %jit3A_553, %sign3A_562 : i32
    %sign3A_564 = arith.extui %sign3A_563 : i1 to i32
    %sign3A_565 = arith.constant 0 : i32
    %sign3A_566 = arith.cmpi slt, %jit3A_553, %sign3A_565 : i32
    %sign3A_567 = arith.extui %sign3A_566 : i1 to i32
    %sign3A_568 = arith.subi %sign3A_564, %sign3A_567 : i32
    %ne3A_569 = arith.cmpi ne, %sign3A_561, %sign3A_568 : i32
    %rem3A_570 = arith.remsi %add3A_536, %jit3A_553 : i32
    %ne3A_571 = arith.constant 0 : i32
    %ne3A_572 = arith.cmpi ne, %rem3A_570, %ne3A_571 : i32
    %and3A_573 = arith.andi %ne3A_569, %ne3A_572 : i1
    %sub3A_574 = arith.constant 1 : i32
    %sub3A_575 = arith.subi %div3A_554, %sub3A_574 : i32
    %select_n3A_576 = arith.select %and3A_573, %sub3A_575, %div3A_554 : i32
    %jit3A_577 = arith.constant 6 : i32
    %eq3A_578 = arith.constant 0 : i32
    %eq3A_579 = arith.cmpi eq, %jit3A_577, %eq3A_578 : i32
    %jit3A_580 = arith.constant 1 : i32
    %select_n3A_581 = arith.select %eq3A_579, %jit3A_580, %jit3A_577 : i32
    %rem3A_582 = arith.remsi %select_n3A_576, %select_n3A_581 : i32
    %ne3A_583 = arith.constant 0 : i32
    %ne3A_584 = arith.cmpi ne, %rem3A_582, %ne3A_583 : i32
    %lt3A_585 = arith.constant 0 : i32
    %lt3A_586 = arith.cmpi slt, %rem3A_582, %lt3A_585 : i32
    %lt3A_587 = arith.constant 0 : i32
    %lt3A_588 = arith.cmpi slt, %select_n3A_581, %lt3A_587 : i32
    %ne3A_589 = arith.xori %lt3A_586, %lt3A_588 : i1
    %and3A_590 = arith.andi %ne3A_589, %ne3A_584 : i1
    %add3A_591 = arith.addi %rem3A_582, %select_n3A_581 : i32
    %select_n3A_592 = arith.select %and3A_590, %add3A_591, %rem3A_582 : i32
    %mul3A_593 = arith.constant 128 : i32
    %mul3A_594 = arith.muli %select_n3A_592, %mul3A_593 : i32
    %multiple_of3A_595 = tpu.assume_multiple %mul3A_594, 128 : i32
    %jit3A_596 = arith.constant 6 : i32
    %div3A_597 = arith.divsi %select_n3A_576, %jit3A_596 : i32
    %sign3A_598 = arith.constant 0 : i32
    %sign3A_599 = arith.cmpi sgt, %select_n3A_576, %sign3A_598 : i32
    %sign3A_600 = arith.extui %sign3A_599 : i1 to i32
    %sign3A_601 = arith.constant 0 : i32
    %sign3A_602 = arith.cmpi slt, %select_n3A_576, %sign3A_601 : i32
    %sign3A_603 = arith.extui %sign3A_602 : i1 to i32
    %sign3A_604 = arith.subi %sign3A_600, %sign3A_603 : i32
    %sign3A_605 = arith.constant 0 : i32
    %sign3A_606 = arith.cmpi sgt, %jit3A_596, %sign3A_605 : i32
    %sign3A_607 = arith.extui %sign3A_606 : i1 to i32
    %sign3A_608 = arith.constant 0 : i32
    %sign3A_609 = arith.cmpi slt, %jit3A_596, %sign3A_608 : i32
    %sign3A_610 = arith.extui %sign3A_609 : i1 to i32
    %sign3A_611 = arith.subi %sign3A_607, %sign3A_610 : i32
    %ne3A_612 = arith.cmpi ne, %sign3A_604, %sign3A_611 : i32
    %rem3A_613 = arith.remsi %select_n3A_576, %jit3A_596 : i32
    %ne3A_614 = arith.constant 0 : i32
    %ne3A_615 = arith.cmpi ne, %rem3A_613, %ne3A_614 : i32
    %and3A_616 = arith.andi %ne3A_612, %ne3A_615 : i1
    %sub3A_617 = arith.constant 1 : i32
    %sub3A_618 = arith.subi %div3A_597, %sub3A_617 : i32
    %select_n3A_619 = arith.select %and3A_616, %sub3A_618, %div3A_597 : i32
    %mul3A_620 = arith.constant 16 : i32
    %mul3A_621 = arith.muli %select_n3A_619, %mul3A_620 : i32
    %eq3A_622 = arith.constant 1 : i32
    %eq3A_623 = arith.cmpi eq, %select_n3A_552, %eq3A_622 : i32
    %jit3A_624 = arith.constant 22 : i32
    %jit3A_625 = arith.constant 5 : i32
    %select_n3A_626 = arith.select %eq3A_623, %jit3A_624, %jit3A_625 : i32
    %eq3A_627 = arith.constant 2 : i32
    %eq3A_628 = arith.cmpi eq, %select_n3A_552, %eq3A_627 : i32
    %jit3A_629 = arith.constant 30 : i32
    %select_n3A_630 = arith.select %eq3A_628, %jit3A_629, %select_n3A_626 : i32
    %eq3A_631 = arith.constant 3 : i32
    %eq3A_632 = arith.cmpi eq, %select_n3A_552, %eq3A_631 : i32
    %jit3A_633 = arith.constant 12 : i32
    %select_n3A_634 = arith.select %eq3A_632, %jit3A_633, %select_n3A_630 : i32
    %eq3A_635 = arith.constant 4 : i32
    %eq3A_636 = arith.cmpi eq, %select_n3A_552, %eq3A_635 : i32
    %jit3A_637 = arith.constant 11 : i32
    %select_n3A_638 = arith.select %eq3A_636, %jit3A_637, %select_n3A_634 : i32
    %eq3A_639 = arith.constant 5 : i32
    %eq3A_640 = arith.cmpi eq, %select_n3A_552, %eq3A_639 : i32
    %jit3A_641 = arith.constant 10 : i32
    %select_n3A_642 = arith.select %eq3A_640, %jit3A_641, %select_n3A_638 : i32
    %eq3A_643 = arith.constant 6 : i32
    %eq3A_644 = arith.cmpi eq, %select_n3A_552, %eq3A_643 : i32
    %jit3A_645 = arith.constant 1 : i32
    %select_n3A_646 = arith.select %eq3A_644, %jit3A_645, %select_n3A_642 : i32
    %eq3A_647 = arith.constant 7 : i32
    %eq3A_648 = arith.cmpi eq, %select_n3A_552, %eq3A_647 : i32
    %jit3A_649 = arith.constant 10 : i32
    %select_n3A_650 = arith.select %eq3A_648, %jit3A_649, %select_n3A_646 : i32
    %add3A_651 = arith.constant 16 : i32
    %add3A_652 = arith.addi %mul3A_621, %add3A_651 : i32
    %max3A_653 = arith.maxsi %mul3A_621, %select_n3A_650 : i32
    %min3A_654 = arith.minsi %add3A_652, %max3A_653 : i32
    %add3A_655 = arith.constant 16 : i32
    %add3A_656 = arith.addi %mul3A_621, %add3A_655 : i32
    %while3A_657 = arith.constant 0 : i32
    %while3A_658 = arith.subi %add3A_656, %min3A_654 : i32
    %while3A_659 = arith.addi %min3A_654, %while3A_658 : i32
    %while3A_660 = arith.constant 1 : i32
    %while3A_661 = arith.divsi %while3A_658, %while3A_660 : i32
    %while3A_662 = arith.muli %while3A_661, %while3A_660 : i32
    %while3A_663 = arith.addi %min3A_654, %while3A_662 : i32
    %while3A_664 = arith.constant 1 : i32
    scf.for %while3A_1025 = %min3A_654 to %while3A_663 step %while3A_664  : i32 {
      %dma_wait3A = arith.constant 0 : i32
      %dma_wait3A_1026 = tpu.memref_slice %arg4[%select_n3A_552, %mul3A_621, %dma_wait3A, %multiple_of3A_595] : memref<8x32x196x768xf32, #tpu.memory_space<hbm>> -> memref<1x1x196x128xf32, #tpu.memory_space<hbm>>
      %dma_wait3A_1027 = tpu.memref_squeeze %dma_wait3A_1026 : memref<1x1x196x128xf32, #tpu.memory_space<hbm>> -> memref<196x128xf32, #tpu.memory_space<hbm>>
      %dma_wait3A_1028 = arith.constant 0 : i32
      %dma_wait3A_1029 = tpu.memref_slice %arg4[%select_n3A_552, %mul3A_621, %dma_wait3A_1028, %multiple_of3A_595] : memref<8x32x196x768xf32, #tpu.memory_space<hbm>> -> memref<1x1x196x128xf32, #tpu.memory_space<hbm>>
      %dma_wait3A_1030 = tpu.memref_squeeze %dma_wait3A_1029 : memref<1x1x196x128xf32, #tpu.memory_space<hbm>> -> memref<196x128xf32, #tpu.memory_space<hbm>>
      tpu.wait_dma2 semaphore(%arg13 : memref<!tpu.dma_semaphore, #tpu.memory_space<semaphore_mem>>) src(%arg7 : memref<196x128xf32, #tpu.memory_space<vmem>>) dst(%dma_wait3A_1030 : memref<196x128xf32, #tpu.memory_space<hbm>>)
    }
    %while3A_665 = arith.constant 1 : i32
    scf.for %while3A_1025 = %while3A_663 to %while3A_659 step %while3A_665  : i32 {
      %dma_wait3A = arith.constant 0 : i32
      %dma_wait3A_1026 = tpu.memref_slice %arg4[%select_n3A_552, %mul3A_621, %dma_wait3A, %multiple_of3A_595] : memref<8x32x196x768xf32, #tpu.memory_space<hbm>> -> memref<1x1x196x128xf32, #tpu.memory_space<hbm>>
      %dma_wait3A_1027 = tpu.memref_squeeze %dma_wait3A_1026 : memref<1x1x196x128xf32, #tpu.memory_space<hbm>> -> memref<196x128xf32, #tpu.memory_space<hbm>>
      %dma_wait3A_1028 = arith.constant 0 : i32
      %dma_wait3A_1029 = tpu.memref_slice %arg4[%select_n3A_552, %mul3A_621, %dma_wait3A_1028, %multiple_of3A_595] : memref<8x32x196x768xf32, #tpu.memory_space<hbm>> -> memref<1x1x196x128xf32, #tpu.memory_space<hbm>>
      %dma_wait3A_1030 = tpu.memref_squeeze %dma_wait3A_1029 : memref<1x1x196x128xf32, #tpu.memory_space<hbm>> -> memref<196x128xf32, #tpu.memory_space<hbm>>
      tpu.wait_dma2 semaphore(%arg13 : memref<!tpu.dma_semaphore, #tpu.memory_space<semaphore_mem>>) src(%arg7 : memref<196x128xf32, #tpu.memory_space<vmem>>) dst(%dma_wait3A_1030 : memref<196x128xf32, #tpu.memory_space<hbm>>)
    }
    %run_scoped3A_666 = arith.constant 0 : i32
    %run_scoped3A_667 = arith.constant 0 : i32
    "tpu.region"() ({
      %run_scoped3A_1025 = tpu.sem_alloc : memref<!tpu.dma_semaphore, #tpu.memory_space<semaphore_mem>>
      %dma_start3A = arith.constant 0 : i32
      %dma_start3A_1026 = tpu.memref_slice %arg7[%run_scoped3A_667, %dma_start3A] : memref<196x128xf32, #tpu.memory_space<vmem>> -> memref<1x128xf32, #tpu.memory_space<vmem>>
      %dma_start3A_1027 = tpu.memref_squeeze %dma_start3A_1026 : memref<1x128xf32, #tpu.memory_space<vmem>> -> memref<128xf32, #tpu.memory_space<vmem>>
      %dma_start3A_1028 = tpu.memref_slice %arg3[%select_n3A_432, %run_scoped3A_666, %multiple_of3A_475] : memref<8x1x768xf32, #tpu.memory_space<hbm>> -> memref<1x1x128xf32, #tpu.memory_space<hbm>>
      %dma_start3A_1029 = tpu.memref_squeeze %dma_start3A_1028 : memref<1x1x128xf32, #tpu.memory_space<hbm>> -> memref<128xf32, #tpu.memory_space<hbm>>
      %dma_start3A_1030 = arith.constant 0 : i32
      %dma_start3A_1031 = tpu.memref_slice %arg7[%run_scoped3A_667, %dma_start3A_1030] : memref<196x128xf32, #tpu.memory_space<vmem>> -> memref<1x128xf32, #tpu.memory_space<vmem>>
      %dma_start3A_1032 = tpu.memref_squeeze %dma_start3A_1031 : memref<1x128xf32, #tpu.memory_space<vmem>> -> memref<128xf32, #tpu.memory_space<vmem>>
      %dma_start3A_1033 = tpu.memref_slice %arg3[%select_n3A_432, %run_scoped3A_666, %multiple_of3A_475] : memref<8x1x768xf32, #tpu.memory_space<hbm>> -> memref<1x1x128xf32, #tpu.memory_space<hbm>>
      %dma_start3A_1034 = tpu.memref_squeeze %dma_start3A_1033 : memref<1x1x128xf32, #tpu.memory_space<hbm>> -> memref<128xf32, #tpu.memory_space<hbm>>
      tpu.enqueue_dma source(%dma_start3A_1034 : memref<128xf32, #tpu.memory_space<hbm>>) target(%dma_start3A_1032 : memref<128xf32, #tpu.memory_space<vmem>>) target_semaphore(%run_scoped3A_1025 : memref<!tpu.dma_semaphore, #tpu.memory_space<semaphore_mem>>)
      %dma_wait3A = arith.constant 0 : i32
      %dma_wait3A_1035 = tpu.memref_slice %arg7[%run_scoped3A_667, %dma_wait3A] : memref<196x128xf32, #tpu.memory_space<vmem>> -> memref<1x128xf32, #tpu.memory_space<vmem>>
      %dma_wait3A_1036 = tpu.memref_squeeze %dma_wait3A_1035 : memref<1x128xf32, #tpu.memory_space<vmem>> -> memref<128xf32, #tpu.memory_space<vmem>>
      %dma_wait3A_1037 = tpu.memref_slice %arg3[%select_n3A_432, %run_scoped3A_666, %multiple_of3A_475] : memref<8x1x768xf32, #tpu.memory_space<hbm>> -> memref<1x1x128xf32, #tpu.memory_space<hbm>>
      %dma_wait3A_1038 = tpu.memref_squeeze %dma_wait3A_1037 : memref<1x1x128xf32, #tpu.memory_space<hbm>> -> memref<128xf32, #tpu.memory_space<hbm>>
      %dma_wait3A_1039 = arith.constant 0 : i32
      %dma_wait3A_1040 = tpu.memref_slice %arg7[%run_scoped3A_667, %dma_wait3A_1039] : memref<196x128xf32, #tpu.memory_space<vmem>> -> memref<1x128xf32, #tpu.memory_space<vmem>>
      %dma_wait3A_1041 = tpu.memref_squeeze %dma_wait3A_1040 : memref<1x128xf32, #tpu.memory_space<vmem>> -> memref<128xf32, #tpu.memory_space<vmem>>
      %dma_wait3A_1042 = tpu.memref_slice %arg3[%select_n3A_432, %run_scoped3A_666, %multiple_of3A_475] : memref<8x1x768xf32, #tpu.memory_space<hbm>> -> memref<1x1x128xf32, #tpu.memory_space<hbm>>
      %dma_wait3A_1043 = tpu.memref_squeeze %dma_wait3A_1042 : memref<1x1x128xf32, #tpu.memory_space<hbm>> -> memref<128xf32, #tpu.memory_space<hbm>>
      tpu.wait_dma2 semaphore(%run_scoped3A_1025 : memref<!tpu.dma_semaphore, #tpu.memory_space<semaphore_mem>>) src(%dma_wait3A_1043 : memref<128xf32, #tpu.memory_space<hbm>>) dst(%dma_wait3A_1041 : memref<128xf32, #tpu.memory_space<vmem>>)
      tpu.yield
    }) : () -> ()
    %get3A_668 = arith.constant 0 : i32
    %get3A_669 = arith.index_cast %get3A_668 : i32 to index
    %get3A_670 = arith.constant 0 : index
    %get3A_671 = tpu.vector_load %arg7[%get3A_669, %get3A_670] {strides = array<i32>} : memref<196x128xf32, #tpu.memory_space<vmem>>, vector<1x16xf32>,
    %get3A_672 = vector.shape_cast %get3A_671 : vector<1x16xf32> to vector<16xf32>
    %get3A_673 = arith.constant 0 : i32
    %get3A_674 = arith.index_cast %get3A_673 : i32 to index
    %get3A_675 = arith.constant 16 : index
    %get3A_676 = tpu.vector_load %arg7[%get3A_674, %get3A_675] {strides = array<i32>} : memref<196x128xf32, #tpu.memory_space<vmem>>, vector<1x16xf32>,
    %get3A_677 = vector.shape_cast %get3A_676 : vector<1x16xf32> to vector<16xf32>
    %get3A_678 = arith.constant 0 : i32
    %get3A_679 = arith.index_cast %get3A_678 : i32 to index
    %get3A_680 = arith.constant 32 : index
    %get3A_681 = tpu.vector_load %arg7[%get3A_679, %get3A_680] {strides = array<i32>} : memref<196x128xf32, #tpu.memory_space<vmem>>, vector<1x16xf32>,
    %get3A_682 = vector.shape_cast %get3A_681 : vector<1x16xf32> to vector<16xf32>
    %get3A_683 = arith.constant 0 : i32
    %get3A_684 = arith.index_cast %get3A_683 : i32 to index
    %get3A_685 = arith.constant 48 : index
    %get3A_686 = tpu.vector_load %arg7[%get3A_684, %get3A_685] {strides = array<i32>} : memref<196x128xf32, #tpu.memory_space<vmem>>, vector<1x16xf32>,
    %get3A_687 = vector.shape_cast %get3A_686 : vector<1x16xf32> to vector<16xf32>
    %get3A_688 = arith.constant 0 : i32
    %get3A_689 = arith.index_cast %get3A_688 : i32 to index
    %get3A_690 = arith.constant 64 : index
    %get3A_691 = tpu.vector_load %arg7[%get3A_689, %get3A_690] {strides = array<i32>} : memref<196x128xf32, #tpu.memory_space<vmem>>, vector<1x16xf32>,
    %get3A_692 = vector.shape_cast %get3A_691 : vector<1x16xf32> to vector<16xf32>
    %get3A_693 = arith.constant 0 : i32
    %get3A_694 = arith.index_cast %get3A_693 : i32 to index
    %get3A_695 = arith.constant 80 : index
    %get3A_696 = tpu.vector_load %arg7[%get3A_694, %get3A_695] {strides = array<i32>} : memref<196x128xf32, #tpu.memory_space<vmem>>, vector<1x16xf32>,
    %get3A_697 = vector.shape_cast %get3A_696 : vector<1x16xf32> to vector<16xf32>
    %get3A_698 = arith.constant 0 : i32
    %get3A_699 = arith.index_cast %get3A_698 : i32 to index
    %get3A_700 = arith.constant 96 : index
    %get3A_701 = tpu.vector_load %arg7[%get3A_699, %get3A_700] {strides = array<i32>} : memref<196x128xf32, #tpu.memory_space<vmem>>, vector<1x16xf32>,
    %get3A_702 = vector.shape_cast %get3A_701 : vector<1x16xf32> to vector<16xf32>
    %get3A_703 = arith.constant 0 : i32
    %get3A_704 = arith.index_cast %get3A_703 : i32 to index
    %get3A_705 = arith.constant 112 : index
    %get3A_706 = tpu.vector_load %arg7[%get3A_704, %get3A_705] {strides = array<i32>} : memref<196x128xf32, #tpu.memory_space<vmem>>, vector<1x16xf32>,
    %get3A_707 = vector.shape_cast %get3A_706 : vector<1x16xf32> to vector<16xf32>
    %scan3A_708 = arith.constant 0 : i32
    %scan3A_709 = arith.constant 1 : i32
    %scan3A_710 = arith.constant 195 : i32
    %scan3A_711 = arith.addi %scan3A_709, %scan3A_710 : i32
    %scan3A_712 = arith.constant 1 : i32
    scf.for %scan3A_1025 = %scan3A_709 to %scan3A_711 step %scan3A_712  : i32 {
      %swap3A = arith.index_cast %scan3A_1025 : i32 to index
      %swap3A_1026 = arith.constant 0 : index
      %swap3A_1027 = tpu.vector_load %arg7[%swap3A, %swap3A_1026] {strides = array<i32>} : memref<196x128xf32, #tpu.memory_space<vmem>>, vector<1x16xf32>,
      %swap3A_1028 = vector.shape_cast %swap3A_1027 : vector<1x16xf32> to vector<16xf32>
      %swap3A_1029 = vector.shape_cast %get3A_672 : vector<16xf32> to vector<1x16xf32>
      tpu.vector_store %arg7[%swap3A, %swap3A_1026], %swap3A_1029 {strides = array<i32>} : memref<196x128xf32, #tpu.memory_space<vmem>>, vector<1x16xf32>,
      %swap3A_1030 = arith.index_cast %scan3A_1025 : i32 to index
      %swap3A_1031 = arith.constant 16 : index
      %swap3A_1032 = tpu.vector_load %arg7[%swap3A_1030, %swap3A_1031] {strides = array<i32>} : memref<196x128xf32, #tpu.memory_space<vmem>>, vector<1x16xf32>,
      %swap3A_1033 = vector.shape_cast %swap3A_1032 : vector<1x16xf32> to vector<16xf32>
      %swap3A_1034 = vector.shape_cast %get3A_677 : vector<16xf32> to vector<1x16xf32>
      tpu.vector_store %arg7[%swap3A_1030, %swap3A_1031], %swap3A_1034 {strides = array<i32>} : memref<196x128xf32, #tpu.memory_space<vmem>>, vector<1x16xf32>,
      %swap3A_1035 = arith.index_cast %scan3A_1025 : i32 to index
      %swap3A_1036 = arith.constant 32 : index
      %swap3A_1037 = tpu.vector_load %arg7[%swap3A_1035, %swap3A_1036] {strides = array<i32>} : memref<196x128xf32, #tpu.memory_space<vmem>>, vector<1x16xf32>,
      %swap3A_1038 = vector.shape_cast %swap3A_1037 : vector<1x16xf32> to vector<16xf32>
      %swap3A_1039 = vector.shape_cast %get3A_682 : vector<16xf32> to vector<1x16xf32>
      tpu.vector_store %arg7[%swap3A_1035, %swap3A_1036], %swap3A_1039 {strides = array<i32>} : memref<196x128xf32, #tpu.memory_space<vmem>>, vector<1x16xf32>,
      %swap3A_1040 = arith.index_cast %scan3A_1025 : i32 to index
      %swap3A_1041 = arith.constant 48 : index
      %swap3A_1042 = tpu.vector_load %arg7[%swap3A_1040, %swap3A_1041] {strides = array<i32>} : memref<196x128xf32, #tpu.memory_space<vmem>>, vector<1x16xf32>,
      %swap3A_1043 = vector.shape_cast %swap3A_1042 : vector<1x16xf32> to vector<16xf32>
      %swap3A_1044 = vector.shape_cast %get3A_687 : vector<16xf32> to vector<1x16xf32>
      tpu.vector_store %arg7[%swap3A_1040, %swap3A_1041], %swap3A_1044 {strides = array<i32>} : memref<196x128xf32, #tpu.memory_space<vmem>>, vector<1x16xf32>,
      %swap3A_1045 = arith.index_cast %scan3A_1025 : i32 to index
      %swap3A_1046 = arith.constant 64 : index
      %swap3A_1047 = tpu.vector_load %arg7[%swap3A_1045, %swap3A_1046] {strides = array<i32>} : memref<196x128xf32, #tpu.memory_space<vmem>>, vector<1x16xf32>,
      %swap3A_1048 = vector.shape_cast %swap3A_1047 : vector<1x16xf32> to vector<16xf32>
      %swap3A_1049 = vector.shape_cast %get3A_692 : vector<16xf32> to vector<1x16xf32>
      tpu.vector_store %arg7[%swap3A_1045, %swap3A_1046], %swap3A_1049 {strides = array<i32>} : memref<196x128xf32, #tpu.memory_space<vmem>>, vector<1x16xf32>,
      %swap3A_1050 = arith.index_cast %scan3A_1025 : i32 to index
      %swap3A_1051 = arith.constant 80 : index
      %swap3A_1052 = tpu.vector_load %arg7[%swap3A_1050, %swap3A_1051] {strides = array<i32>} : memref<196x128xf32, #tpu.memory_space<vmem>>, vector<1x16xf32>,
      %swap3A_1053 = vector.shape_cast %swap3A_1052 : vector<1x16xf32> to vector<16xf32>
      %swap3A_1054 = vector.shape_cast %get3A_697 : vector<16xf32> to vector<1x16xf32>
      tpu.vector_store %arg7[%swap3A_1050, %swap3A_1051], %swap3A_1054 {strides = array<i32>} : memref<196x128xf32, #tpu.memory_space<vmem>>, vector<1x16xf32>,
      %swap3A_1055 = arith.index_cast %scan3A_1025 : i32 to index
      %swap3A_1056 = arith.constant 96 : index
      %swap3A_1057 = tpu.vector_load %arg7[%swap3A_1055, %swap3A_1056] {strides = array<i32>} : memref<196x128xf32, #tpu.memory_space<vmem>>, vector<1x16xf32>,
      %swap3A_1058 = vector.shape_cast %swap3A_1057 : vector<1x16xf32> to vector<16xf32>
      %swap3A_1059 = vector.shape_cast %get3A_702 : vector<16xf32> to vector<1x16xf32>
      tpu.vector_store %arg7[%swap3A_1055, %swap3A_1056], %swap3A_1059 {strides = array<i32>} : memref<196x128xf32, #tpu.memory_space<vmem>>, vector<1x16xf32>,
      %swap3A_1060 = arith.index_cast %scan3A_1025 : i32 to index
      %swap3A_1061 = arith.constant 112 : index
      %swap3A_1062 = tpu.vector_load %arg7[%swap3A_1060, %swap3A_1061] {strides = array<i32>} : memref<196x128xf32, #tpu.memory_space<vmem>>, vector<1x16xf32>,
      %swap3A_1063 = vector.shape_cast %swap3A_1062 : vector<1x16xf32> to vector<16xf32>
      %swap3A_1064 = vector.shape_cast %get3A_707 : vector<16xf32> to vector<1x16xf32>
      tpu.vector_store %arg7[%swap3A_1060, %swap3A_1061], %swap3A_1064 {strides = array<i32>} : memref<196x128xf32, #tpu.memory_space<vmem>>, vector<1x16xf32>,
    }
    %scan3A_713 = arith.constant 195 : i32
    %add3A_714 = arith.constant 16 : i32
    %add3A_715 = arith.addi %mul3A_501, %add3A_714 : i32
    %while3A_716 = arith.constant 0 : i32
    %while3A_717 = arith.subi %add3A_715, %min3A_534 : i32
    %while3A_718 = arith.addi %min3A_534, %while3A_717 : i32
    %while3A_719 = arith.constant 1 : i32
    %while3A_720 = arith.divsi %while3A_717, %while3A_719 : i32
    %while3A_721 = arith.muli %while3A_720, %while3A_719 : i32
    %while3A_722 = arith.addi %min3A_534, %while3A_721 : i32
    %while3A_723 = arith.constant 1 : i32
    scf.for %while3A_1025 = %min3A_534 to %while3A_722 step %while3A_723  : i32 {
      %dma_start3A = arith.constant 0 : i32
      %dma_start3A_1026 = tpu.memref_slice %arg4[%select_n3A_432, %while3A_1025, %dma_start3A, %multiple_of3A_475] : memref<8x32x196x768xf32, #tpu.memory_space<hbm>> -> memref<1x1x196x128xf32, #tpu.memory_space<hbm>>
      %dma_start3A_1027 = tpu.memref_squeeze %dma_start3A_1026 : memref<1x1x196x128xf32, #tpu.memory_space<hbm>> -> memref<196x128xf32, #tpu.memory_space<hbm>>
      %dma_start3A_1028 = arith.constant 0 : i32
      %dma_start3A_1029 = tpu.memref_slice %arg4[%select_n3A_432, %while3A_1025, %dma_start3A_1028, %multiple_of3A_475] : memref<8x32x196x768xf32, #tpu.memory_space<hbm>> -> memref<1x1x196x128xf32, #tpu.memory_space<hbm>>
      %dma_start3A_1030 = tpu.memref_squeeze %dma_start3A_1029 : memref<1x1x196x128xf32, #tpu.memory_space<hbm>> -> memref<196x128xf32, #tpu.memory_space<hbm>>
      tpu.enqueue_dma source(%arg7 : memref<196x128xf32, #tpu.memory_space<vmem>>) target(%dma_start3A_1030 : memref<196x128xf32, #tpu.memory_space<hbm>>) target_semaphore(%arg13 : memref<!tpu.dma_semaphore, #tpu.memory_space<semaphore_mem>>)
    }
    %while3A_724 = arith.constant 1 : i32
    scf.for %while3A_1025 = %while3A_722 to %while3A_718 step %while3A_724  : i32 {
      %dma_start3A = arith.constant 0 : i32
      %dma_start3A_1026 = tpu.memref_slice %arg4[%select_n3A_432, %while3A_1025, %dma_start3A, %multiple_of3A_475] : memref<8x32x196x768xf32, #tpu.memory_space<hbm>> -> memref<1x1x196x128xf32, #tpu.memory_space<hbm>>
      %dma_start3A_1027 = tpu.memref_squeeze %dma_start3A_1026 : memref<1x1x196x128xf32, #tpu.memory_space<hbm>> -> memref<196x128xf32, #tpu.memory_space<hbm>>
      %dma_start3A_1028 = arith.constant 0 : i32
      %dma_start3A_1029 = tpu.memref_slice %arg4[%select_n3A_432, %while3A_1025, %dma_start3A_1028, %multiple_of3A_475] : memref<8x32x196x768xf32, #tpu.memory_space<hbm>> -> memref<1x1x196x128xf32, #tpu.memory_space<hbm>>
      %dma_start3A_1030 = tpu.memref_squeeze %dma_start3A_1029 : memref<1x1x196x128xf32, #tpu.memory_space<hbm>> -> memref<196x128xf32, #tpu.memory_space<hbm>>
      tpu.enqueue_dma source(%arg7 : memref<196x128xf32, #tpu.memory_space<vmem>>) target(%dma_start3A_1030 : memref<196x128xf32, #tpu.memory_space<hbm>>) target_semaphore(%arg13 : memref<!tpu.dma_semaphore, #tpu.memory_space<semaphore_mem>>)
    }
    %while3A_725 = arith.constant 0 : i32
    %while3A_726 = arith.subi %min3A_534, %mul3A_501 : i32
    %while3A_727 = arith.addi %mul3A_501, %while3A_726 : i32
    %while3A_728 = arith.constant 1 : i32
    %while3A_729 = arith.divsi %while3A_726, %while3A_728 : i32
    %while3A_730 = arith.muli %while3A_729, %while3A_728 : i32
    %while3A_731 = arith.addi %mul3A_501, %while3A_730 : i32
    %while3A_732 = arith.constant 1 : i32
    scf.for %while3A_1025 = %mul3A_501 to %while3A_731 step %while3A_732  : i32 {
      %jit3A_1026 = arith.constant 2 : i32
      %eq3A_1027 = arith.constant 0 : i32
      %eq3A_1028 = arith.cmpi eq, %jit3A_1026, %eq3A_1027 : i32
      %jit3A_1029 = arith.constant 1 : i32
      %select_n3A_1030 = arith.select %eq3A_1028, %jit3A_1029, %jit3A_1026 : i32
      %rem3A_1031 = arith.remsi %while3A_1025, %select_n3A_1030 : i32
      %ne3A_1032 = arith.constant 0 : i32
      %ne3A_1033 = arith.cmpi ne, %rem3A_1031, %ne3A_1032 : i32
      %lt3A_1034 = arith.constant 0 : i32
      %lt3A_1035 = arith.cmpi slt, %rem3A_1031, %lt3A_1034 : i32
      %lt3A_1036 = arith.constant 0 : i32
      %lt3A_1037 = arith.cmpi slt, %select_n3A_1030, %lt3A_1036 : i32
      %ne3A_1038 = arith.xori %lt3A_1035, %lt3A_1037 : i1
      %and3A_1039 = arith.andi %ne3A_1038, %ne3A_1033 : i1
      %add3A_1040 = arith.addi %rem3A_1031, %select_n3A_1030 : i32
      %select_n3A_1041 = arith.select %and3A_1039, %add3A_1040, %rem3A_1031 : i32
      %eq3A_1042 = arith.constant 0 : i32
      %eq3A_1043 = arith.cmpi eq, %select_n3A_1041, %eq3A_1042 : i32
      %convert_element_type3A_1044 = arith.extui %eq3A_1043 : i1 to i32
      %cond3A_1045 = arith.constant 0 : i32
      %cond3A_1046 = arith.cmpi ne, %convert_element_type3A_1044, %cond3A_1045 : i32
      scf.if %cond3A_1046 {
        %add3A_1068 = arith.constant 2 : i32
        %add3A_1069 = arith.addi %mul3A_501, %add3A_1068 : i32
        %ge3A_1070 = arith.cmpi sge, %while3A_1025, %add3A_1069 : i32
        %convert_element_type3A_1071 = arith.extui %ge3A_1070 : i1 to i32
        %cond3A_1072 = arith.constant 0 : i32
        %cond3A_1073 = arith.cmpi ne, %convert_element_type3A_1071, %cond3A_1072 : i32
        scf.if %cond3A_1073 {
          %dma_wait3A_1090 = arith.constant 0 : i32
          %dma_wait3A_1091 = tpu.memref_slice %arg4[%select_n3A_432, %while3A_1025, %dma_wait3A_1090, %multiple_of3A_475] : memref<8x32x196x768xf32, #tpu.memory_space<hbm>> -> memref<1x1x196x128xf32, #tpu.memory_space<hbm>>
          %dma_wait3A_1092 = tpu.memref_squeeze %dma_wait3A_1091 : memref<1x1x196x128xf32, #tpu.memory_space<hbm>> -> memref<196x128xf32, #tpu.memory_space<hbm>>
          %dma_wait3A_1093 = arith.constant 0 : i32
          %dma_wait3A_1094 = tpu.memref_slice %arg4[%select_n3A_432, %while3A_1025, %dma_wait3A_1093, %multiple_of3A_475] : memref<8x32x196x768xf32, #tpu.memory_space<hbm>> -> memref<1x1x196x128xf32, #tpu.memory_space<hbm>>
          %dma_wait3A_1095 = tpu.memref_squeeze %dma_wait3A_1094 : memref<1x1x196x128xf32, #tpu.memory_space<hbm>> -> memref<196x128xf32, #tpu.memory_space<hbm>>
          tpu.wait_dma2 semaphore(%arg11 : memref<!tpu.dma_semaphore, #tpu.memory_space<semaphore_mem>>) src(%arg5 : memref<196x128xf32, #tpu.memory_space<vmem>>) dst(%dma_wait3A_1095 : memref<196x128xf32, #tpu.memory_space<hbm>>)
        } else {
        }
        %dma_start3A = arith.constant 0 : i32
        %dma_start3A_1074 = tpu.memref_slice %arg2[%select_n3A_432, %while3A_1025, %dma_start3A, %multiple_of3A_475] : memref<8x32x196x768xf32, #tpu.memory_space<hbm>> -> memref<1x1x196x128xf32, #tpu.memory_space<hbm>>
        %dma_start3A_1075 = tpu.memref_squeeze %dma_start3A_1074 : memref<1x1x196x128xf32, #tpu.memory_space<hbm>> -> memref<196x128xf32, #tpu.memory_space<hbm>>
        %dma_start3A_1076 = arith.constant 0 : i32
        %dma_start3A_1077 = tpu.memref_slice %arg2[%select_n3A_432, %while3A_1025, %dma_start3A_1076, %multiple_of3A_475] : memref<8x32x196x768xf32, #tpu.memory_space<hbm>> -> memref<1x1x196x128xf32, #tpu.memory_space<hbm>>
        %dma_start3A_1078 = tpu.memref_squeeze %dma_start3A_1077 : memref<1x1x196x128xf32, #tpu.memory_space<hbm>> -> memref<196x128xf32, #tpu.memory_space<hbm>>
        tpu.enqueue_dma source(%dma_start3A_1078 : memref<196x128xf32, #tpu.memory_space<hbm>>) target(%arg5 : memref<196x128xf32, #tpu.memory_space<vmem>>) target_semaphore(%arg9 : memref<!tpu.dma_semaphore, #tpu.memory_space<semaphore_mem>>)
        %dma_wait3A = arith.constant 0 : i32
        %dma_wait3A_1079 = tpu.memref_slice %arg2[%select_n3A_432, %while3A_1025, %dma_wait3A, %multiple_of3A_475] : memref<8x32x196x768xf32, #tpu.memory_space<hbm>> -> memref<1x1x196x128xf32, #tpu.memory_space<hbm>>
        %dma_wait3A_1080 = tpu.memref_squeeze %dma_wait3A_1079 : memref<1x1x196x128xf32, #tpu.memory_space<hbm>> -> memref<196x128xf32, #tpu.memory_space<hbm>>
        %dma_wait3A_1081 = arith.constant 0 : i32
        %dma_wait3A_1082 = tpu.memref_slice %arg2[%select_n3A_432, %while3A_1025, %dma_wait3A_1081, %multiple_of3A_475] : memref<8x32x196x768xf32, #tpu.memory_space<hbm>> -> memref<1x1x196x128xf32, #tpu.memory_space<hbm>>
        %dma_wait3A_1083 = tpu.memref_squeeze %dma_wait3A_1082 : memref<1x1x196x128xf32, #tpu.memory_space<hbm>> -> memref<196x128xf32, #tpu.memory_space<hbm>>
        tpu.wait_dma2 semaphore(%arg9 : memref<!tpu.dma_semaphore, #tpu.memory_space<semaphore_mem>>) src(%dma_wait3A_1083 : memref<196x128xf32, #tpu.memory_space<hbm>>) dst(%arg5 : memref<196x128xf32, #tpu.memory_space<vmem>>)
        %dma_start3A_1084 = arith.constant 0 : i32
        %dma_start3A_1085 = tpu.memref_slice %arg4[%select_n3A_432, %while3A_1025, %dma_start3A_1084, %multiple_of3A_475] : memref<8x32x196x768xf32, #tpu.memory_space<hbm>> -> memref<1x1x196x128xf32, #tpu.memory_space<hbm>>
        %dma_start3A_1086 = tpu.memref_squeeze %dma_start3A_1085 : memref<1x1x196x128xf32, #tpu.memory_space<hbm>> -> memref<196x128xf32, #tpu.memory_space<hbm>>
        %dma_start3A_1087 = arith.constant 0 : i32
        %dma_start3A_1088 = tpu.memref_slice %arg4[%select_n3A_432, %while3A_1025, %dma_start3A_1087, %multiple_of3A_475] : memref<8x32x196x768xf32, #tpu.memory_space<hbm>> -> memref<1x1x196x128xf32, #tpu.memory_space<hbm>>
        %dma_start3A_1089 = tpu.memref_squeeze %dma_start3A_1088 : memref<1x1x196x128xf32, #tpu.memory_space<hbm>> -> memref<196x128xf32, #tpu.memory_space<hbm>>
        tpu.enqueue_dma source(%arg5 : memref<196x128xf32, #tpu.memory_space<vmem>>) target(%dma_start3A_1089 : memref<196x128xf32, #tpu.memory_space<hbm>>) target_semaphore(%arg11 : memref<!tpu.dma_semaphore, #tpu.memory_space<semaphore_mem>>)
      } else {
      }
      %jit3A_1047 = arith.constant 2 : i32
      %eq3A_1048 = arith.constant 0 : i32
      %eq3A_1049 = arith.cmpi eq, %jit3A_1047, %eq3A_1048 : i32
      %jit3A_1050 = arith.constant 1 : i32
      %select_n3A_1051 = arith.select %eq3A_1049, %jit3A_1050, %jit3A_1047 : i32
      %rem3A_1052 = arith.remsi %while3A_1025, %select_n3A_1051 : i32
      %ne3A_1053 = arith.constant 0 : i32
      %ne3A_1054 = arith.cmpi ne, %rem3A_1052, %ne3A_1053 : i32
      %lt3A_1055 = arith.constant 0 : i32
      %lt3A_1056 = arith.cmpi slt, %rem3A_1052, %lt3A_1055 : i32
      %lt3A_1057 = arith.constant 0 : i32
      %lt3A_1058 = arith.cmpi slt, %select_n3A_1051, %lt3A_1057 : i32
      %ne3A_1059 = arith.xori %lt3A_1056, %lt3A_1058 : i1
      %and3A_1060 = arith.andi %ne3A_1059, %ne3A_1054 : i1
      %add3A_1061 = arith.addi %rem3A_1052, %select_n3A_1051 : i32
      %select_n3A_1062 = arith.select %and3A_1060, %add3A_1061, %rem3A_1052 : i32
      %eq3A_1063 = arith.constant 1 : i32
      %eq3A_1064 = arith.cmpi eq, %select_n3A_1062, %eq3A_1063 : i32
      %convert_element_type3A_1065 = arith.extui %eq3A_1064 : i1 to i32
      %cond3A_1066 = arith.constant 0 : i32
      %cond3A_1067 = arith.cmpi ne, %convert_element_type3A_1065, %cond3A_1066 : i32
      scf.if %cond3A_1067 {
        %add3A_1068 = arith.constant 2 : i32
        %add3A_1069 = arith.addi %mul3A_501, %add3A_1068 : i32
        %ge3A_1070 = arith.cmpi sge, %while3A_1025, %add3A_1069 : i32
        %convert_element_type3A_1071 = arith.extui %ge3A_1070 : i1 to i32
        %cond3A_1072 = arith.constant 0 : i32
        %cond3A_1073 = arith.cmpi ne, %convert_element_type3A_1071, %cond3A_1072 : i32
        scf.if %cond3A_1073 {
          %dma_wait3A_1090 = arith.constant 0 : i32
          %dma_wait3A_1091 = tpu.memref_slice %arg4[%select_n3A_432, %while3A_1025, %dma_wait3A_1090, %multiple_of3A_475] : memref<8x32x196x768xf32, #tpu.memory_space<hbm>> -> memref<1x1x196x128xf32, #tpu.memory_space<hbm>>
          %dma_wait3A_1092 = tpu.memref_squeeze %dma_wait3A_1091 : memref<1x1x196x128xf32, #tpu.memory_space<hbm>> -> memref<196x128xf32, #tpu.memory_space<hbm>>
          %dma_wait3A_1093 = arith.constant 0 : i32
          %dma_wait3A_1094 = tpu.memref_slice %arg4[%select_n3A_432, %while3A_1025, %dma_wait3A_1093, %multiple_of3A_475] : memref<8x32x196x768xf32, #tpu.memory_space<hbm>> -> memref<1x1x196x128xf32, #tpu.memory_space<hbm>>
          %dma_wait3A_1095 = tpu.memref_squeeze %dma_wait3A_1094 : memref<1x1x196x128xf32, #tpu.memory_space<hbm>> -> memref<196x128xf32, #tpu.memory_space<hbm>>
          tpu.wait_dma2 semaphore(%arg12 : memref<!tpu.dma_semaphore, #tpu.memory_space<semaphore_mem>>) src(%arg6 : memref<196x128xf32, #tpu.memory_space<vmem>>) dst(%dma_wait3A_1095 : memref<196x128xf32, #tpu.memory_space<hbm>>)
        } else {
        }
        %dma_start3A = arith.constant 0 : i32
        %dma_start3A_1074 = tpu.memref_slice %arg2[%select_n3A_432, %while3A_1025, %dma_start3A, %multiple_of3A_475] : memref<8x32x196x768xf32, #tpu.memory_space<hbm>> -> memref<1x1x196x128xf32, #tpu.memory_space<hbm>>
        %dma_start3A_1075 = tpu.memref_squeeze %dma_start3A_1074 : memref<1x1x196x128xf32, #tpu.memory_space<hbm>> -> memref<196x128xf32, #tpu.memory_space<hbm>>
        %dma_start3A_1076 = arith.constant 0 : i32
        %dma_start3A_1077 = tpu.memref_slice %arg2[%select_n3A_432, %while3A_1025, %dma_start3A_1076, %multiple_of3A_475] : memref<8x32x196x768xf32, #tpu.memory_space<hbm>> -> memref<1x1x196x128xf32, #tpu.memory_space<hbm>>
        %dma_start3A_1078 = tpu.memref_squeeze %dma_start3A_1077 : memref<1x1x196x128xf32, #tpu.memory_space<hbm>> -> memref<196x128xf32, #tpu.memory_space<hbm>>
        tpu.enqueue_dma source(%dma_start3A_1078 : memref<196x128xf32, #tpu.memory_space<hbm>>) target(%arg6 : memref<196x128xf32, #tpu.memory_space<vmem>>) target_semaphore(%arg10 : memref<!tpu.dma_semaphore, #tpu.memory_space<semaphore_mem>>)
        %dma_wait3A = arith.constant 0 : i32
        %dma_wait3A_1079 = tpu.memref_slice %arg2[%select_n3A_432, %while3A_1025, %dma_wait3A, %multiple_of3A_475] : memref<8x32x196x768xf32, #tpu.memory_space<hbm>> -> memref<1x1x196x128xf32, #tpu.memory_space<hbm>>
        %dma_wait3A_1080 = tpu.memref_squeeze %dma_wait3A_1079 : memref<1x1x196x128xf32, #tpu.memory_space<hbm>> -> memref<196x128xf32, #tpu.memory_space<hbm>>
        %dma_wait3A_1081 = arith.constant 0 : i32
        %dma_wait3A_1082 = tpu.memref_slice %arg2[%select_n3A_432, %while3A_1025, %dma_wait3A_1081, %multiple_of3A_475] : memref<8x32x196x768xf32, #tpu.memory_space<hbm>> -> memref<1x1x196x128xf32, #tpu.memory_space<hbm>>
        %dma_wait3A_1083 = tpu.memref_squeeze %dma_wait3A_1082 : memref<1x1x196x128xf32, #tpu.memory_space<hbm>> -> memref<196x128xf32, #tpu.memory_space<hbm>>
        tpu.wait_dma2 semaphore(%arg10 : memref<!tpu.dma_semaphore, #tpu.memory_space<semaphore_mem>>) src(%dma_wait3A_1083 : memref<196x128xf32, #tpu.memory_space<hbm>>) dst(%arg6 : memref<196x128xf32, #tpu.memory_space<vmem>>)
        %dma_start3A_1084 = arith.constant 0 : i32
        %dma_start3A_1085 = tpu.memref_slice %arg4[%select_n3A_432, %while3A_1025, %dma_start3A_1084, %multiple_of3A_475] : memref<8x32x196x768xf32, #tpu.memory_space<hbm>> -> memref<1x1x196x128xf32, #tpu.memory_space<hbm>>
        %dma_start3A_1086 = tpu.memref_squeeze %dma_start3A_1085 : memref<1x1x196x128xf32, #tpu.memory_space<hbm>> -> memref<196x128xf32, #tpu.memory_space<hbm>>
        %dma_start3A_1087 = arith.constant 0 : i32
        %dma_start3A_1088 = tpu.memref_slice %arg4[%select_n3A_432, %while3A_1025, %dma_start3A_1087, %multiple_of3A_475] : memref<8x32x196x768xf32, #tpu.memory_space<hbm>> -> memref<1x1x196x128xf32, #tpu.memory_space<hbm>>
        %dma_start3A_1089 = tpu.memref_squeeze %dma_start3A_1088 : memref<1x1x196x128xf32, #tpu.memory_space<hbm>> -> memref<196x128xf32, #tpu.memory_space<hbm>>
        tpu.enqueue_dma source(%arg6 : memref<196x128xf32, #tpu.memory_space<vmem>>) target(%dma_start3A_1089 : memref<196x128xf32, #tpu.memory_space<hbm>>) target_semaphore(%arg12 : memref<!tpu.dma_semaphore, #tpu.memory_space<semaphore_mem>>)
      } else {
      }
    }
    %while3A_733 = arith.constant 1 : i32
    scf.for %while3A_1025 = %while3A_731 to %while3A_727 step %while3A_733  : i32 {
      %jit3A_1026 = arith.constant 2 : i32
      %eq3A_1027 = arith.constant 0 : i32
      %eq3A_1028 = arith.cmpi eq, %jit3A_1026, %eq3A_1027 : i32
      %jit3A_1029 = arith.constant 1 : i32
      %select_n3A_1030 = arith.select %eq3A_1028, %jit3A_1029, %jit3A_1026 : i32
      %rem3A_1031 = arith.remsi %while3A_1025, %select_n3A_1030 : i32
      %ne3A_1032 = arith.constant 0 : i32
      %ne3A_1033 = arith.cmpi ne, %rem3A_1031, %ne3A_1032 : i32
      %lt3A_1034 = arith.constant 0 : i32
      %lt3A_1035 = arith.cmpi slt, %rem3A_1031, %lt3A_1034 : i32
      %lt3A_1036 = arith.constant 0 : i32
      %lt3A_1037 = arith.cmpi slt, %select_n3A_1030, %lt3A_1036 : i32
      %ne3A_1038 = arith.xori %lt3A_1035, %lt3A_1037 : i1
      %and3A_1039 = arith.andi %ne3A_1038, %ne3A_1033 : i1
      %add3A_1040 = arith.addi %rem3A_1031, %select_n3A_1030 : i32
      %select_n3A_1041 = arith.select %and3A_1039, %add3A_1040, %rem3A_1031 : i32
      %eq3A_1042 = arith.constant 0 : i32
      %eq3A_1043 = arith.cmpi eq, %select_n3A_1041, %eq3A_1042 : i32
      %convert_element_type3A_1044 = arith.extui %eq3A_1043 : i1 to i32
      %cond3A_1045 = arith.constant 0 : i32
      %cond3A_1046 = arith.cmpi ne, %convert_element_type3A_1044, %cond3A_1045 : i32
      scf.if %cond3A_1046 {
        %add3A_1068 = arith.constant 2 : i32
        %add3A_1069 = arith.addi %mul3A_501, %add3A_1068 : i32
        %ge3A_1070 = arith.cmpi sge, %while3A_1025, %add3A_1069 : i32
        %convert_element_type3A_1071 = arith.extui %ge3A_1070 : i1 to i32
        %cond3A_1072 = arith.constant 0 : i32
        %cond3A_1073 = arith.cmpi ne, %convert_element_type3A_1071, %cond3A_1072 : i32
        scf.if %cond3A_1073 {
          %dma_wait3A_1090 = arith.constant 0 : i32
          %dma_wait3A_1091 = tpu.memref_slice %arg4[%select_n3A_432, %while3A_1025, %dma_wait3A_1090, %multiple_of3A_475] : memref<8x32x196x768xf32, #tpu.memory_space<hbm>> -> memref<1x1x196x128xf32, #tpu.memory_space<hbm>>
          %dma_wait3A_1092 = tpu.memref_squeeze %dma_wait3A_1091 : memref<1x1x196x128xf32, #tpu.memory_space<hbm>> -> memref<196x128xf32, #tpu.memory_space<hbm>>
          %dma_wait3A_1093 = arith.constant 0 : i32
          %dma_wait3A_1094 = tpu.memref_slice %arg4[%select_n3A_432, %while3A_1025, %dma_wait3A_1093, %multiple_of3A_475] : memref<8x32x196x768xf32, #tpu.memory_space<hbm>> -> memref<1x1x196x128xf32, #tpu.memory_space<hbm>>
          %dma_wait3A_1095 = tpu.memref_squeeze %dma_wait3A_1094 : memref<1x1x196x128xf32, #tpu.memory_space<hbm>> -> memref<196x128xf32, #tpu.memory_space<hbm>>
          tpu.wait_dma2 semaphore(%arg11 : memref<!tpu.dma_semaphore, #tpu.memory_space<semaphore_mem>>) src(%arg5 : memref<196x128xf32, #tpu.memory_space<vmem>>) dst(%dma_wait3A_1095 : memref<196x128xf32, #tpu.memory_space<hbm>>)
        } else {
        }
        %dma_start3A = arith.constant 0 : i32
        %dma_start3A_1074 = tpu.memref_slice %arg2[%select_n3A_432, %while3A_1025, %dma_start3A, %multiple_of3A_475] : memref<8x32x196x768xf32, #tpu.memory_space<hbm>> -> memref<1x1x196x128xf32, #tpu.memory_space<hbm>>
        %dma_start3A_1075 = tpu.memref_squeeze %dma_start3A_1074 : memref<1x1x196x128xf32, #tpu.memory_space<hbm>> -> memref<196x128xf32, #tpu.memory_space<hbm>>
        %dma_start3A_1076 = arith.constant 0 : i32
        %dma_start3A_1077 = tpu.memref_slice %arg2[%select_n3A_432, %while3A_1025, %dma_start3A_1076, %multiple_of3A_475] : memref<8x32x196x768xf32, #tpu.memory_space<hbm>> -> memref<1x1x196x128xf32, #tpu.memory_space<hbm>>
        %dma_start3A_1078 = tpu.memref_squeeze %dma_start3A_1077 : memref<1x1x196x128xf32, #tpu.memory_space<hbm>> -> memref<196x128xf32, #tpu.memory_space<hbm>>
        tpu.enqueue_dma source(%dma_start3A_1078 : memref<196x128xf32, #tpu.memory_space<hbm>>) target(%arg5 : memref<196x128xf32, #tpu.memory_space<vmem>>) target_semaphore(%arg9 : memref<!tpu.dma_semaphore, #tpu.memory_space<semaphore_mem>>)
        %dma_wait3A = arith.constant 0 : i32
        %dma_wait3A_1079 = tpu.memref_slice %arg2[%select_n3A_432, %while3A_1025, %dma_wait3A, %multiple_of3A_475] : memref<8x32x196x768xf32, #tpu.memory_space<hbm>> -> memref<1x1x196x128xf32, #tpu.memory_space<hbm>>
        %dma_wait3A_1080 = tpu.memref_squeeze %dma_wait3A_1079 : memref<1x1x196x128xf32, #tpu.memory_space<hbm>> -> memref<196x128xf32, #tpu.memory_space<hbm>>
        %dma_wait3A_1081 = arith.constant 0 : i32
        %dma_wait3A_1082 = tpu.memref_slice %arg2[%select_n3A_432, %while3A_1025, %dma_wait3A_1081, %multiple_of3A_475] : memref<8x32x196x768xf32, #tpu.memory_space<hbm>> -> memref<1x1x196x128xf32, #tpu.memory_space<hbm>>
        %dma_wait3A_1083 = tpu.memref_squeeze %dma_wait3A_1082 : memref<1x1x196x128xf32, #tpu.memory_space<hbm>> -> memref<196x128xf32, #tpu.memory_space<hbm>>
        tpu.wait_dma2 semaphore(%arg9 : memref<!tpu.dma_semaphore, #tpu.memory_space<semaphore_mem>>) src(%dma_wait3A_1083 : memref<196x128xf32, #tpu.memory_space<hbm>>) dst(%arg5 : memref<196x128xf32, #tpu.memory_space<vmem>>)
        %dma_start3A_1084 = arith.constant 0 : i32
        %dma_start3A_1085 = tpu.memref_slice %arg4[%select_n3A_432, %while3A_1025, %dma_start3A_1084, %multiple_of3A_475] : memref<8x32x196x768xf32, #tpu.memory_space<hbm>> -> memref<1x1x196x128xf32, #tpu.memory_space<hbm>>
        %dma_start3A_1086 = tpu.memref_squeeze %dma_start3A_1085 : memref<1x1x196x128xf32, #tpu.memory_space<hbm>> -> memref<196x128xf32, #tpu.memory_space<hbm>>
        %dma_start3A_1087 = arith.constant 0 : i32
        %dma_start3A_1088 = tpu.memref_slice %arg4[%select_n3A_432, %while3A_1025, %dma_start3A_1087, %multiple_of3A_475] : memref<8x32x196x768xf32, #tpu.memory_space<hbm>> -> memref<1x1x196x128xf32, #tpu.memory_space<hbm>>
        %dma_start3A_1089 = tpu.memref_squeeze %dma_start3A_1088 : memref<1x1x196x128xf32, #tpu.memory_space<hbm>> -> memref<196x128xf32, #tpu.memory_space<hbm>>
        tpu.enqueue_dma source(%arg5 : memref<196x128xf32, #tpu.memory_space<vmem>>) target(%dma_start3A_1089 : memref<196x128xf32, #tpu.memory_space<hbm>>) target_semaphore(%arg11 : memref<!tpu.dma_semaphore, #tpu.memory_space<semaphore_mem>>)
      } else {
      }
      %jit3A_1047 = arith.constant 2 : i32
      %eq3A_1048 = arith.constant 0 : i32
      %eq3A_1049 = arith.cmpi eq, %jit3A_1047, %eq3A_1048 : i32
      %jit3A_1050 = arith.constant 1 : i32
      %select_n3A_1051 = arith.select %eq3A_1049, %jit3A_1050, %jit3A_1047 : i32
      %rem3A_1052 = arith.remsi %while3A_1025, %select_n3A_1051 : i32
      %ne3A_1053 = arith.constant 0 : i32
      %ne3A_1054 = arith.cmpi ne, %rem3A_1052, %ne3A_1053 : i32
      %lt3A_1055 = arith.constant 0 : i32
      %lt3A_1056 = arith.cmpi slt, %rem3A_1052, %lt3A_1055 : i32
      %lt3A_1057 = arith.constant 0 : i32
      %lt3A_1058 = arith.cmpi slt, %select_n3A_1051, %lt3A_1057 : i32
      %ne3A_1059 = arith.xori %lt3A_1056, %lt3A_1058 : i1
      %and3A_1060 = arith.andi %ne3A_1059, %ne3A_1054 : i1
      %add3A_1061 = arith.addi %rem3A_1052, %select_n3A_1051 : i32
      %select_n3A_1062 = arith.select %and3A_1060, %add3A_1061, %rem3A_1052 : i32
      %eq3A_1063 = arith.constant 1 : i32
      %eq3A_1064 = arith.cmpi eq, %select_n3A_1062, %eq3A_1063 : i32
      %convert_element_type3A_1065 = arith.extui %eq3A_1064 : i1 to i32
      %cond3A_1066 = arith.constant 0 : i32
      %cond3A_1067 = arith.cmpi ne, %convert_element_type3A_1065, %cond3A_1066 : i32
      scf.if %cond3A_1067 {
        %add3A_1068 = arith.constant 2 : i32
        %add3A_1069 = arith.addi %mul3A_501, %add3A_1068 : i32
        %ge3A_1070 = arith.cmpi sge, %while3A_1025, %add3A_1069 : i32
        %convert_element_type3A_1071 = arith.extui %ge3A_1070 : i1 to i32
        %cond3A_1072 = arith.constant 0 : i32
        %cond3A_1073 = arith.cmpi ne, %convert_element_type3A_1071, %cond3A_1072 : i32
        scf.if %cond3A_1073 {
          %dma_wait3A_1090 = arith.constant 0 : i32
          %dma_wait3A_1091 = tpu.memref_slice %arg4[%select_n3A_432, %while3A_1025, %dma_wait3A_1090, %multiple_of3A_475] : memref<8x32x196x768xf32, #tpu.memory_space<hbm>> -> memref<1x1x196x128xf32, #tpu.memory_space<hbm>>
          %dma_wait3A_1092 = tpu.memref_squeeze %dma_wait3A_1091 : memref<1x1x196x128xf32, #tpu.memory_space<hbm>> -> memref<196x128xf32, #tpu.memory_space<hbm>>
          %dma_wait3A_1093 = arith.constant 0 : i32
          %dma_wait3A_1094 = tpu.memref_slice %arg4[%select_n3A_432, %while3A_1025, %dma_wait3A_1093, %multiple_of3A_475] : memref<8x32x196x768xf32, #tpu.memory_space<hbm>> -> memref<1x1x196x128xf32, #tpu.memory_space<hbm>>
          %dma_wait3A_1095 = tpu.memref_squeeze %dma_wait3A_1094 : memref<1x1x196x128xf32, #tpu.memory_space<hbm>> -> memref<196x128xf32, #tpu.memory_space<hbm>>
          tpu.wait_dma2 semaphore(%arg12 : memref<!tpu.dma_semaphore, #tpu.memory_space<semaphore_mem>>) src(%arg6 : memref<196x128xf32, #tpu.memory_space<vmem>>) dst(%dma_wait3A_1095 : memref<196x128xf32, #tpu.memory_space<hbm>>)
        } else {
        }
        %dma_start3A = arith.constant 0 : i32
        %dma_start3A_1074 = tpu.memref_slice %arg2[%select_n3A_432, %while3A_1025, %dma_start3A, %multiple_of3A_475] : memref<8x32x196x768xf32, #tpu.memory_space<hbm>> -> memref<1x1x196x128xf32, #tpu.memory_space<hbm>>
        %dma_start3A_1075 = tpu.memref_squeeze %dma_start3A_1074 : memref<1x1x196x128xf32, #tpu.memory_space<hbm>> -> memref<196x128xf32, #tpu.memory_space<hbm>>
        %dma_start3A_1076 = arith.constant 0 : i32
        %dma_start3A_1077 = tpu.memref_slice %arg2[%select_n3A_432, %while3A_1025, %dma_start3A_1076, %multiple_of3A_475] : memref<8x32x196x768xf32, #tpu.memory_space<hbm>> -> memref<1x1x196x128xf32, #tpu.memory_space<hbm>>
        %dma_start3A_1078 = tpu.memref_squeeze %dma_start3A_1077 : memref<1x1x196x128xf32, #tpu.memory_space<hbm>> -> memref<196x128xf32, #tpu.memory_space<hbm>>
        tpu.enqueue_dma source(%dma_start3A_1078 : memref<196x128xf32, #tpu.memory_space<hbm>>) target(%arg6 : memref<196x128xf32, #tpu.memory_space<vmem>>) target_semaphore(%arg10 : memref<!tpu.dma_semaphore, #tpu.memory_space<semaphore_mem>>)
        %dma_wait3A = arith.constant 0 : i32
        %dma_wait3A_1079 = tpu.memref_slice %arg2[%select_n3A_432, %while3A_1025, %dma_wait3A, %multiple_of3A_475] : memref<8x32x196x768xf32, #tpu.memory_space<hbm>> -> memref<1x1x196x128xf32, #tpu.memory_space<hbm>>
        %dma_wait3A_1080 = tpu.memref_squeeze %dma_wait3A_1079 : memref<1x1x196x128xf32, #tpu.memory_space<hbm>> -> memref<196x128xf32, #tpu.memory_space<hbm>>
        %dma_wait3A_1081 = arith.constant 0 : i32
        %dma_wait3A_1082 = tpu.memref_slice %arg2[%select_n3A_432, %while3A_1025, %dma_wait3A_1081, %multiple_of3A_475] : memref<8x32x196x768xf32, #tpu.memory_space<hbm>> -> memref<1x1x196x128xf32, #tpu.memory_space<hbm>>
        %dma_wait3A_1083 = tpu.memref_squeeze %dma_wait3A_1082 : memref<1x1x196x128xf32, #tpu.memory_space<hbm>> -> memref<196x128xf32, #tpu.memory_space<hbm>>
        tpu.wait_dma2 semaphore(%arg10 : memref<!tpu.dma_semaphore, #tpu.memory_space<semaphore_mem>>) src(%dma_wait3A_1083 : memref<196x128xf32, #tpu.memory_space<hbm>>) dst(%arg6 : memref<196x128xf32, #tpu.memory_space<vmem>>)
        %dma_start3A_1084 = arith.constant 0 : i32
        %dma_start3A_1085 = tpu.memref_slice %arg4[%select_n3A_432, %while3A_1025, %dma_start3A_1084, %multiple_of3A_475] : memref<8x32x196x768xf32, #tpu.memory_space<hbm>> -> memref<1x1x196x128xf32, #tpu.memory_space<hbm>>
        %dma_start3A_1086 = tpu.memref_squeeze %dma_start3A_1085 : memref<1x1x196x128xf32, #tpu.memory_space<hbm>> -> memref<196x128xf32, #tpu.memory_space<hbm>>
        %dma_start3A_1087 = arith.constant 0 : i32
        %dma_start3A_1088 = tpu.memref_slice %arg4[%select_n3A_432, %while3A_1025, %dma_start3A_1087, %multiple_of3A_475] : memref<8x32x196x768xf32, #tpu.memory_space<hbm>> -> memref<1x1x196x128xf32, #tpu.memory_space<hbm>>
        %dma_start3A_1089 = tpu.memref_squeeze %dma_start3A_1088 : memref<1x1x196x128xf32, #tpu.memory_space<hbm>> -> memref<196x128xf32, #tpu.memory_space<hbm>>
        tpu.enqueue_dma source(%arg6 : memref<196x128xf32, #tpu.memory_space<vmem>>) target(%dma_start3A_1089 : memref<196x128xf32, #tpu.memory_space<hbm>>) target_semaphore(%arg12 : memref<!tpu.dma_semaphore, #tpu.memory_space<semaphore_mem>>)
      } else {
      }
    }
    %sub3A_734 = arith.subi %min3A_534, %mul3A_501 : i32
    %sub3A_735 = arith.constant 1 : i32
    %sub3A_736 = arith.subi %min3A_534, %sub3A_735 : i32
    %jit3A_737 = arith.constant 2 : i32
    %eq3A_738 = arith.constant 0 : i32
    %eq3A_739 = arith.cmpi eq, %jit3A_737, %eq3A_738 : i32
    %jit3A_740 = arith.constant 1 : i32
    %select_n3A_741 = arith.select %eq3A_739, %jit3A_740, %jit3A_737 : i32
    %rem3A_742 = arith.remsi %sub3A_736, %select_n3A_741 : i32
    %ne3A_743 = arith.constant 0 : i32
    %ne3A_744 = arith.cmpi ne, %rem3A_742, %ne3A_743 : i32
    %lt3A_745 = arith.constant 0 : i32
    %lt3A_746 = arith.cmpi slt, %rem3A_742, %lt3A_745 : i32
    %lt3A_747 = arith.constant 0 : i32
    %lt3A_748 = arith.cmpi slt, %select_n3A_741, %lt3A_747 : i32
    %ne3A_749 = arith.xori %lt3A_746, %lt3A_748 : i1
    %and3A_750 = arith.andi %ne3A_749, %ne3A_744 : i1
    %add3A_751 = arith.addi %rem3A_742, %select_n3A_741 : i32
    %select_n3A_752 = arith.select %and3A_750, %add3A_751, %rem3A_742 : i32
    %ge3A_753 = arith.constant 1 : i32
    %ge3A_754 = arith.cmpi sge, %sub3A_734, %ge3A_753 : i32
    %convert_element_type3A_755 = arith.extui %ge3A_754 : i1 to i32
    %cond3A_756 = arith.constant 0 : i32
    %cond3A_757 = arith.cmpi ne, %convert_element_type3A_755, %cond3A_756 : i32
    scf.if %cond3A_757 {
      %eq3A_1025 = arith.constant 0 : i32
      %eq3A_1026 = arith.cmpi eq, %select_n3A_752, %eq3A_1025 : i32
      %convert_element_type3A_1027 = arith.extui %eq3A_1026 : i1 to i32
      %cond3A_1028 = arith.constant 0 : i32
      %cond3A_1029 = arith.cmpi ne, %convert_element_type3A_1027, %cond3A_1028 : i32
      scf.if %cond3A_1029 {
        %dma_wait3A = arith.constant 0 : i32
        %dma_wait3A_1035 = tpu.memref_slice %arg4[%select_n3A_432, %mul3A_501, %dma_wait3A, %multiple_of3A_475] : memref<8x32x196x768xf32, #tpu.memory_space<hbm>> -> memref<1x1x196x128xf32, #tpu.memory_space<hbm>>
        %dma_wait3A_1036 = tpu.memref_squeeze %dma_wait3A_1035 : memref<1x1x196x128xf32, #tpu.memory_space<hbm>> -> memref<196x128xf32, #tpu.memory_space<hbm>>
        %dma_wait3A_1037 = arith.constant 0 : i32
        %dma_wait3A_1038 = tpu.memref_slice %arg4[%select_n3A_432, %mul3A_501, %dma_wait3A_1037, %multiple_of3A_475] : memref<8x32x196x768xf32, #tpu.memory_space<hbm>> -> memref<1x1x196x128xf32, #tpu.memory_space<hbm>>
        %dma_wait3A_1039 = tpu.memref_squeeze %dma_wait3A_1038 : memref<1x1x196x128xf32, #tpu.memory_space<hbm>> -> memref<196x128xf32, #tpu.memory_space<hbm>>
        tpu.wait_dma2 semaphore(%arg11 : memref<!tpu.dma_semaphore, #tpu.memory_space<semaphore_mem>>) src(%arg5 : memref<196x128xf32, #tpu.memory_space<vmem>>) dst(%dma_wait3A_1039 : memref<196x128xf32, #tpu.memory_space<hbm>>)
      } else {
      }
      %eq3A_1030 = arith.constant 1 : i32
      %eq3A_1031 = arith.cmpi eq, %select_n3A_752, %eq3A_1030 : i32
      %convert_element_type3A_1032 = arith.extui %eq3A_1031 : i1 to i32
      %cond3A_1033 = arith.constant 0 : i32
      %cond3A_1034 = arith.cmpi ne, %convert_element_type3A_1032, %cond3A_1033 : i32
      scf.if %cond3A_1034 {
        %dma_wait3A = arith.constant 0 : i32
        %dma_wait3A_1035 = tpu.memref_slice %arg4[%select_n3A_432, %mul3A_501, %dma_wait3A, %multiple_of3A_475] : memref<8x32x196x768xf32, #tpu.memory_space<hbm>> -> memref<1x1x196x128xf32, #tpu.memory_space<hbm>>
        %dma_wait3A_1036 = tpu.memref_squeeze %dma_wait3A_1035 : memref<1x1x196x128xf32, #tpu.memory_space<hbm>> -> memref<196x128xf32, #tpu.memory_space<hbm>>
        %dma_wait3A_1037 = arith.constant 0 : i32
        %dma_wait3A_1038 = tpu.memref_slice %arg4[%select_n3A_432, %mul3A_501, %dma_wait3A_1037, %multiple_of3A_475] : memref<8x32x196x768xf32, #tpu.memory_space<hbm>> -> memref<1x1x196x128xf32, #tpu.memory_space<hbm>>
        %dma_wait3A_1039 = tpu.memref_squeeze %dma_wait3A_1038 : memref<1x1x196x128xf32, #tpu.memory_space<hbm>> -> memref<196x128xf32, #tpu.memory_space<hbm>>
        tpu.wait_dma2 semaphore(%arg12 : memref<!tpu.dma_semaphore, #tpu.memory_space<semaphore_mem>>) src(%arg6 : memref<196x128xf32, #tpu.memory_space<vmem>>) dst(%dma_wait3A_1039 : memref<196x128xf32, #tpu.memory_space<hbm>>)
      } else {
      }
    } else {
    }
    %ge3A_758 = arith.constant 2 : i32
    %ge3A_759 = arith.cmpi sge, %sub3A_734, %ge3A_758 : i32
    %convert_element_type3A_760 = arith.extui %ge3A_759 : i1 to i32
    %cond3A_761 = arith.constant 0 : i32
    %cond3A_762 = arith.cmpi ne, %convert_element_type3A_760, %cond3A_761 : i32
    scf.if %cond3A_762 {
      %eq3A_1025 = arith.constant 0 : i32
      %eq3A_1026 = arith.cmpi eq, %select_n3A_752, %eq3A_1025 : i32
      %convert_element_type3A_1027 = arith.extui %eq3A_1026 : i1 to i32
      %cond3A_1028 = arith.constant 0 : i32
      %cond3A_1029 = arith.cmpi ne, %convert_element_type3A_1027, %cond3A_1028 : i32
      scf.if %cond3A_1029 {
        %dma_wait3A = arith.constant 0 : i32
        %dma_wait3A_1035 = tpu.memref_slice %arg4[%select_n3A_432, %mul3A_501, %dma_wait3A, %multiple_of3A_475] : memref<8x32x196x768xf32, #tpu.memory_space<hbm>> -> memref<1x1x196x128xf32, #tpu.memory_space<hbm>>
        %dma_wait3A_1036 = tpu.memref_squeeze %dma_wait3A_1035 : memref<1x1x196x128xf32, #tpu.memory_space<hbm>> -> memref<196x128xf32, #tpu.memory_space<hbm>>
        %dma_wait3A_1037 = arith.constant 0 : i32
        %dma_wait3A_1038 = tpu.memref_slice %arg4[%select_n3A_432, %mul3A_501, %dma_wait3A_1037, %multiple_of3A_475] : memref<8x32x196x768xf32, #tpu.memory_space<hbm>> -> memref<1x1x196x128xf32, #tpu.memory_space<hbm>>
        %dma_wait3A_1039 = tpu.memref_squeeze %dma_wait3A_1038 : memref<1x1x196x128xf32, #tpu.memory_space<hbm>> -> memref<196x128xf32, #tpu.memory_space<hbm>>
        tpu.wait_dma2 semaphore(%arg12 : memref<!tpu.dma_semaphore, #tpu.memory_space<semaphore_mem>>) src(%arg6 : memref<196x128xf32, #tpu.memory_space<vmem>>) dst(%dma_wait3A_1039 : memref<196x128xf32, #tpu.memory_space<hbm>>)
      } else {
      }
      %eq3A_1030 = arith.constant 1 : i32
      %eq3A_1031 = arith.cmpi eq, %select_n3A_752, %eq3A_1030 : i32
      %convert_element_type3A_1032 = arith.extui %eq3A_1031 : i1 to i32
      %cond3A_1033 = arith.constant 0 : i32
      %cond3A_1034 = arith.cmpi ne, %convert_element_type3A_1032, %cond3A_1033 : i32
      scf.if %cond3A_1034 {
        %dma_wait3A = arith.constant 0 : i32
        %dma_wait3A_1035 = tpu.memref_slice %arg4[%select_n3A_432, %mul3A_501, %dma_wait3A, %multiple_of3A_475] : memref<8x32x196x768xf32, #tpu.memory_space<hbm>> -> memref<1x1x196x128xf32, #tpu.memory_space<hbm>>
        %dma_wait3A_1036 = tpu.memref_squeeze %dma_wait3A_1035 : memref<1x1x196x128xf32, #tpu.memory_space<hbm>> -> memref<196x128xf32, #tpu.memory_space<hbm>>
        %dma_wait3A_1037 = arith.constant 0 : i32
        %dma_wait3A_1038 = tpu.memref_slice %arg4[%select_n3A_432, %mul3A_501, %dma_wait3A_1037, %multiple_of3A_475] : memref<8x32x196x768xf32, #tpu.memory_space<hbm>> -> memref<1x1x196x128xf32, #tpu.memory_space<hbm>>
        %dma_wait3A_1039 = tpu.memref_squeeze %dma_wait3A_1038 : memref<1x1x196x128xf32, #tpu.memory_space<hbm>> -> memref<196x128xf32, #tpu.memory_space<hbm>>
        tpu.wait_dma2 semaphore(%arg11 : memref<!tpu.dma_semaphore, #tpu.memory_space<semaphore_mem>>) src(%arg5 : memref<196x128xf32, #tpu.memory_space<vmem>>) dst(%dma_wait3A_1039 : memref<196x128xf32, #tpu.memory_space<hbm>>)
      } else {
      }
    } else {
    }
    %add3A_763 = arith.constant 32 : i32
    %add3A_764 = arith.addi %add3A, %add3A_763 : i32
    %jit3A_765 = arith.constant 8 : i32
    %eq3A_766 = arith.constant 0 : i32
    %eq3A_767 = arith.cmpi eq, %jit3A_765, %eq3A_766 : i32
    %jit3A_768 = arith.constant 1 : i32
    %select_n3A_769 = arith.select %eq3A_767, %jit3A_768, %jit3A_765 : i32
    %rem3A_770 = arith.remsi %add3A_764, %select_n3A_769 : i32
    %ne3A_771 = arith.constant 0 : i32
    %ne3A_772 = arith.cmpi ne, %rem3A_770, %ne3A_771 : i32
    %lt3A_773 = arith.constant 0 : i32
    %lt3A_774 = arith.cmpi slt, %rem3A_770, %lt3A_773 : i32
    %lt3A_775 = arith.constant 0 : i32
    %lt3A_776 = arith.cmpi slt, %select_n3A_769, %lt3A_775 : i32
    %ne3A_777 = arith.xori %lt3A_774, %lt3A_776 : i1
    %and3A_778 = arith.andi %ne3A_777, %ne3A_772 : i1
    %add3A_779 = arith.addi %rem3A_770, %select_n3A_769 : i32
    %select_n3A_780 = arith.select %and3A_778, %add3A_779, %rem3A_770 : i32
    %jit3A_781 = arith.constant 8 : i32
    %div3A_782 = arith.divsi %add3A_764, %jit3A_781 : i32
    %sign3A_783 = arith.constant 0 : i32
    %sign3A_784 = arith.cmpi sgt, %add3A_764, %sign3A_783 : i32
    %sign3A_785 = arith.extui %sign3A_784 : i1 to i32
    %sign3A_786 = arith.constant 0 : i32
    %sign3A_787 = arith.cmpi slt, %add3A_764, %sign3A_786 : i32
    %sign3A_788 = arith.extui %sign3A_787 : i1 to i32
    %sign3A_789 = arith.subi %sign3A_785, %sign3A_788 : i32
    %sign3A_790 = arith.constant 0 : i32
    %sign3A_791 = arith.cmpi sgt, %jit3A_781, %sign3A_790 : i32
    %sign3A_792 = arith.extui %sign3A_791 : i1 to i32
    %sign3A_793 = arith.constant 0 : i32
    %sign3A_794 = arith.cmpi slt, %jit3A_781, %sign3A_793 : i32
    %sign3A_795 = arith.extui %sign3A_794 : i1 to i32
    %sign3A_796 = arith.subi %sign3A_792, %sign3A_795 : i32
    %ne3A_797 = arith.cmpi ne, %sign3A_789, %sign3A_796 : i32
    %rem3A_798 = arith.remsi %add3A_764, %jit3A_781 : i32
    %ne3A_799 = arith.constant 0 : i32
    %ne3A_800 = arith.cmpi ne, %rem3A_798, %ne3A_799 : i32
    %and3A_801 = arith.andi %ne3A_797, %ne3A_800 : i1
    %sub3A_802 = arith.constant 1 : i32
    %sub3A_803 = arith.subi %div3A_782, %sub3A_802 : i32
    %select_n3A_804 = arith.select %and3A_801, %sub3A_803, %div3A_782 : i32
    %jit3A_805 = arith.constant 6 : i32
    %eq3A_806 = arith.constant 0 : i32
    %eq3A_807 = arith.cmpi eq, %jit3A_805, %eq3A_806 : i32
    %jit3A_808 = arith.constant 1 : i32
    %select_n3A_809 = arith.select %eq3A_807, %jit3A_808, %jit3A_805 : i32
    %rem3A_810 = arith.remsi %select_n3A_804, %select_n3A_809 : i32
    %ne3A_811 = arith.constant 0 : i32
    %ne3A_812 = arith.cmpi ne, %rem3A_810, %ne3A_811 : i32
    %lt3A_813 = arith.constant 0 : i32
    %lt3A_814 = arith.cmpi slt, %rem3A_810, %lt3A_813 : i32
    %lt3A_815 = arith.constant 0 : i32
    %lt3A_816 = arith.cmpi slt, %select_n3A_809, %lt3A_815 : i32
    %ne3A_817 = arith.xori %lt3A_814, %lt3A_816 : i1
    %and3A_818 = arith.andi %ne3A_817, %ne3A_812 : i1
    %add3A_819 = arith.addi %rem3A_810, %select_n3A_809 : i32
    %select_n3A_820 = arith.select %and3A_818, %add3A_819, %rem3A_810 : i32
    %mul3A_821 = arith.constant 128 : i32
    %mul3A_822 = arith.muli %select_n3A_820, %mul3A_821 : i32
    %multiple_of3A_823 = tpu.assume_multiple %mul3A_822, 128 : i32
    %jit3A_824 = arith.constant 6 : i32
    %div3A_825 = arith.divsi %select_n3A_804, %jit3A_824 : i32
    %sign3A_826 = arith.constant 0 : i32
    %sign3A_827 = arith.cmpi sgt, %select_n3A_804, %sign3A_826 : i32
    %sign3A_828 = arith.extui %sign3A_827 : i1 to i32
    %sign3A_829 = arith.constant 0 : i32
    %sign3A_830 = arith.cmpi slt, %select_n3A_804, %sign3A_829 : i32
    %sign3A_831 = arith.extui %sign3A_830 : i1 to i32
    %sign3A_832 = arith.subi %sign3A_828, %sign3A_831 : i32
    %sign3A_833 = arith.constant 0 : i32
    %sign3A_834 = arith.cmpi sgt, %jit3A_824, %sign3A_833 : i32
    %sign3A_835 = arith.extui %sign3A_834 : i1 to i32
    %sign3A_836 = arith.constant 0 : i32
    %sign3A_837 = arith.cmpi slt, %jit3A_824, %sign3A_836 : i32
    %sign3A_838 = arith.extui %sign3A_837 : i1 to i32
    %sign3A_839 = arith.subi %sign3A_835, %sign3A_838 : i32
    %ne3A_840 = arith.cmpi ne, %sign3A_832, %sign3A_839 : i32
    %rem3A_841 = arith.remsi %select_n3A_804, %jit3A_824 : i32
    %ne3A_842 = arith.constant 0 : i32
    %ne3A_843 = arith.cmpi ne, %rem3A_841, %ne3A_842 : i32
    %and3A_844 = arith.andi %ne3A_840, %ne3A_843 : i1
    %sub3A_845 = arith.constant 1 : i32
    %sub3A_846 = arith.subi %div3A_825, %sub3A_845 : i32
    %select_n3A_847 = arith.select %and3A_844, %sub3A_846, %div3A_825 : i32
    %mul3A_848 = arith.constant 16 : i32
    %mul3A_849 = arith.muli %select_n3A_847, %mul3A_848 : i32
    %eq3A_850 = arith.constant 1 : i32
    %eq3A_851 = arith.cmpi eq, %select_n3A_780, %eq3A_850 : i32
    %jit3A_852 = arith.constant 22 : i32
    %jit3A_853 = arith.constant 5 : i32
    %select_n3A_854 = arith.select %eq3A_851, %jit3A_852, %jit3A_853 : i32
    %eq3A_855 = arith.constant 2 : i32
    %eq3A_856 = arith.cmpi eq, %select_n3A_780, %eq3A_855 : i32
    %jit3A_857 = arith.constant 30 : i32
    %select_n3A_858 = arith.select %eq3A_856, %jit3A_857, %select_n3A_854 : i32
    %eq3A_859 = arith.constant 3 : i32
    %eq3A_860 = arith.cmpi eq, %select_n3A_780, %eq3A_859 : i32
    %jit3A_861 = arith.constant 12 : i32
    %select_n3A_862 = arith.select %eq3A_860, %jit3A_861, %select_n3A_858 : i32
    %eq3A_863 = arith.constant 4 : i32
    %eq3A_864 = arith.cmpi eq, %select_n3A_780, %eq3A_863 : i32
    %jit3A_865 = arith.constant 11 : i32
    %select_n3A_866 = arith.select %eq3A_864, %jit3A_865, %select_n3A_862 : i32
    %eq3A_867 = arith.constant 5 : i32
    %eq3A_868 = arith.cmpi eq, %select_n3A_780, %eq3A_867 : i32
    %jit3A_869 = arith.constant 10 : i32
    %select_n3A_870 = arith.select %eq3A_868, %jit3A_869, %select_n3A_866 : i32
    %eq3A_871 = arith.constant 6 : i32
    %eq3A_872 = arith.cmpi eq, %select_n3A_780, %eq3A_871 : i32
    %jit3A_873 = arith.constant 1 : i32
    %select_n3A_874 = arith.select %eq3A_872, %jit3A_873, %select_n3A_870 : i32
    %eq3A_875 = arith.constant 7 : i32
    %eq3A_876 = arith.cmpi eq, %select_n3A_780, %eq3A_875 : i32
    %jit3A_877 = arith.constant 10 : i32
    %select_n3A_878 = arith.select %eq3A_876, %jit3A_877, %select_n3A_874 : i32
    %add3A_879 = arith.constant 16 : i32
    %add3A_880 = arith.addi %mul3A_849, %add3A_879 : i32
    %max3A_881 = arith.maxsi %mul3A_849, %select_n3A_878 : i32
    %min3A_882 = arith.minsi %add3A_880, %max3A_881 : i32
    %add3A_883 = arith.constant 16 : i32
    %add3A_884 = arith.addi %mul3A_849, %add3A_883 : i32
    %while3A_885 = arith.constant 0 : i32
    %while3A_886 = arith.subi %add3A_884, %min3A_882 : i32
    %while3A_887 = arith.addi %min3A_882, %while3A_886 : i32
    %while3A_888 = arith.constant 1 : i32
    %while3A_889 = arith.divsi %while3A_886, %while3A_888 : i32
    %while3A_890 = arith.muli %while3A_889, %while3A_888 : i32
    %while3A_891 = arith.addi %min3A_882, %while3A_890 : i32
    %while3A_892 = arith.constant 1 : i32
    scf.for %while3A_1025 = %min3A_882 to %while3A_891 step %while3A_892  : i32 {
      %dma_wait3A = arith.constant 0 : i32
      %dma_wait3A_1026 = tpu.memref_slice %arg4[%select_n3A_780, %mul3A_849, %dma_wait3A, %multiple_of3A_823] : memref<8x32x196x768xf32, #tpu.memory_space<hbm>> -> memref<1x1x196x128xf32, #tpu.memory_space<hbm>>
      %dma_wait3A_1027 = tpu.memref_squeeze %dma_wait3A_1026 : memref<1x1x196x128xf32, #tpu.memory_space<hbm>> -> memref<196x128xf32, #tpu.memory_space<hbm>>
      %dma_wait3A_1028 = arith.constant 0 : i32
      %dma_wait3A_1029 = tpu.memref_slice %arg4[%select_n3A_780, %mul3A_849, %dma_wait3A_1028, %multiple_of3A_823] : memref<8x32x196x768xf32, #tpu.memory_space<hbm>> -> memref<1x1x196x128xf32, #tpu.memory_space<hbm>>
      %dma_wait3A_1030 = tpu.memref_squeeze %dma_wait3A_1029 : memref<1x1x196x128xf32, #tpu.memory_space<hbm>> -> memref<196x128xf32, #tpu.memory_space<hbm>>
      tpu.wait_dma2 semaphore(%arg14 : memref<!tpu.dma_semaphore, #tpu.memory_space<semaphore_mem>>) src(%arg8 : memref<196x128xf32, #tpu.memory_space<vmem>>) dst(%dma_wait3A_1030 : memref<196x128xf32, #tpu.memory_space<hbm>>)
    }
    %while3A_893 = arith.constant 1 : i32
    scf.for %while3A_1025 = %while3A_891 to %while3A_887 step %while3A_893  : i32 {
      %dma_wait3A = arith.constant 0 : i32
      %dma_wait3A_1026 = tpu.memref_slice %arg4[%select_n3A_780, %mul3A_849, %dma_wait3A, %multiple_of3A_823] : memref<8x32x196x768xf32, #tpu.memory_space<hbm>> -> memref<1x1x196x128xf32, #tpu.memory_space<hbm>>
      %dma_wait3A_1027 = tpu.memref_squeeze %dma_wait3A_1026 : memref<1x1x196x128xf32, #tpu.memory_space<hbm>> -> memref<196x128xf32, #tpu.memory_space<hbm>>
      %dma_wait3A_1028 = arith.constant 0 : i32
      %dma_wait3A_1029 = tpu.memref_slice %arg4[%select_n3A_780, %mul3A_849, %dma_wait3A_1028, %multiple_of3A_823] : memref<8x32x196x768xf32, #tpu.memory_space<hbm>> -> memref<1x1x196x128xf32, #tpu.memory_space<hbm>>
      %dma_wait3A_1030 = tpu.memref_squeeze %dma_wait3A_1029 : memref<1x1x196x128xf32, #tpu.memory_space<hbm>> -> memref<196x128xf32, #tpu.memory_space<hbm>>
      tpu.wait_dma2 semaphore(%arg14 : memref<!tpu.dma_semaphore, #tpu.memory_space<semaphore_mem>>) src(%arg8 : memref<196x128xf32, #tpu.memory_space<vmem>>) dst(%dma_wait3A_1030 : memref<196x128xf32, #tpu.memory_space<hbm>>)
    }
    %add3A_894 = arith.constant 64 : i32
    %add3A_895 = arith.addi %add3A, %add3A_894 : i32
    %jit3A_896 = arith.constant 8 : i32
    %eq3A_897 = arith.constant 0 : i32
    %eq3A_898 = arith.cmpi eq, %jit3A_896, %eq3A_897 : i32
    %jit3A_899 = arith.constant 1 : i32
    %select_n3A_900 = arith.select %eq3A_898, %jit3A_899, %jit3A_896 : i32
    %rem3A_901 = arith.remsi %add3A_895, %select_n3A_900 : i32
    %ne3A_902 = arith.constant 0 : i32
    %ne3A_903 = arith.cmpi ne, %rem3A_901, %ne3A_902 : i32
    %lt3A_904 = arith.constant 0 : i32
    %lt3A_905 = arith.cmpi slt, %rem3A_901, %lt3A_904 : i32
    %lt3A_906 = arith.constant 0 : i32
    %lt3A_907 = arith.cmpi slt, %select_n3A_900, %lt3A_906 : i32
    %ne3A_908 = arith.xori %lt3A_905, %lt3A_907 : i1
    %and3A_909 = arith.andi %ne3A_908, %ne3A_903 : i1
    %add3A_910 = arith.addi %rem3A_901, %select_n3A_900 : i32
    %select_n3A_911 = arith.select %and3A_909, %add3A_910, %rem3A_901 : i32
    %jit3A_912 = arith.constant 8 : i32
    %div3A_913 = arith.divsi %add3A_895, %jit3A_912 : i32
    %sign3A_914 = arith.constant 0 : i32
    %sign3A_915 = arith.cmpi sgt, %add3A_895, %sign3A_914 : i32
    %sign3A_916 = arith.extui %sign3A_915 : i1 to i32
    %sign3A_917 = arith.constant 0 : i32
    %sign3A_918 = arith.cmpi slt, %add3A_895, %sign3A_917 : i32
    %sign3A_919 = arith.extui %sign3A_918 : i1 to i32
    %sign3A_920 = arith.subi %sign3A_916, %sign3A_919 : i32
    %sign3A_921 = arith.constant 0 : i32
    %sign3A_922 = arith.cmpi sgt, %jit3A_912, %sign3A_921 : i32
    %sign3A_923 = arith.extui %sign3A_922 : i1 to i32
    %sign3A_924 = arith.constant 0 : i32
    %sign3A_925 = arith.cmpi slt, %jit3A_912, %sign3A_924 : i32
    %sign3A_926 = arith.extui %sign3A_925 : i1 to i32
    %sign3A_927 = arith.subi %sign3A_923, %sign3A_926 : i32
    %ne3A_928 = arith.cmpi ne, %sign3A_920, %sign3A_927 : i32
    %rem3A_929 = arith.remsi %add3A_895, %jit3A_912 : i32
    %ne3A_930 = arith.constant 0 : i32
    %ne3A_931 = arith.cmpi ne, %rem3A_929, %ne3A_930 : i32
    %and3A_932 = arith.andi %ne3A_928, %ne3A_931 : i1
    %sub3A_933 = arith.constant 1 : i32
    %sub3A_934 = arith.subi %div3A_913, %sub3A_933 : i32
    %select_n3A_935 = arith.select %and3A_932, %sub3A_934, %div3A_913 : i32
    %jit3A_936 = arith.constant 6 : i32
    %eq3A_937 = arith.constant 0 : i32
    %eq3A_938 = arith.cmpi eq, %jit3A_936, %eq3A_937 : i32
    %jit3A_939 = arith.constant 1 : i32
    %select_n3A_940 = arith.select %eq3A_938, %jit3A_939, %jit3A_936 : i32
    %rem3A_941 = arith.remsi %select_n3A_935, %select_n3A_940 : i32
    %ne3A_942 = arith.constant 0 : i32
    %ne3A_943 = arith.cmpi ne, %rem3A_941, %ne3A_942 : i32
    %lt3A_944 = arith.constant 0 : i32
    %lt3A_945 = arith.cmpi slt, %rem3A_941, %lt3A_944 : i32
    %lt3A_946 = arith.constant 0 : i32
    %lt3A_947 = arith.cmpi slt, %select_n3A_940, %lt3A_946 : i32
    %ne3A_948 = arith.xori %lt3A_945, %lt3A_947 : i1
    %and3A_949 = arith.andi %ne3A_948, %ne3A_943 : i1
    %add3A_950 = arith.addi %rem3A_941, %select_n3A_940 : i32
    %select_n3A_951 = arith.select %and3A_949, %add3A_950, %rem3A_941 : i32
    %mul3A_952 = arith.constant 128 : i32
    %mul3A_953 = arith.muli %select_n3A_951, %mul3A_952 : i32
    %multiple_of3A_954 = tpu.assume_multiple %mul3A_953, 128 : i32
    %jit3A_955 = arith.constant 6 : i32
    %div3A_956 = arith.divsi %select_n3A_935, %jit3A_955 : i32
    %sign3A_957 = arith.constant 0 : i32
    %sign3A_958 = arith.cmpi sgt, %select_n3A_935, %sign3A_957 : i32
    %sign3A_959 = arith.extui %sign3A_958 : i1 to i32
    %sign3A_960 = arith.constant 0 : i32
    %sign3A_961 = arith.cmpi slt, %select_n3A_935, %sign3A_960 : i32
    %sign3A_962 = arith.extui %sign3A_961 : i1 to i32
    %sign3A_963 = arith.subi %sign3A_959, %sign3A_962 : i32
    %sign3A_964 = arith.constant 0 : i32
    %sign3A_965 = arith.cmpi sgt, %jit3A_955, %sign3A_964 : i32
    %sign3A_966 = arith.extui %sign3A_965 : i1 to i32
    %sign3A_967 = arith.constant 0 : i32
    %sign3A_968 = arith.cmpi slt, %jit3A_955, %sign3A_967 : i32
    %sign3A_969 = arith.extui %sign3A_968 : i1 to i32
    %sign3A_970 = arith.subi %sign3A_966, %sign3A_969 : i32
    %ne3A_971 = arith.cmpi ne, %sign3A_963, %sign3A_970 : i32
    %rem3A_972 = arith.remsi %select_n3A_935, %jit3A_955 : i32
    %ne3A_973 = arith.constant 0 : i32
    %ne3A_974 = arith.cmpi ne, %rem3A_972, %ne3A_973 : i32
    %and3A_975 = arith.andi %ne3A_971, %ne3A_974 : i1
    %sub3A_976 = arith.constant 1 : i32
    %sub3A_977 = arith.subi %div3A_956, %sub3A_976 : i32
    %select_n3A_978 = arith.select %and3A_975, %sub3A_977, %div3A_956 : i32
    %mul3A_979 = arith.constant 16 : i32
    %mul3A_980 = arith.muli %select_n3A_978, %mul3A_979 : i32
    %eq3A_981 = arith.constant 1 : i32
    %eq3A_982 = arith.cmpi eq, %select_n3A_911, %eq3A_981 : i32
    %jit3A_983 = arith.constant 22 : i32
    %jit3A_984 = arith.constant 5 : i32
    %select_n3A_985 = arith.select %eq3A_982, %jit3A_983, %jit3A_984 : i32
    %eq3A_986 = arith.constant 2 : i32
    %eq3A_987 = arith.cmpi eq, %select_n3A_911, %eq3A_986 : i32
    %jit3A_988 = arith.constant 30 : i32
    %select_n3A_989 = arith.select %eq3A_987, %jit3A_988, %select_n3A_985 : i32
    %eq3A_990 = arith.constant 3 : i32
    %eq3A_991 = arith.cmpi eq, %select_n3A_911, %eq3A_990 : i32
    %jit3A_992 = arith.constant 12 : i32
    %select_n3A_993 = arith.select %eq3A_991, %jit3A_992, %select_n3A_989 : i32
    %eq3A_994 = arith.constant 4 : i32
    %eq3A_995 = arith.cmpi eq, %select_n3A_911, %eq3A_994 : i32
    %jit3A_996 = arith.constant 11 : i32
    %select_n3A_997 = arith.select %eq3A_995, %jit3A_996, %select_n3A_993 : i32
    %eq3A_998 = arith.constant 5 : i32
    %eq3A_999 = arith.cmpi eq, %select_n3A_911, %eq3A_998 : i32
    %jit3A_1000 = arith.constant 10 : i32
    %select_n3A_1001 = arith.select %eq3A_999, %jit3A_1000, %select_n3A_997 : i32
    %eq3A_1002 = arith.constant 6 : i32
    %eq3A_1003 = arith.cmpi eq, %select_n3A_911, %eq3A_1002 : i32
    %jit3A_1004 = arith.constant 1 : i32
    %select_n3A_1005 = arith.select %eq3A_1003, %jit3A_1004, %select_n3A_1001 : i32
    %eq3A_1006 = arith.constant 7 : i32
    %eq3A_1007 = arith.cmpi eq, %select_n3A_911, %eq3A_1006 : i32
    %jit3A_1008 = arith.constant 10 : i32
    %select_n3A_1009 = arith.select %eq3A_1007, %jit3A_1008, %select_n3A_1005 : i32
    %add3A_1010 = arith.constant 16 : i32
    %add3A_1011 = arith.addi %mul3A_980, %add3A_1010 : i32
    %max3A_1012 = arith.maxsi %mul3A_980, %select_n3A_1009 : i32
    %min3A_1013 = arith.minsi %add3A_1011, %max3A_1012 : i32
    %add3A_1014 = arith.constant 16 : i32
    %add3A_1015 = arith.addi %mul3A_980, %add3A_1014 : i32
    %while3A_1016 = arith.constant 0 : i32
    %while3A_1017 = arith.subi %add3A_1015, %min3A_1013 : i32
    %while3A_1018 = arith.addi %min3A_1013, %while3A_1017 : i32
    %while3A_1019 = arith.constant 1 : i32
    %while3A_1020 = arith.divsi %while3A_1017, %while3A_1019 : i32
    %while3A_1021 = arith.muli %while3A_1020, %while3A_1019 : i32
    %while3A_1022 = arith.addi %min3A_1013, %while3A_1021 : i32
    %while3A_1023 = arith.constant 1 : i32
    scf.for %while3A_1025 = %min3A_1013 to %while3A_1022 step %while3A_1023  : i32 {
      %dma_wait3A = arith.constant 0 : i32
      %dma_wait3A_1026 = tpu.memref_slice %arg4[%select_n3A_911, %mul3A_980, %dma_wait3A, %multiple_of3A_954] : memref<8x32x196x768xf32, #tpu.memory_space<hbm>> -> memref<1x1x196x128xf32, #tpu.memory_space<hbm>>
      %dma_wait3A_1027 = tpu.memref_squeeze %dma_wait3A_1026 : memref<1x1x196x128xf32, #tpu.memory_space<hbm>> -> memref<196x128xf32, #tpu.memory_space<hbm>>
      %dma_wait3A_1028 = arith.constant 0 : i32
      %dma_wait3A_1029 = tpu.memref_slice %arg4[%select_n3A_911, %mul3A_980, %dma_wait3A_1028, %multiple_of3A_954] : memref<8x32x196x768xf32, #tpu.memory_space<hbm>> -> memref<1x1x196x128xf32, #tpu.memory_space<hbm>>
      %dma_wait3A_1030 = tpu.memref_squeeze %dma_wait3A_1029 : memref<1x1x196x128xf32, #tpu.memory_space<hbm>> -> memref<196x128xf32, #tpu.memory_space<hbm>>
      tpu.wait_dma2 semaphore(%arg13 : memref<!tpu.dma_semaphore, #tpu.memory_space<semaphore_mem>>) src(%arg7 : memref<196x128xf32, #tpu.memory_space<vmem>>) dst(%dma_wait3A_1030 : memref<196x128xf32, #tpu.memory_space<hbm>>)
    }
    %while3A_1024 = arith.constant 1 : i32
    scf.for %while3A_1025 = %while3A_1022 to %while3A_1018 step %while3A_1024  : i32 {
      %dma_wait3A = arith.constant 0 : i32
      %dma_wait3A_1026 = tpu.memref_slice %arg4[%select_n3A_911, %mul3A_980, %dma_wait3A, %multiple_of3A_954] : memref<8x32x196x768xf32, #tpu.memory_space<hbm>> -> memref<1x1x196x128xf32, #tpu.memory_space<hbm>>
      %dma_wait3A_1027 = tpu.memref_squeeze %dma_wait3A_1026 : memref<1x1x196x128xf32, #tpu.memory_space<hbm>> -> memref<196x128xf32, #tpu.memory_space<hbm>>
      %dma_wait3A_1028 = arith.constant 0 : i32
      %dma_wait3A_1029 = tpu.memref_slice %arg4[%select_n3A_911, %mul3A_980, %dma_wait3A_1028, %multiple_of3A_954] : memref<8x32x196x768xf32, #tpu.memory_space<hbm>> -> memref<1x1x196x128xf32, #tpu.memory_space<hbm>>
      %dma_wait3A_1030 = tpu.memref_squeeze %dma_wait3A_1029 : memref<1x1x196x128xf32, #tpu.memory_space<hbm>> -> memref<196x128xf32, #tpu.memory_space<hbm>>
      tpu.wait_dma2 semaphore(%arg13 : memref<!tpu.dma_semaphore, #tpu.memory_space<semaphore_mem>>) src(%arg7 : memref<196x128xf32, #tpu.memory_space<vmem>>) dst(%dma_wait3A_1030 : memref<196x128xf32, #tpu.memory_space<hbm>>)
    }
    return
  }
}

module attributes {stable_mosaic.version = 14 : i64} {
  func.func @_pos_body(%arg0: memref<8x1xi32, #tpu.memory_space<vmem>>, %arg1: memref<8x32xi32, #tpu.memory_space<vmem>>) attributes {dimension_semantics = [], scalar_prefetch = 0 : i64, scratch_operands = 0 : i64, tpu.core_type = #tpu.core_type<tc>} {
    %iota3A = tpu.iota {dimensions = array<i32: 1>} : vector<8x32xi32>
    %get3A = arith.constant 0 : index
    %get3A_0 = arith.constant 0 : index
    %get3A_1 = vector.load %arg0[%get3A, %get3A_0] : memref<8x1xi32, #tpu.memory_space<vmem>>, vector<8x1xi32>
    %ge3A = vector.broadcast %get3A_1 : vector<8x1xi32> to vector<8x32xi32>
    %ge3A_2 = arith.cmpi sge, %iota3A, %ge3A : vector<8x32xi32>
    %convert_element_type3A = arith.extui %ge3A_2 : vector<8x32xi1> to vector<8x32xi32>
    %swap3A = arith.constant 0 : index
    %swap3A_3 = arith.constant 0 : index
    %swap3A_4 = vector.load %arg1[%swap3A, %swap3A_3] : memref<8x32xi32, #tpu.memory_space<vmem>>, vector<8x32xi32>
    tpu.vector_store %arg1[%swap3A, %swap3A_3], %convert_element_type3A {strides = array<i32>} : memref<8x32xi32, #tpu.memory_space<vmem>>, vector<8x32xi32>,
    return
  }
}

</mosaic_0001>

<sc_bundles>
// kernel: kernel.4.cloned.1.call-start
scs
__scs_entry_jumppad:
0x0: {  	(pc) =	sbr.rel $0x88, $3  }
0x1: {  	(tag) =	ssettag $0x0;
	lr =	simm.s32 $0x1  }
0x2: {  	[smem:$0x3F9F] =	sst lr;
	_ =	strace $0xD0000000  }
0x3: {  	_ = 	snop  }
0x4: {  	_ = 	snop  }
0x5: {  	_ = 	snop  }
0x6: {  	_ = 	snop  }
0x7: {  	_ = 	snop  }
__scs_overlays_trampoline_lowered:
0x8: {  	[smem:$0x3FAE] =	sst s0  }
0x9: {  	[smem:$0x3FAF] =	sst s1  }
0xa: {  	[smem:$0x3FB0] =	sst s2  }
0xb: {  	[smem:$0x3FB1] =	sst s3  }
0xc: {  	[smem:$0x3FB2] =	sst s4  }
0xd: {  	[smem:$0x3FB3] =	sst s5  }
0xe: {  	[smem:$0x3FB4] =	sst s6  }
0xf: {  	[smem:$0x3FB5] =	sst s7  }
0x10: {  	[smem:$0x3FB6] =	sst s8  }
0x11: {  	[smem:$0x3FB7] =	sst s9;
	s0 =	simm.s32 @!p0 $0x0  }
0x12: {  	s1 =	sld [smem:$0x3F9D];
	s0 =	simm.s32 @p0 $0x1  }
0x13: {  	[smem:$0x3FB8] =	sst s0;
	s0 =	simm.s32 @!p1 $0x0  }
0x14: {  	s2 =	sld [smem:$0x3F9C];
	s0 =	simm.s32 @p1 $0x1  }
0x15: {  	[smem:$0x3FB9] =	sst s0;
	s0 =	simm.s32 @!p2 $0x0  }
0x16: {  	s3 =	sld [smem:$0x3FDB];
	s0 =	simm.s32 @p2 $0x1  }
0x17: {  	s4 =	simm.s32 $0x1BF5;
	[smem:$0x3FBB] =	sst s0  }
0x18: {  	s0 =	sld [smem:$0x3F9E];
	_ =	swait.ge [sflag:s4], $0x0  }
0x19: {  	s7 =	sld [smem:$0x3F9F]  }
0x1a: {  	s8 =	sadd.s32 $0xFFFFE003, lr  }
0x1b: {  	s9 =	sadd.s32 $0xFFFFFEF7, lr;
	s5 =	simm.s32 $0xFFFFFFFF;
	p2 =	slt.u32 s8, $0xFFFFF086  }
0x1c: {  	p1 =	slt.u32 s9, $0xF7A;
	s5 =	simm.s32 @!p2 $0x0  }
0x1d: {  	s5 =	simm.s32 @p1 $0x1;
	p0 =	seq.s32 s7, s2  }
0x1e: {  	s7 =	smul.u32 @!p0 $0xF7A, s2;
	p2 =	seq.s32 @!p0 s5, $0x0  }
0x1f: {  	s9 =	smul.u32 $0xF7A, s1;
	s8 =	simm.s32 @!p0 $0x1BF5;
	p2 =	por !p2, p0  }
0x20: {  	[sflag:s8] =	ssyncset.s32 @!p0 $0xFFFFF086;
	s6 =	sadd.s32 @!p0 s3, s7;
	s7 =	simm.s32 @!p0 $0x108  }
0x21: {  	s3 =	sadd.s32 s3, s9;
	s6 =	sadd.s32 @!p0 $0x88, s6;
	s7 =	simm.s32 @p2 $0x1082  }
0x22: {  	[simem:s7], [sflag:s8] =	dma.local @!p0 [hbm:s6], $0xF7A  }
0x23: {  	s9 =	sor.u32 $0xD0000000, s2;
	s6 =	simm.s32 $0x108;
	_ =	swait.ge @!p0 [sflag:s8], $0x0  }
0x24: {  	s3 =	sadd.s32 $0x88, s3;
	s6 =	simm.s32 @!p1 $0x1082;
	[sflag:s4] =	ssyncset.s32 $0xFFFFF086  }
0x25: {  	[simem:s6], [sflag:s4] =	dma.local [hbm:s3], $0xF7A  }
0x26: {  	[smem:$0x3F9F] =	sst s1;
	(tag) =	ssettag s2;
	_ =	strace s9  }
0x27: {  	s1 =	sld [smem:$0x3FAF]  }
0x28: {  	s2 =	sld [smem:$0x3FB0]  }
0x29: {  	s4 =	sld [smem:$0x3FB2]  }
0x2a: {  	p0 =	seq.s32 s5, $0x0;
	s5 =	sld [smem:$0x3FB3]  }
0x2b: {  	s6 =	sld [smem:$0x3FB4]  }
0x2c: {  	s7 =	sld [smem:$0x3FB5]  }
0x2d: {  	s3 =	simm.s32 $0x108;
	s8 =	sld [smem:$0x3FB6]  }
0x2e: {  	s3 =	simm.s32 @!p0 $0x1082;
	s9 =	sld [smem:$0x3FB7]  }
0x2f: {  	lr =	sadd.s32 s0, s3;
	s0 =	sld [smem:$0x3FAE]  }
0x30: {  	s3 =	sld [smem:$0x3FB1]  }
0x31: {  	[smem:$0x3FBA] =	sst s10  }
0x32: {  	s10 =	sld [smem:$0x3FB8];
	_ =	sdelay $0x3  }
0x33: {  	p0 =	seq.s32 s10, $0x1;
	s10 =	sld [smem:$0x3FBA];
	_ =	sdelay $0x3  }
0x34: {  	[smem:$0x3FBA] =	sst s10  }
0x35: {  	s10 =	sld [smem:$0x3FB9];
	_ =	sdelay $0x3  }
0x36: {  	p1 =	seq.s32 s10, $0x1;
	s10 =	sld [smem:$0x3FBA];
	_ =	sdelay $0x3  }
0x37: {  	[smem:$0x3FBA] =	sst s10  }
0x38: {  	s10 =	sld [smem:$0x3FBB]  }
0x39: {  	_ = 	snop;
	(pc) =	sbr.ind lr, $3  }
0x3a: {  	_ = 	snop  }
0x3b: {  	_ = 	snop  }
0x3c: {  	p2 =	seq.s32 s10, $0x1;
	s10 =	sld [smem:$0x3FBA]  }
0x3d: {  	_ =	shalt  }
0x3e: {  	_ =	shalt  }
0x3f: {  	_ =	shalt  }
0x40: {  	_ =	shalt  }
0x41: {  	_ =	shalt  }
0x42: {  	_ =	shalt  }
0x43: {  	_ =	shalt  }
0x44: {  	_ =	shalt  }
0x45: {  	_ =	shalt  }
0x46: {  	_ =	shalt  }
0x47: {  	_ =	shalt  }
0x48: {  	_ =	shalt  }
0x49: {  	_ =	shalt  }
0x4a: {  	_ =	shalt  }
0x4b: {  	_ =	shalt  }
0x4c: {  	_ =	shalt  }
0x4d: {  	_ =	shalt  }
0x4e: {  	_ =	shalt  }
0x4f: {  	_ =	shalt  }
0x50: {  	_ =	shalt  }
0x51: {  	_ =	shalt  }
0x52: {  	_ =	shalt  }
0x53: {  	_ =	shalt  }
0x54: {  	_ =	shalt  }
0x55: {  	_ =	shalt  }
0x56: {  	_ =	shalt  }
0x57: {  	_ =	shalt  }
0x58: {  	_ =	shalt  }
0x59: {  	_ =	shalt  }
0x5a: {  	_ =	shalt  }
0x5b: {  	_ =	shalt  }
0x5c: {  	_ =	shalt  }
0x5d: {  	_ =	shalt  }
0x5e: {  	_ =	shalt  }
0x5f: {  	_ =	shalt  }
0x60: {  	_ =	shalt  }
0x61: {  	_ =	shalt  }
0x62: {  	_ =	shalt  }
0x63: {  	_ =	shalt  }
0x64: {  	_ =	shalt  }
0x65: {  	_ =	shalt  }
0x66: {  	_ =	shalt  }
0x67: {  	_ =	shalt  }
0x68: {  	_ =	shalt  }
0x69: {  	_ =	shalt  }
0x6a: {  	_ =	shalt  }
0x6b: {  	_ =	shalt  }
0x6c: {  	_ =	shalt  }
0x6d: {  	_ =	shalt  }
0x6e: {  	_ =	shalt  }
0x6f: {  	_ =	shalt  }
0x70: {  	_ =	shalt  }
0x71: {  	_ =	shalt  }
0x72: {  	_ =	shalt  }
0x73: {  	_ =	shalt  }
0x74: {  	_ =	shalt  }
0x75: {  	_ =	shalt  }
0x76: {  	_ =	shalt  }
0x77: {  	_ =	shalt  }
0x78: {  	_ =	shalt  }
0x79: {  	_ =	shalt  }
0x7a: {  	_ =	shalt  }
0x7b: {  	_ =	shalt  }
0x7c: {  	_ =	shalt  }
0x7d: {  	_ =	shalt  }
0x7e: {  	_ =	shalt  }
0x7f: {  	_ =	shalt  }
0x80: {  	_ =	shalt  }
0x81: {  	_ =	shalt  }
0x82: {  	_ =	shalt  }
0x83: {  	_ =	shalt  }
0x84: {  	_ =	shalt  }
0x85: {  	_ =	shalt  }
0x86: {  	_ =	shalt  }
0x87: {  	_ =	shalt  }
.Lfunc_end0:
.L_simem_size_0:
called_computation_lowered:
.L_overlay_start_0:
0x88: {  	s2 =	sld [smem:$0x3FD9]  }
0x89: {  	s3 =	sld [smem:$0x3FFE];
	_ =	sdelay $0x1  }
0x8a: {  	s1 =	srdreg.scid  }
0x8b: {  	s0 =	sand.u32 $0x1, s1  }
0x8c: {  	s17 =	sshll.u32 s0, $0xA;
	s2 =	sadd.s32 s3, s2  }
0x8d: {  	s2 =	sadd.s32 s2, s17  }
0x8e: {  	[smem:$0x3FC6] =	sst s2  }
0x8f: {  	_ = 	snop  }
0x90: {  	s2 =	sld [smem:$0x3FC8];
	(tm) =	ssettm $0x1  }
0x91: {  	s18 =	sld [smem:$0x3FFB];
	_ =	sdelay $0x3  }
0x92: {  	_ =	strace s18  }
0x93: {  	s3 =	sld [smem:$0x3FFC];
	_ =	sdelay $0x3  }
0x94: {  	_ =	strace s3  }
0x95: {  	s3 =	sld [smem:$0x3FFD];
	_ =	sdelay $0x3  }
0x96: {  	_ =	strace s3  }
0x97: {  	_ =	strace $0x8FFFFFFF  }
0x98: {  	s19 =	sld [smem:$0x3FDB];
	_ =	sdelay $0x1  }
0x99: {  	s4 =	simm.s32 $_scs_section_size  }
0x9a: {  	s5 =	simm.s32 $_size__tile_overlayer_lowered;
	s6 =	simm.s32 $_tile_overlayer_lowered  }
0x9b: {  	s22 =	simm.s32 $0x1BFF;
	s21 =	sshll.u32 s6, $0x1;
	s3 =	sadd.s32 s4, s19  }
0x9c: {  	s7 =	simm.s32 $0x0;
	s20 =	sshll.u32 s5, $0x1;
	s5 =	sadd.s32 s21, s3  }
0x9d: {  	[timem:s7], [sflag:s22] =	dma.local [hbm:s5], s20  }
0x9e: {  	_ =	swait.ge [sflag:s22], s20  }
0x9f: {  	s4 =	ssub.s32 $0x0, s20;
	[sflag:s22] =	ssyncset.done $0x0  }
0xa0: {  	[sflag:s22] =	ssyncadd.s32 s4;
	_ =	sdelay $0x1  }
0xa1: {  	s23 =	simm.s32 $0x1B8B  }
0xa2: {  	_ =	swait.ge [sflag:s23], $0x1  }
0xa3: {  	[sflag:s23] =	ssyncset.done $0x0  }
0xa4: {  	s25 =	simm.s32 $0x1B8E;
	s24 =	sld [smem:$0x3FFE];
	[sflag:s23] =	ssyncadd.s32 $0xFFFFFFFF  }
0xa5: {  	s26 =	simm.s32 $execute0_lowered;
	[smem:$0x3FD2] =	sst s25  }
0xa6: {  	s5 =	sshll.u32 s26, $0x1;
	_ =	strace $0x80000046;
	[dreg:$0x1] =	wrdreg $0xFFFFFFFF  }
0xa7: {  	s28 =	simm.s32 $_size_execute0_lowered;
	s3 =	sadd.s32 s3, s5;
	[dreg:$0x0] =	wrdreg $0x0  }
0xa8: {  	s5 =	sshll.u32 s28, $0x1;
	[dreg:$0x2] =	wrdreg s3  }
0xa9: {  	[dreg:$0x3] =	wrdreg s5  }
0xaa: {  	[dreg:$0x4] =	wrdreg $0xC0  }
0xab: {  	_ =	task [dreg:s7], $0x5FFFF  }
0xac: {  	[dreg:$0x1] =	wrdreg $0xFFFFFFFF  }
0xad: {  	[dreg:$0x0] =	wrdreg $0x60  }
0xae: {  	[dreg:$0x2] =	wrdreg s24  }
0xaf: {  	[dreg:$0x3] =	wrdreg s2  }
0xb0: {  	[dreg:$0x4] =	wrdreg $0x9  }
0xb1: {  	_ =	task.clear_ibuf [dreg:s7], $0x5FFFF;
	_ =	strace $0x90000046  }
0xb2: {  	s29 =	simm.s32 $0x9;
	_ =	strace $0x80000048  }
0xb3: {  	_ =	swait.ge [sflag:s29], $0x1  }
0xb4: {  	[sflag:s29] =	ssyncadd.s32 $0xFFFFFFFF  }
0xb5: {  	_ =	strace $0x90000048  }
0xb6: {  	_ =	sfence  }
0xb7: {  	s30 =	sld [smem:$0x0];
	_ =	sdelay $0x2  }
0xb8: {  	s31 =	sshll.u32 s1, $0xD;
	s1 =	sshrl.u32 s1, $0x2  }
0xb9: {  	s3 =	sand.u32 $0x4000, s31;
	s1 =	sadd.s32 s1, s30  }
0xba: {  	s0 =	sor.u32 s3, s0;
	s1 =	sshll.u32 s1, $0x11  }
0xbb: {  	s0 =	sor.u32 s1, s0  }
0xbc: {  	s0 =	sadd.s32 $0x8F2B, s0  }
0xbd: {  	[sflag:s0] =	ssyncadd.remote.s32 $0x1  }
0xbe: {  	_ =	sfence.sel $0xFFFF  }
0xbf: {  	[dreg:$0x0] =	wrdreg $0xFFFFFFFF;
	(pc) =	sbr.abs _section_cstart, $3  }
0xc0: {  	[dreg:$0x1] =	wrdreg $0xFFFFFFFF  }
0xc1: {  	_ =	task.clear_ibuf [dreg:s7], $0x2FFFF;
	_ =	strace $0x9FFFFFFF  }
0xc2: {  	(tm) =	ssettm $0x7FFFFFFF  }
0xc3: {  	_ =	shalt  }
tec
execute0_lowered:
.L_overlay_start_1:
0x0: {  	(tag) =	ssettag $0x1  }
0x1: {  	s0 =	srdreg.scid  }
0x2: {  	s3 =	stileid.u32;
	s11 =	rddreg [dreg:$0x1];
	s6 =	simm.s32 $0x16  }
0x3: {  	s28 =	simm.s32 $0x18C00;
	s0 =	sand.u32 $0x1, s0;
	s10 =	sand.u32 $0x7, s3  }
0x4: {  	s1 =	sshll.u32 s0, $0x4;
	s0 =	ssub.s32 $0x2, s0;
	s14 =	smul.u32 $0x300, s10  }
0x5: {  	p0 =	sne.s32 s10, $0x0;
	p3 =	seq.s32 s10, $0x3;
	s15 =	smul.u32 $0x4B0000, s10  }
0x6: {  	s2 =	sor.u32 s3, s1;
	s21 =	sshrl.u32 s0, $0x1;
	s1 =	simm.s32 $0x1  }
0x7: {  	p1 =	seq.s32 s2, $0x0;
	s0 =	ssub.s32 s0, s21;
	s12 =	sshrl.u32 s2, $0x3  }
0x8: {  	s2 =	sor.u32 $0x20, s2;
	s21 =	simm.s32 $0x258000;
	p0 =	por !p0, !p1  }
0x9: {  	p1 =	seq.s32 s10, $0x2;
	s22 =	sshll.u32 s2, $0x4;
	p0 =	por !p0, !p0  }
0xa: {  	s0 =	smax.u32 s0, $0x1;
	s1 =	simm.s32 @!p0 $0x0;
	p0 =	seq.s32 s10, $0x1  }
0xb: {  	s8 =	sand.u32 $0xFFFFFF80, s22;
	s13 =	ssub.s32 s12, s1;
	s6 =	simm.s32 @!p0 $0x5  }
0xc: {  	s16 =	sadd.s32 $0xFFFFFD00, s8;
	p2 =	slt.s32 s13, $0x0;
	s6 =	simm.s32 @p1 $0x1E  }
0xd: {  	s1 =	sshll.u32 s13, $0x7;
	s19 =	sand.u32 $0xFFFFFFF0, s13;
	s13 =	sshrl.u32 s13, $0x4  }
0xe: {  	s6 =	simm.s32 @p3 $0xC;
	p3 =	seq.s32 s10, $0x4;
	s3 =	sadd.s32 $0x300, s1  }
0xf: {  	s9 =	sadd.s32 $0x10, s19;
	s13 =	smul.u32 $0x258000, s13;
	s6 =	simm.s32 @p3 $0xB  }
0x10: {  	p3 =	seq.s32 s10, $0x5;
	s1 =	smov.u32 @p2 s3;
	p2 =	seq.s32 s10, $0x6  }
0x11: {  	s3 =	simm.s32 $0x16;
	s6 =	simm.s32 @p3 $0xA;
	s5 =	sadd.s32 s14, s1  }
0x12: {  	p3 =	slt.u32 s2, $0x30;
	s3 =	simm.s32 @!p0 $0x10;
	s13 =	sadd.s32 s13, s15  }
0x13: {  	s6 =	simm.s32 @p2 $0x1;
	p2 =	seq.s32 s10, $0x7;
	s7 =	sshrl.u32 s5, $0x3  }
0x14: {  	s5 =	simm.s32 $0x10;
	s16 =	smov.u32 @p3 s8;
	s3 =	simm.s32 @p1 $0x1E  }
0x15: {  	[dreg:$0x7] =	wrdreg s13;
	s10 =	smul.u32 $0x96000, s10;
	s6 =	simm.s32 @p2 $0xA  }
0x16: {  	p2 =	sgt.u32 s2, $0x2F;
	s23 =	sadd.s32 s11, s7;
	s17 =	sadd.s32 s14, s16  }
0x17: {  	s4 =	smin.u32 s9, s6;
	[dreg:$0x3] =	wrdreg s23;
	s5 =	simm.s32 @!p2 $0x0  }
0x18: {  	s25 =	sshrl.u32 s17, $0x3;
	s21 =	simm.s32 @!p2 $0x0;
	s7 =	sadd.s32 $0x10, s5  }
0x19: {  	s24 =	smax.u32 s5, s6;
	s18 =	sand.u32 $0x1, s4;
	s2 =	sadd.s32 s11, s25  }
0x1a: {  	s20 =	smul.u32 $0x25800, s4;
	s23 =	sadd.s32 s15, s21;
	s8 =	smin.u32 s7, s24  }
0x1b: {  	s25 =	smul.u32 $0x25800, s3;
	p5 =	seq.s32 s4, s19;
	s26 =	sand.u32 $0x1, s8  }
0x1c: {  	p4 =	seq.s32 s18, $0x1;
	[dreg:$0x4] =	wrdreg s2;
	p3 =	seq.s32 s26, $0x1  }
0x1d: {  	s24 =	smul.u32 $0x25800, s5;
	s20 =	sadd.s32 s20, s15;
	s2 =	simm.s32 @!p3 $0x0  }
0x1e: {  	s22 =	smul.u32 $0x25800, s8;
	[dreg:$0x6] =	wrdreg s20;
	s2 =	simm.s32 @p3 $0x1  }
0x1f: {  	[smem:$0x7F8] =	sst s2;
	s2 =	sshll.u32 s12, $0x7;
	s12 =	sor.u32 $0x1, s5  }
0x20: {  	s20 =	rddreg [dreg:$0x0];
	s17 =	sadd.s32 $0x100, s2;
	s31 =	smul.u32 $0x25800, s12  }
0x21: {  	s26 =	sadd.s32 s22, s15;
	s13 =	sadd.s32 $0x600, s20;
	s14 =	sadd.s32 s14, s17  }
0x22: {  	s21 =	sshrl.u32 s26, $0x3;
	s14 =	sshrl.u32 s14, $0x3;
	s18 =	sadd.s32 s15, s31  }
0x23: {  	s31 =	sadd.s32 s24, s15;
	s15 =	sadd.s32 s25, s15;
	s11 =	sadd.s32 s11, s14  }
0x24: {  	s14 =	sadd.s32 $0x4B0600, s20;
	s24 =	sadd.s32 $0x4B000, s31;
	s31 =	sld [smem:$0x7F8]  }
0x25: {  	s18 =	sshrl.u32 s18, $0x3;
	s15 =	sshrl.u32 s15, $0x3;
	[dreg:$0x5] =	wrdreg s11  }
0x26: {  	s11 =	sshrl.u32 s23, $0x3;
	s23 =	sadd.s32 s14, s16;
	s18 =	sadd.s32 s16, s18  }
0x27: {  	s15 =	sadd.s32 s15, s14;
	s25 =	sadd.s32 s10, s14;
	s10 =	sadd.s32 s10, s13  }
0x28: {  	s26 =	sadd.s32 s2, s25;
	s2 =	sadd.s32 s2, s10;
	s10 =	ssub.s32 s4, s19  }
0x29: {  	s11 =	sor.u32 s16, s11;
	s20 =	sadd.s32 s21, s23;
	p0 =	seq.s32 @!p5 s10, $0x1  }
0x2a: {  	s15 =	sadd.s32 s15, s17;
	[dreg:$0x8] =	wrdreg s20;
	s10 =	simm.s32 @!p0 $0x0  }
0x2b: {  	s16 =	sadd.s32 s13, s16;
	[dreg:$0xb] =	wrdreg s15;
	s10 =	simm.s32 @p0 $0x1  }
0x2c: {  	s20 =	sshrl.u32 s24, $0x3;
	[smem:$0x7FA] =	sst s10;
	s10 =	simm.s32 $0x3  }
0x2d: {  	p0 =	por p4, p4;
	s10 =	simm.s32 @!p4 $0x4;
	p4 =	slt.u32 s6, s9  }
0x2e: {  	s21 =	sadd.s32 s20, s23;
	[dreg:$0xc] =	wrdreg s10;
	s10 =	simm.s32 @!p4 $0x0  }
0x2f: {  	[dreg:$0x9] =	wrdreg s21;
	s10 =	simm.s32 @p4 $0x1;
	p4 =	slt.u32 s6, s7  }
0x30: {  	s16 =	sadd.s32 s20, s16;
	[smem:$0x7F4] =	sst s10;
	s10 =	simm.s32 @!p4 $0x0  }
0x31: {  	[dreg:$0xa] =	wrdreg s16;
	s10 =	simm.s32 @p4 $0x1;
	p4 =	sge.u32 s6, s9  }
0x32: {  	p1 =	sle.u32 s6, s5;
	[smem:$0x7F5] =	sst s10;
	s10 =	simm.s32 @!p4 $0x0  }
0x33: {  	s21 =	simm.s32 $0x0;
	s10 =	simm.s32 @p4 $0x1;
	p4 =	sge.u32 s6, s7  }
0x34: {  	[smem:$0x7F6] =	sst s10;
	s10 =	simm.s32 $0x4;
	s6 =	simm.s32 @!p4 $0x0  }
0x35: {  	[smem:$0x7FF] =	sst s21;
	s6 =	simm.s32 @p4 $0x1;
	s10 =	simm.s32 @!p0 $0x3  }
0x36: {  	p4 =	seq.s32 s31, $0x1;
	[smem:$0x7F7] =	sst s6;
	s6 =	simm.s32 $0x3  }
0x37: {  	[dreg:$0xd] =	wrdreg s10;
	s10 =	simm.s32 $0x4;
	s6 =	simm.s32 @!p4 $0x4  }
0x38: {  	p3 =	sge.u32 @!p1 s12, s8;
	s10 =	simm.s32 @!p4 $0x3;
	[dreg:$0xe] =	wrdreg s6  }
0x39: {  	s12 =	sadd.s32 s13, s11;
	s16 =	ssub.s32 s8, s5;
	[dreg:$0xf] =	wrdreg s10  }
0x3a: {  	p2 =	slt.s32 s16, $0x1;
	_ =	strace $0x80000047;
	[dreg:$0x10] =	wrdreg s0  }
0x3b: {  	p6 =	seq.s32 @!p2 s16, $0x1;
	s16 =	sadd.s32 s14, s11;
	[dreg:$0x11] =	wrdreg s12  }
0x3c: {  	s29 =	simm.s32 $0x5;
	s17 =	sadd.s32 s13, s18;
	[dreg:$0x12] =	wrdreg s16  }
0x3d: {  	s30 =	simm.s32 $0x6;
	s20 =	sadd.s32 s14, s18;
	[dreg:$0x13] =	wrdreg s17  }
0x3e: {  	s22 =	ssub.s32 s9, s4;
	p3 =	por p1, p3;
	[dreg:$0x14] =	wrdreg s20  }
0x3f: {  	s24 =	sadd.s32 $0x4B100, s2;
	s15 =	simm.s32 $0x2;
	s25 =	sld [smem:$0x7FA]  }
0x40: {  	s2 =	simm.s32 $0x0;
	s23 =	sadd.s32 $0x4B100, s26;
	[dreg:$0x15] =	wrdreg s22  }
0x41: {  	s26 =	sor.u32 $0x2, s19;
	s11 =	simm.s32 $0xC800;
	[dreg:$0x16] =	wrdreg s23  }
0x42: {  	s22 =	sor.u32 $0x2, s5;
	s0 =	simm.s32 @!p5 $0x0;
	p4 =	seq.s32 s25, $0x1  }
0x43: {  	s0 =	simm.s32 @p5 $0x1;
	p4 =	por p4, p5;
	p5 =	slt.u32 @!p3 s22, s8  }
0x44: {  	p6 =	por p6, p2;
	[dreg:$0x17] =	wrdreg s24;
	p0 =	por p3, !p5  }
0x45: {  	s31 =	ssub.s32 $0x20, s3;
	[smem:$0x7F9] =	sst s0;
	s0 =	simm.s32 @!p0 $0x0  }
0x46: {  	[dreg:$0x18] =	wrdreg s26;
	s0 =	simm.s32 @p0 $0x1;
	p0 =	sgt.s32 s4, s19  }
0x47: {  	s6 =	simm.s32 $0xC400;
	[smem:$0x7FB] =	sst s0;
	s0 =	simm.s32 @!p0 $0x0  }
0x48: {  	[dreg:$0x19] =	wrdreg s31;
	s0 =	simm.s32 @p0 $0x1;
	p0 =	seq.s32 s3, $0x10  }
0x49: {  	s16 =	simm.s32 $0x400;
	[smem:$0x7FC] =	sst s0;
	s0 =	simm.s32 @!p0 $0x0  }
0x4a: {  	s17 =	simm.s32 $0x1800;
	s20 =	simm.s32 $0x6400;
	s0 =	simm.s32 @p0 $0x1  }
0x4b: {  	s26 =	simm.s32 $0x12C00;
	s25 =	simm.s32 $0x12800;
	[smem:$0x7FD] =	sst s0  }
.LBB2_1:
0x4c: {  	[dreg:$0x1a] =	wrdreg s2  }
0x4d: {  	s0 =	rddreg [dreg:$0x3];
	s31 =	simm.s32 $0x7  }
0x4e: {  	[tilespmem:s11], [sflag:$0x7] =	stream.linear.gather [hbm4b:s0+s21], $0x80, $0x38;
	[tilespmem:$0x19000] =	vst v63  }
0x4f: {  	_ =	swait.ge [sflag:s31], $0x80  }
0x50: {  	[sflag:s31] =	ssyncset.done $0x0  }
0x51: {  	[sflag:s31] =	ssyncadd.s32 $0xFFFFFF80  }
0x52: {  	v0 =	vld [tilespmem:$0xC800]  }
0x53: {  	v1 =	vld [tilespmem:$0xC810]  }
0x54: {  	v2 =	vld [tilespmem:$0xC820]  }
0x55: {  	v7 =	vld [tilespmem:$0xC870]  }
0x56: {  	v3 =	vld [tilespmem:$0xC830]  }
0x57: {  	v4 =	vld [tilespmem:$0xC840]  }
0x58: {  	v5 =	vld [tilespmem:$0xC850]  }
0x59: {  	s2 =	simm.s32 $0x5C0;
	s0 =	simm.s32 $0xF0;
	v6 =	vld [tilespmem:$0xC860]  }
.LBB2_2:
0x5a: {  	p5 =	seq.s32 s2, $0x187C0;
	[tilespmem:s0+$0xC800] =	vst v7  }
0x5b: {  	[tilespmem:s0+$0xC790] =	vst v0  }
0x5c: {  	[tilespmem:s0+$0xC7A0] =	vst v1  }
.Ltmp0:
0x5d: {  	[tilespmem:s0+$0xC7B0] =	vst v2;
	(pc) =	sbr.rel @!p5 .LBB2_2-.Ltmp0, $4  }
0x5e: {  	[tilespmem:s0+$0xC7C0] =	vst v3  }
0x5f: {  	[tilespmem:s0+$0xC7D0] =	vst v4  }
0x60: {  	[tilespmem:s0+$0xC7E0] =	vst v5  }
0x61: {  	[tilespmem:s0+$0xC7F0] =	vst v6;
	s0 =	sshra.s32 s2, $0x2;
	s2 =	sadd.s32 $0x200, s2  }
0x62: {  	s31 =	sld [smem:$0x7F4]  }
0x63: {  	[tilespmem:s0+$0xC800] =	vst v7  }
0x64: {  	[tilespmem:s0+$0xC790] =	vst v0  }
0x65: {  	[tilespmem:s0+$0xC7A0] =	vst v1;
	p0 =	seq.s32 s31, $0x1  }
.Ltmp1:
0x66: {  	[tilespmem:s0+$0xC7B0] =	vst v2;
	(pc) =	sbr.rel @!p0 .LBB2_4-.Ltmp1, $4  }
0x67: {  	[tilespmem:s0+$0xC7C0] =	vst v3  }
0x68: {  	[tilespmem:s0+$0xC7D0] =	vst v4  }
0x69: {  	[tilespmem:s0+$0xC7E0] =	vst v5  }
0x6a: {  	[tilespmem:s0+$0xC7F0] =	vst v6  }
0x6b: {  	s31 =	rddreg [dreg:$0x15]  }
0x6c: {  	s2 =	rddreg [dreg:$0x6];
	p5 =	seq.s32 s31, $0x1  }
.Ltmp2:
0x6d: {  	s0 =	sshrl.u32 s2, $0x3;
	(pc) =	sbr.rel @p5 .LBB2_41-.Ltmp2, $4  }
0x6e: {  	s0 =	sadd.s32 s1, s0  }
0x6f: {  	s0 =	sand.u32 $0x1FFFFF80, s0  }
0x70: {  	s2 =	sadd.s32 $0x25800, s2;
	s18 =	sadd.s32 s14, s0;
	s0 =	sadd.s32 $0xFFFFFFFF, s31  }
0x71: {  	[hbm4b:s18+s16] =	stream.strided.scatter [tilespmem:s11], [sflag:$0x5], $0x6000, s17, s16, $0x38;
	[tilespmem:$0x19000] =	vst v63  }
.LBB2_40:
0x72: {  	s23 =	sshrl.u32 s2, $0x3;
	s18 =	sadd.s32 $0x4800, s18;
	p5 =	seq.s32 s0, $0x1  }
0x73: {  	[hbm4b:s18+s21] =	stream.linear.scatter [tilespmem:s25], [sflag:$0x5], $0x200, $0x38;
	[tilespmem:$0x19000] =	vst v63  }
.Ltmp3:
0x74: {  	_ = 	snop;
	(pc) =	sbr.rel @!p5 .LBB2_40-.Ltmp3, $4  }
0x75: {  	s0 =	sadd.s32 $0xFFFFFFFF, s0;
	s18 =	sadd.s32 s1, s23  }
0x76: {  	s18 =	sand.u32 $0x1FFFFF80, s18  }
0x77: {  	s2 =	sadd.s32 $0x25800, s2;
	s18 =	sadd.s32 s14, s18  }
0x78: {  	[hbm4b:s18+s16] =	stream.strided.scatter [tilespmem:s11], [sflag:$0x5], $0x6000, s17, s16, $0x38;
	[tilespmem:$0x19000] =	vst v63  }
.LBB2_41:
0x79: {  	s0 =	sadd.s32 $0x4800, s18  }
0x7a: {  	[hbm4b:s0+s21] =	stream.linear.scatter [tilespmem:s25], [sflag:$0x5], $0x200, $0x38;
	[tilespmem:$0x19000] =	vst v63  }
.LBB2_4:
0x7b: {  	s0 =	sld [smem:$0x7FC];
	_ =	sdelay $0x2  }
0x7c: {  	p0 =	seq.s32 s0, $0x1  }
.Ltmp4:
0x7d: {  	_ = 	snop;
	(pc) =	sbr.rel @p0 .LBB2_5-.Ltmp4, $2  }
0x7e: {  	_ =	sdelay $0x2  }
0x7f: {  	s18 =	rddreg [dreg:$0x7];
	s2 =	smov.u32 s19  }
.LBB2_8:
0x80: {  	s0 =	sld [smem:$0x7F9];
	_ =	sdelay $0x2  }
0x81: {  	p0 =	seq.s32 s0, $0x1;
	s0 =	rddreg [dreg:$0xc]  }
0x82: {  	_ =	swait.ge @!p0 [sflag:s0], $0x6200  }
0x83: {  	[sflag:s0] =	ssyncset.done @!p0 $0x0  }
0x84: {  	[sflag:s0] =	ssyncadd.s32 @!p0 $0xFFFF9E00;
	s0 =	rddreg [dreg:$0xd]  }
0x85: {  	_ =	swait.ge @!p4 [sflag:s0], $0x6200  }
0x86: {  	[sflag:s0] =	ssyncset.done @!p4 $0x0  }
0x87: {  	s31 =	simm.s32 $0x7;
	s24 =	rddreg [dreg:$0x4];
	[sflag:s0] =	ssyncadd.s32 @!p4 $0xFFFF9E00  }
0x88: {  	[tilespmem:s26], [sflag:$0x7] =	stream.linear.gather [hbm4b:s24+s21], $0x80, $0x38;
	[tilespmem:$0x19000] =	vst v63  }
0x89: {  	_ =	swait.ge [sflag:s31], $0x80  }
0x8a: {  	[sflag:s31] =	ssyncset.done $0x0  }
0x8b: {  	[sflag:s31] =	ssyncadd.s32 $0xFFFFFF80  }
0x8c: {  	v0 =	vld [tilespmem:$0x12C00]  }
0x8d: {  	v1 =	vld [tilespmem:$0x12C10]  }
0x8e: {  	v2 =	vld [tilespmem:$0x12C20]  }
0x8f: {  	v7 =	vld [tilespmem:$0x12C70]  }
0x90: {  	v3 =	vld [tilespmem:$0x12C30]  }
0x91: {  	v4 =	vld [tilespmem:$0x12C40]  }
0x92: {  	v5 =	vld [tilespmem:$0x12C50]  }
0x93: {  	s2 =	simm.s32 $0x5C0;
	s0 =	simm.s32 $0xF0;
	v6 =	vld [tilespmem:$0x12C60]  }
.LBB2_9:
0x94: {  	p5 =	seq.s32 s2, $0x187C0;
	[tilespmem:s0+$0x12C00] =	vst v7  }
0x95: {  	[tilespmem:s0+$0x12B90] =	vst v0  }
0x96: {  	[tilespmem:s0+$0x12BA0] =	vst v1  }
.Ltmp5:
0x97: {  	[tilespmem:s0+$0x12BB0] =	vst v2;
	(pc) =	sbr.rel @!p5 .LBB2_9-.Ltmp5, $4  }
0x98: {  	[tilespmem:s0+$0x12BC0] =	vst v3  }
0x99: {  	[tilespmem:s0+$0x12BD0] =	vst v4  }
0x9a: {  	[tilespmem:s0+$0x12BE0] =	vst v5  }
0x9b: {  	[tilespmem:s0+$0x12BF0] =	vst v6;
	s0 =	sshra.s32 s2, $0x2;
	s2 =	sadd.s32 $0x200, s2  }
0x9c: {  	s31 =	sld [smem:$0x7F5]  }
0x9d: {  	[tilespmem:s0+$0x12C00] =	vst v7  }
0x9e: {  	[tilespmem:s0+$0x12B90] =	vst v0  }
0x9f: {  	[tilespmem:s0+$0x12BA0] =	vst v1;
	p0 =	seq.s32 s31, $0x1  }
.Ltmp6:
0xa0: {  	[tilespmem:s0+$0x12BB0] =	vst v2;
	(pc) =	sbr.rel @!p0 .LBB2_14-.Ltmp6, $4  }
0xa1: {  	[tilespmem:s0+$0x12BC0] =	vst v3  }
0xa2: {  	[tilespmem:s0+$0x12BD0] =	vst v4  }
0xa3: {  	[tilespmem:s0+$0x12BE0] =	vst v5  }
0xa4: {  	[tilespmem:s0+$0x12BF0] =	vst v6  }
0xa5: {  	s0 =	sadd.s32 $0x1, s8  }
0xa6: {  	p0 =	slt.u32 s0, s7  }
.Ltmp7:
0xa7: {  	_ = 	snop;
	(pc) =	sbr.rel @!p0 .LBB2_13-.Ltmp7, $4  }
0xa8: {  	_ = 	snop  }
0xa9: {  	s2 =	rddreg [dreg:$0x8]  }
0xaa: {  	[hbm4b:s2+s16] =	stream.strided.scatter [tilespmem:s26], [sflag:$0x6], $0x6000, s17, s16, $0x38;
	[tilespmem:$0x19000] =	vst v63  }
0xab: {  	s18 =	sadd.s32 $0x4800, s2;
	s2 =	sadd.s32 $0x4B00, s2  }
.LBB2_12:
0xac: {  	[hbm4b:s18+s21] =	stream.linear.scatter [tilespmem:s28], [sflag:$0x6], $0x200, $0x38;
	[tilespmem:$0x19000] =	vst v63  }
0xad: {  	s0 =	sadd.s32 $0x1, s0  }
0xae: {  	p0 =	slt.u32 s0, s7  }
.Ltmp8:
0xaf: {  	(pc) =	sbr.rel @p0 .LBB2_12-.Ltmp8, $3  }
0xb0: {  	_ =	sdelay $0x1  }
0xb1: {  	[hbm4b:s2+s16] =	stream.strided.scatter [tilespmem:s26], [sflag:$0x6], $0x6000, s17, s16, $0x38;
	[tilespmem:$0x19000] =	vst v63  }
0xb2: {  	s18 =	sadd.s32 $0x4800, s2;
	s2 =	sadd.s32 $0x4B00, s2  }
.LBB2_13:
0xb3: {  	[hbm4b:s18+s21] =	stream.linear.scatter [tilespmem:s28], [sflag:$0x6], $0x200, $0x38;
	[tilespmem:$0x19000] =	vst v63  }
.LBB2_14:
0xb4: {  	s0 =	simm.s32 @!p1 $0x400  }
0xb5: {  	s2 =	simm.s32 @!p1 $0x1800;
	s9 =	simm.s32 @!p1 $0x0;
	s10 =	rddreg [dreg:$0x11]  }
0xb6: {  	[tilespmem:s9], [sflag:$0x1] =	stream.strided.gather @!p1 [hbm4b:s10+s0], $0x6000, s2, s0, $0x38;
	[tilespmem:$0x19000] =	vst v63  }
0xb7: {  	s12 =	simm.s32 @!p1 $0x6000;
	s10 =	sadd.s32 @!p1 $0x4800, s10  }
0xb8: {  	[tilespmem:s12], [sflag:$0x1] =	stream.linear.gather @!p1 [hbm4b:s10+s9], $0x200, $0x38;
	[tilespmem:$0x19000] =	vst v63  }
0xb9: {  	s10 =	simm.s32 @!p1 $0x1  }
0xba: {  	_ =	swait.ge @!p1 [sflag:s10], $0x6200  }
0xbb: {  	[sflag:s10] =	ssyncset.done @!p1 $0x0  }
0xbc: {  	[sflag:s10] =	ssyncadd.s32 @!p1 $0xFFFF9E00;
	s10 =	rddreg [dreg:$0x12]  }
0xbd: {  	[hbm4b:s10+s0] =	stream.strided.scatter @!p1 [tilespmem:s9], [sflag:$0x3], $0x6000, s2, s0, $0x38;
	[tilespmem:$0x19000] =	vst v63  }
0xbe: {  	s0 =	sadd.s32 @!p1 $0x4800, s10;
	s2 =	simm.s32 @!p3 $0x1800  }
0xbf: {  	[hbm4b:s0+s9] =	stream.linear.scatter @!p1 [tilespmem:s12], [sflag:$0x3], $0x200, $0x38;
	[tilespmem:$0x19000] =	vst v63  }
0xc0: {  	s10 =	rddreg [dreg:$0x13];
	s0 =	simm.s32 @!p3 $0x400;
	s9 =	simm.s32 @!p3 $0x6400  }
0xc1: {  	[tilespmem:s9], [sflag:$0x2] =	stream.strided.gather @!p3 [hbm4b:s10+s0], $0x6000, s2, s0, $0x38;
	[tilespmem:$0x19000] =	vst v63  }
0xc2: {  	s18 =	simm.s32 @!p3 $0xC400;
	s12 =	simm.s32 @!p3 $0x0;
	s10 =	sadd.s32 @!p3 $0x4800, s10  }
0xc3: {  	[tilespmem:s18], [sflag:$0x2] =	stream.linear.gather @!p3 [hbm4b:s10+s12], $0x200, $0x38;
	[tilespmem:$0x19000] =	vst v63  }
0xc4: {  	s10 =	simm.s32 @!p3 $0x2  }
0xc5: {  	_ =	swait.ge @!p3 [sflag:s10], $0x6200  }
0xc6: {  	s31 =	sld [smem:$0x7FB];
	_ =	sdelay $0x2  }
0xc7: {  	[sflag:s10] =	ssyncset.done @!p3 $0x0;
	p0 =	seq.s32 s31, $0x1  }
.Ltmp9:
0xc8: {  	[sflag:s10] =	ssyncadd.s32 @!p3 $0xFFFF9E00;
	s10 =	rddreg [dreg:$0x14];
	(pc) =	sbr.rel @!p0 .LBB2_15-.Ltmp9, $4  }
0xc9: {  	[hbm4b:s10+s0] =	stream.strided.scatter @!p3 [tilespmem:s9], [sflag:$0x4], $0x6000, s2, s0, $0x38;
	[tilespmem:$0x19000] =	vst v63  }
0xca: {  	s0 =	sadd.s32 @!p3 $0x4800, s10;
	s2 =	rddreg [dreg:$0xa]  }
0xcb: {  	[hbm4b:s0+s12] =	stream.linear.scatter @!p3 [tilespmem:s18], [sflag:$0x4], $0x200, $0x38;
	[tilespmem:$0x19000] =	vst v63  }
0xcc: {  	s18 =	rddreg [dreg:$0x9];
	s0 =	smov.u32 s22  }
.LBB2_18:
0xcd: {  	s0 =	rddreg [dreg:$0xe]  }
0xce: {  	_ =	swait.ge @!p2 [sflag:s0], $0x6200  }
0xcf: {  	[sflag:s0] =	ssyncset.done @!p2 $0x0  }
0xd0: {  	[sflag:s0] =	ssyncadd.s32 @!p2 $0xFFFF9E00;
	s0 =	rddreg [dreg:$0xf]  }
0xd1: {  	_ =	swait.ge @!p6 [sflag:s0], $0x6200  }
0xd2: {  	s31 =	sld [smem:$0x7F6];
	_ =	sdelay $0x2  }
0xd3: {  	p0 =	seq.s32 s31, $0x1  }
.Ltmp10:
0xd4: {  	_ = 	snop;
	(pc) =	sbr.rel @p0 .LBB2_22-.Ltmp10, $3  }
0xd5: {  	_ =	sdelay $0x1  }
0xd6: {  	[sflag:s0] =	ssyncset.done @!p6 $0x0  }
0xd7: {  	[sflag:s0] =	ssyncadd.s32 @!p6 $0xFFFF9E00  }
0xd8: {  	s0 =	rddreg [dreg:$0x15]  }
0xd9: {  	p0 =	sne.s32 s0, $0x1  }
.Ltmp11:
0xda: {  	_ = 	snop;
	(pc) =	sbr.rel @!p0 .LBB2_21-.Ltmp11, $3  }
0xdb: {  	_ =	sdelay $0x1  }
0xdc: {  	_ =	swait.ge [sflag:s29], $0x6200  }
0xdd: {  	s0 =	sadd.s32 $0xFFFFFFFF, s0;
	[sflag:s29] =	ssyncset.done $0x0  }
.LBB2_20:
0xde: {  	p0 =	sne.s32 s0, $0x1;
	s0 =	sadd.s32 $0xFFFFFFFF, s0;
	[sflag:s29] =	ssyncadd.s32 $0xFFFF9E00  }
.Ltmp12:
0xdf: {  	(pc) =	sbr.rel @p0 .LBB2_20-.Ltmp12, $3  }
0xe0: {  	_ =	sdelay $0x1  }
0xe1: {  	_ =	swait.ge [sflag:s29], $0x6200  }
0xe2: {  	[sflag:s29] =	ssyncset.done $0x0  }
.LBB2_21:
0xe3: {  	[sflag:s29] =	ssyncadd.s32 $0xFFFF9E00  }
.LBB2_22:
0xe4: {  	s0 =	rddreg [dreg:$0x5];
	s31 =	simm.s32 $0x7  }
0xe5: {  	[tilespmem:s11], [sflag:$0x7] =	stream.linear.gather [hbm4b:s0+s21], $0x80, $0x38;
	[tilespmem:$0x19000] =	vst v63  }
0xe6: {  	_ =	swait.ge [sflag:s31], $0x80  }
0xe7: {  	[sflag:s31] =	ssyncset.done $0x0  }
0xe8: {  	[sflag:s31] =	ssyncadd.s32 $0xFFFFFF80  }
0xe9: {  	v0 =	vld [tilespmem:$0xC800]  }
0xea: {  	v1 =	vld [tilespmem:$0xC810]  }
0xeb: {  	v2 =	vld [tilespmem:$0xC820]  }
0xec: {  	v7 =	vld [tilespmem:$0xC870]  }
0xed: {  	v3 =	vld [tilespmem:$0xC830]  }
0xee: {  	v4 =	vld [tilespmem:$0xC840]  }
0xef: {  	v5 =	vld [tilespmem:$0xC850]  }
0xf0: {  	s2 =	simm.s32 $0x5C0;
	s0 =	simm.s32 $0xF0;
	v6 =	vld [tilespmem:$0xC860]  }
.LBB2_23:
0xf1: {  	p5 =	seq.s32 s2, $0x187C0;
	[tilespmem:s0+$0xC800] =	vst v7  }
0xf2: {  	[tilespmem:s0+$0xC790] =	vst v0  }
0xf3: {  	[tilespmem:s0+$0xC7A0] =	vst v1  }
.Ltmp13:
0xf4: {  	[tilespmem:s0+$0xC7B0] =	vst v2;
	(pc) =	sbr.rel @!p5 .LBB2_23-.Ltmp13, $4  }
0xf5: {  	[tilespmem:s0+$0xC7C0] =	vst v3  }
0xf6: {  	[tilespmem:s0+$0xC7D0] =	vst v4  }
0xf7: {  	[tilespmem:s0+$0xC7E0] =	vst v5  }
0xf8: {  	[tilespmem:s0+$0xC7F0] =	vst v6;
	s0 =	sshra.s32 s2, $0x2;
	s2 =	sadd.s32 $0x200, s2  }
0xf9: {  	[tilespmem:s0+$0xC800] =	vst v7  }
0xfa: {  	[tilespmem:s0+$0xC790] =	vst v0  }
0xfb: {  	[tilespmem:s0+$0xC7A0] =	vst v1  }
0xfc: {  	[tilespmem:s0+$0xC7B0] =	vst v2;
	s31 =	rddreg [dreg:$0x19]  }
0xfd: {  	[tilespmem:s0+$0xC7C0] =	vst v3;
	p0 =	seq.s32 s31, $0x1  }
.Ltmp14:
0xfe: {  	[tilespmem:s0+$0xC7D0] =	vst v4;
	(pc) =	sbr.rel @p0 .LBB2_26-.Ltmp14, $4  }
0xff: {  	[tilespmem:s0+$0xC7E0] =	vst v5  }
0x100: {  	[tilespmem:s0+$0xC7F0] =	vst v6;
	s2 =	rddreg [dreg:$0xb]  }
0x101: {  	[hbm4b:s2+s16] =	stream.strided.scatter [tilespmem:s11], [sflag:$0x5], $0x6000, s17, s16, $0x38;
	[tilespmem:$0x19000] =	vst v63  }
0x102: {  	s0 =	sadd.s32 $0xFFFFFFFF, s31;
	s18 =	sadd.s32 $0x4800, s2;
	s2 =	sadd.s32 $0x4B00, s2  }
.LBB2_25:
0x103: {  	[hbm4b:s18+s21] =	stream.linear.scatter [tilespmem:s25], [sflag:$0x5], $0x200, $0x38;
	[tilespmem:$0x19000] =	vst v63  }
0x104: {  	p0 =	seq.s32 s0, $0x1  }
.Ltmp15:
0x105: {  	s0 =	sadd.s32 $0xFFFFFFFF, s0;
	(pc) =	sbr.rel @!p0 .LBB2_25-.Ltmp15, $3  }
0x106: {  	_ =	sdelay $0x1  }
0x107: {  	[hbm4b:s2+s16] =	stream.strided.scatter [tilespmem:s11], [sflag:$0x5], $0x6000, s17, s16, $0x38;
	[tilespmem:$0x19000] =	vst v63  }
0x108: {  	s18 =	sadd.s32 $0x4800, s2;
	s2 =	sadd.s32 $0x4B00, s2  }
.LBB2_26:
0x109: {  	s9 =	sld [smem:$0x7FD];
	_ =	sdelay $0x2  }
0x10a: {  	p0 =	seq.s32 s9, $0x1  }
.Ltmp16:
0x10b: {  	_ = 	snop;
	(pc) =	sbr.rel @p0 .LBB2_31-.Ltmp16, $4  }
.Ltmp17:
0x10c: {  	_ = 	snop;
	(pc) =	sbr.rel @!p0 .LBB2_27-.Ltmp17, $4  }
0x10d: {  	[hbm4b:s18+s21] =	stream.linear.scatter [tilespmem:s25], [sflag:$0x5], $0x200, $0x38;
	[tilespmem:$0x19000] =	vst v63  }
0x10e: {  	s18 =	rddreg [dreg:$0x17]  }
0x10f: {  	s2 =	simm.s32 $0x10;
	s0 =	rddreg [dreg:$0x16]  }
0x110: {  	_ = 	snop  }
.LBB2_7:
0x111: {  	s2 =	sadd.s32 $0x1, s2  }
0x112: {  	p0 =	sne.s32 s4, s2  }
.Ltmp18:
0x113: {  	_ = 	snop;
	(pc) =	sbr.rel @!p0 .LBB2_8-.Ltmp18, $2  }
0x114: {  	_ =	sdelay $0x2  }
0x115: {  	s18 =	sadd.s32 $0x25800, s18  }
.LBB2_5:
0x116: {  	s0 =	sand.u32 $0x1, s2  }
0x117: {  	p5 =	seq.s32 s0, $0x1  }
0x118: {  	p0 =	sle.s32 @!p5 s2, s19  }
0x119: {  	p0 =	por p0, p5  }
0x11a: {  	s24 =	sshrl.u32 @!p5 s18, $0x3;
	s23 =	simm.s32 @!p0 $0x3  }
0x11b: {  	s10 =	simm.s32 @!p5 $0x400;
	s24 =	sadd.s32 @!p5 s1, s24;
	_ =	swait.ge @!p0 [sflag:s23], $0x6200  }
0x11c: {  	s12 =	simm.s32 @!p5 $0x1800;
	s24 =	sand.u32 @!p5 $0x1FFFFF80, s24;
	[sflag:s23] =	ssyncset.done @!p0 $0x0  }
0x11d: {  	s31 =	simm.s32 @!p5 $0x0;
	[sflag:s23] =	ssyncadd.s32 @!p0 $0xFFFF9E00;
	s23 =	sadd.s32 @!p5 s13, s24  }
0x11e: {  	[tilespmem:s31], [sflag:$0x1] =	stream.strided.gather @!p5 [hbm4b:s23+s10], $0x6000, s12, s10, $0x38;
	[tilespmem:$0x19000] =	vst v63  }
0x11f: {  	s9 =	simm.s32 @!p5 $0x6000;
	s23 =	sadd.s32 @!p5 $0x4800, s23  }
0x120: {  	[tilespmem:s9], [sflag:$0x1] =	stream.linear.gather @!p5 [hbm4b:s23+s31], $0x200, $0x38;
	[tilespmem:$0x19000] =	vst v63  }
0x121: {  	p0 =	seq.s32 @!p5 s0, $0x0;
	s23 =	simm.s32 @!p5 $0x1  }
0x122: {  	p0 =	por p5, !p0;
	_ =	swait.ge @!p5 [sflag:s23], $0x6200  }
.Ltmp19:
0x123: {  	[sflag:s23] =	ssyncset.done @!p5 $0x0;
	(pc) =	sbr.rel @!p0 .LBB2_7-.Ltmp19, $4  }
0x124: {  	[sflag:s23] =	ssyncadd.s32 @!p5 $0xFFFF9E00;
	s23 =	sadd.s32 @!p5 s14, s24  }
0x125: {  	[hbm4b:s23+s10] =	stream.strided.scatter @!p5 [tilespmem:s31], [sflag:$0x3], $0x6000, s12, s10, $0x38;
	[tilespmem:$0x19000] =	vst v63  }
0x126: {  	s10 =	sadd.s32 @!p5 $0x4800, s23  }
0x127: {  	[hbm4b:s10+s31] =	stream.linear.scatter @!p5 [tilespmem:s9], [sflag:$0x3], $0x200, $0x38;
	[tilespmem:$0x19000] =	vst v63  }
0x128: {  	s0 =	rddreg [dreg:$0x18]  }
0x129: {  	p0 =	slt.s32 s2, s0  }
0x12a: {  	s9 =	sshrl.u32 s18, $0x3;
	s0 =	simm.s32 @!p0 $0x4  }
0x12b: {  	s9 =	sadd.s32 s1, s9;
	_ =	swait.ge @!p0 [sflag:s0], $0x6200  }
0x12c: {  	s9 =	sand.u32 $0x1FFFFF80, s9;
	[sflag:s0] =	ssyncset.done @!p0 $0x0  }
0x12d: {  	s24 =	sadd.s32 s13, s9;
	[sflag:s0] =	ssyncadd.s32 @!p0 $0xFFFF9E00  }
0x12e: {  	[tilespmem:s20], [sflag:$0x2] =	stream.strided.gather [hbm4b:s24+s16], $0x6000, s17, s16, $0x38;
	[tilespmem:$0x19000] =	vst v63  }
0x12f: {  	s0 =	sadd.s32 $0x4800, s24  }
0x130: {  	[tilespmem:s6], [sflag:$0x2] =	stream.linear.gather [hbm4b:s0+s21], $0x200, $0x38;
	[tilespmem:$0x19000] =	vst v63  }
0x131: {  	_ =	swait.ge [sflag:s15], $0x6200  }
.Ltmp20:
0x132: {  	[sflag:s15] =	ssyncset.done $0x0;
	(pc) =	sbr.rel .LBB2_7-.Ltmp20, $4  }
0x133: {  	s31 =	sadd.s32 s14, s9;
	[sflag:s15] =	ssyncadd.s32 $0xFFFF9E00  }
0x134: {  	[hbm4b:s31+s16] =	stream.strided.scatter [tilespmem:s20], [sflag:$0x4], $0x6000, s17, s16, $0x38;
	[tilespmem:$0x19000] =	vst v63  }
0x135: {  	s0 =	sadd.s32 $0x4800, s31  }
0x136: {  	[hbm4b:s0+s21] =	stream.linear.scatter [tilespmem:s6], [sflag:$0x4], $0x200, $0x38;
	[tilespmem:$0x19000] =	vst v63  }
.LBB2_17:
0x137: {  	s0 =	sadd.s32 $0x1, s0  }
0x138: {  	p0 =	slt.u32 s0, s8  }
.Ltmp21:
0x139: {  	_ = 	snop;
	(pc) =	sbr.rel @!p0 .LBB2_18-.Ltmp21, $2  }
0x13a: {  	_ =	sdelay $0x2  }
0x13b: {  	s18 =	sadd.s32 $0x4B00, s18;
	s2 =	sadd.s32 $0x4B00, s2  }
.LBB2_15:
0x13c: {  	s9 =	sand.u32 $0x1, s0  }
0x13d: {  	p5 =	seq.s32 s9, $0x1  }
0x13e: {  	p0 =	sle.u32 @!p5 s0, s5  }
0x13f: {  	p0 =	por p0, p5  }
0x140: {  	s10 =	simm.s32 @!p0 $0x3  }
0x141: {  	_ =	swait.ge @!p0 [sflag:s10], $0x6200  }
0x142: {  	s12 =	simm.s32 @!p5 $0x1800;
	[sflag:s10] =	ssyncset.done @!p0 $0x0  }
0x143: {  	s23 =	simm.s32 @!p5 $0x0;
	[sflag:s10] =	ssyncadd.s32 @!p0 $0xFFFF9E00;
	s10 =	simm.s32 @!p5 $0x400  }
0x144: {  	[tilespmem:s23], [sflag:$0x1] =	stream.strided.gather @!p5 [hbm4b:s2+s10], $0x6000, s12, s10, $0x38;
	[tilespmem:$0x19000] =	vst v63  }
0x145: {  	s24 =	sadd.s32 @!p5 $0x4800, s2;
	s31 =	simm.s32 @!p5 $0x6000  }
0x146: {  	[tilespmem:s31], [sflag:$0x1] =	stream.linear.gather @!p5 [hbm4b:s24+s23], $0x200, $0x38;
	[tilespmem:$0x19000] =	vst v63  }
0x147: {  	p0 =	seq.s32 @!p5 s9, $0x0;
	s24 =	simm.s32 @!p5 $0x1  }
0x148: {  	p0 =	por p5, !p0;
	_ =	swait.ge @!p5 [sflag:s24], $0x6200  }
.Ltmp22:
0x149: {  	[sflag:s24] =	ssyncset.done @!p5 $0x0;
	(pc) =	sbr.rel @!p0 .LBB2_17-.Ltmp22, $4  }
0x14a: {  	[sflag:s24] =	ssyncadd.s32 @!p5 $0xFFFF9E00  }
0x14b: {  	[hbm4b:s18+s10] =	stream.strided.scatter @!p5 [tilespmem:s23], [sflag:$0x3], $0x6000, s12, s10, $0x38;
	[tilespmem:$0x19000] =	vst v63  }
0x14c: {  	s10 =	sadd.s32 @!p5 $0x4800, s18  }
0x14d: {  	[hbm4b:s10+s23] =	stream.linear.scatter @!p5 [tilespmem:s31], [sflag:$0x3], $0x200, $0x38;
	[tilespmem:$0x19000] =	vst v63  }
0x14e: {  	p0 =	slt.u32 s0, s22  }
0x14f: {  	s9 =	simm.s32 @!p0 $0x4  }
0x150: {  	_ =	swait.ge @!p0 [sflag:s9], $0x6200  }
0x151: {  	[sflag:s9] =	ssyncset.done @!p0 $0x0  }
0x152: {  	[sflag:s9] =	ssyncadd.s32 @!p0 $0xFFFF9E00  }
0x153: {  	[tilespmem:s20], [sflag:$0x2] =	stream.strided.gather [hbm4b:s2+s16], $0x6000, s17, s16, $0x38;
	[tilespmem:$0x19000] =	vst v63  }
0x154: {  	s24 =	sadd.s32 $0x4800, s2  }
0x155: {  	[tilespmem:s6], [sflag:$0x2] =	stream.linear.gather [hbm4b:s24+s21], $0x200, $0x38;
	[tilespmem:$0x19000] =	vst v63  }
0x156: {  	_ =	swait.ge [sflag:s15], $0x6200  }
.Ltmp23:
0x157: {  	[sflag:s15] =	ssyncset.done $0x0;
	(pc) =	sbr.rel .LBB2_17-.Ltmp23, $4  }
0x158: {  	[sflag:s15] =	ssyncadd.s32 $0xFFFF9E00  }
0x159: {  	[hbm4b:s18+s16] =	stream.strided.scatter [tilespmem:s20], [sflag:$0x4], $0x6000, s17, s16, $0x38;
	[tilespmem:$0x19000] =	vst v63  }
0x15a: {  	s31 =	sadd.s32 $0x4800, s18  }
0x15b: {  	[hbm4b:s31+s21] =	stream.linear.scatter [tilespmem:s6], [sflag:$0x4], $0x200, $0x38;
	[tilespmem:$0x19000] =	vst v63  }
.LBB2_29:
0x15c: {  	s2 =	sadd.s32 $0x1, s2  }
0x15d: {  	p0 =	sne.s32 s3, s2  }
.Ltmp24:
0x15e: {  	_ = 	snop;
	(pc) =	sbr.rel @!p0 .LBB2_30-.Ltmp24, $2  }
0x15f: {  	_ =	sdelay $0x2  }
0x160: {  	s0 =	sadd.s32 $0x4B00, s0;
	s18 =	sadd.s32 $0x4B00, s18  }
.LBB2_27:
0x161: {  	s9 =	sand.u32 $0x1, s2  }
0x162: {  	p5 =	seq.s32 s9, $0x1  }
0x163: {  	p0 =	slt.u32 @!p5 s2, $0x12  }
0x164: {  	p0 =	por p0, p5  }
0x165: {  	s10 =	simm.s32 @!p0 $0x3  }
0x166: {  	_ =	swait.ge @!p0 [sflag:s10], $0x6200  }
0x167: {  	s12 =	simm.s32 @!p5 $0x1800;
	[sflag:s10] =	ssyncset.done @!p0 $0x0  }
0x168: {  	s23 =	simm.s32 @!p5 $0x0;
	[sflag:s10] =	ssyncadd.s32 @!p0 $0xFFFF9E00;
	s10 =	simm.s32 @!p5 $0x400  }
0x169: {  	[tilespmem:s23], [sflag:$0x1] =	stream.strided.gather @!p5 [hbm4b:s18+s10], $0x6000, s12, s10, $0x38;
	[tilespmem:$0x19000] =	vst v63  }
0x16a: {  	s24 =	sadd.s32 @!p5 $0x4800, s18;
	s31 =	simm.s32 @!p5 $0x6000  }
0x16b: {  	[tilespmem:s31], [sflag:$0x1] =	stream.linear.gather @!p5 [hbm4b:s24+s23], $0x200, $0x38;
	[tilespmem:$0x19000] =	vst v63  }
0x16c: {  	p0 =	seq.s32 @!p5 s9, $0x0;
	s24 =	simm.s32 @!p5 $0x1  }
0x16d: {  	p0 =	por p5, !p0;
	_ =	swait.ge @!p5 [sflag:s24], $0x6200  }
.Ltmp25:
0x16e: {  	[sflag:s24] =	ssyncset.done @!p5 $0x0;
	(pc) =	sbr.rel @!p0 .LBB2_29-.Ltmp25, $4  }
0x16f: {  	[sflag:s24] =	ssyncadd.s32 @!p5 $0xFFFF9E00  }
0x170: {  	[hbm4b:s0+s10] =	stream.strided.scatter @!p5 [tilespmem:s23], [sflag:$0x3], $0x6000, s12, s10, $0x38;
	[tilespmem:$0x19000] =	vst v63  }
0x171: {  	s10 =	sadd.s32 @!p5 $0x4800, s0  }
0x172: {  	[hbm4b:s10+s23] =	stream.linear.scatter @!p5 [tilespmem:s31], [sflag:$0x3], $0x200, $0x38;
	[tilespmem:$0x19000] =	vst v63  }
0x173: {  	p0 =	slt.u32 s2, $0x12  }
0x174: {  	s9 =	simm.s32 @!p0 $0x4  }
0x175: {  	_ =	swait.ge @!p0 [sflag:s9], $0x6200  }
0x176: {  	[sflag:s9] =	ssyncset.done @!p0 $0x0  }
0x177: {  	[sflag:s9] =	ssyncadd.s32 @!p0 $0xFFFF9E00  }
0x178: {  	[tilespmem:s20], [sflag:$0x2] =	stream.strided.gather [hbm4b:s18+s16], $0x6000, s17, s16, $0x38;
	[tilespmem:$0x19000] =	vst v63  }
0x179: {  	s24 =	sadd.s32 $0x4800, s18  }
0x17a: {  	[tilespmem:s6], [sflag:$0x2] =	stream.linear.gather [hbm4b:s24+s21], $0x200, $0x38;
	[tilespmem:$0x19000] =	vst v63  }
0x17b: {  	_ =	swait.ge [sflag:s15], $0x6200  }
.Ltmp26:
0x17c: {  	[sflag:s15] =	ssyncset.done $0x0;
	(pc) =	sbr.rel .LBB2_29-.Ltmp26, $4  }
0x17d: {  	[sflag:s15] =	ssyncadd.s32 $0xFFFF9E00  }
0x17e: {  	[hbm4b:s0+s16] =	stream.strided.scatter [tilespmem:s20], [sflag:$0x4], $0x6000, s17, s16, $0x38;
	[tilespmem:$0x19000] =	vst v63  }
0x17f: {  	s31 =	sadd.s32 $0x4800, s0  }
0x180: {  	[hbm4b:s31+s21] =	stream.linear.scatter [tilespmem:s6], [sflag:$0x4], $0x200, $0x38;
	[tilespmem:$0x19000] =	vst v63  }
.LBB2_30:
0x181: {  	s0 =	simm.s32 $0x4  }
0x182: {  	_ =	swait.ge [sflag:s0], $0x6200  }
0x183: {  	[sflag:s0] =	ssyncset.done $0x0  }
0x184: {  	s31 =	simm.s32 $0x3;
	[sflag:s0] =	ssyncadd.s32 $0xFFFF9E00  }
0x185: {  	_ =	swait.ge [sflag:s31], $0x6200  }
0x186: {  	[sflag:s31] =	ssyncset.done $0x0  }
0x187: {  	[sflag:s31] =	ssyncadd.s32 $0xFFFF9E00  }
.LBB2_31:
0x188: {  	s0 =	sld [smem:$0x7F7];
	_ =	sdelay $0x2  }
0x189: {  	p0 =	seq.s32 s0, $0x1  }
.Ltmp27:
0x18a: {  	_ = 	snop;
	(pc) =	sbr.rel @p0 .LBB2_35-.Ltmp27, $2  }
0x18b: {  	_ =	sdelay $0x2  }
0x18c: {  	s2 =	rddreg [dreg:$0x1a]  }
0x18d: {  	s0 =	sadd.s32 $0x1, s8  }
0x18e: {  	p0 =	slt.u32 s0, s7  }
.Ltmp28:
0x18f: {  	_ = 	snop;
	(pc) =	sbr.rel @!p0 .LBB2_34-.Ltmp28, $3  }
0x190: {  	_ =	sdelay $0x1  }
0x191: {  	_ =	swait.ge [sflag:s30], $0x6200  }
0x192: {  	[sflag:s30] =	ssyncset.done $0x0  }
.LBB2_33:
0x193: {  	s0 =	sadd.s32 $0x1, s0  }
0x194: {  	[sflag:s30] =	ssyncadd.s32 $0xFFFF9E00;
	p0 =	slt.u32 s0, s7  }
.Ltmp29:
0x195: {  	(pc) =	sbr.rel @p0 .LBB2_33-.Ltmp29, $3  }
0x196: {  	_ =	sdelay $0x1  }
0x197: {  	_ =	swait.ge [sflag:s30], $0x6200  }
0x198: {  	[sflag:s30] =	ssyncset.done $0x0  }
.LBB2_34:
0x199: {  	[sflag:s30] =	ssyncadd.s32 $0xFFFF9E00  }
.LBB2_35:
0x19a: {  	s0 =	rddreg [dreg:$0x19]  }
0x19b: {  	p0 =	sne.s32 s0, $0x1  }
.Ltmp30:
0x19c: {  	_ = 	snop;
	(pc) =	sbr.rel @!p0 .LBB2_37-.Ltmp30, $3  }
0x19d: {  	_ =	sdelay $0x1  }
0x19e: {  	_ =	swait.ge [sflag:s29], $0x6200  }
0x19f: {  	s0 =	sadd.s32 $0xFFFFFFFF, s0;
	[sflag:s29] =	ssyncset.done $0x0  }
.LBB2_36:
0x1a0: {  	p0 =	sne.s32 s0, $0x1;
	s0 =	sadd.s32 $0xFFFFFFFF, s0;
	[sflag:s29] =	ssyncadd.s32 $0xFFFF9E00  }
.Ltmp31:
0x1a1: {  	(pc) =	sbr.rel @p0 .LBB2_36-.Ltmp31, $3  }
0x1a2: {  	_ =	sdelay $0x1  }
0x1a3: {  	_ =	swait.ge [sflag:s29], $0x6200  }
0x1a4: {  	[sflag:s29] =	ssyncset.done $0x0  }
.LBB2_37:
0x1a5: {  	s2 =	sadd.s32 $0x1, s2;
	s0 =	rddreg [dreg:$0x10]  }
0x1a6: {  	p0 =	sne.s32 s2, s0  }
.Ltmp32:
0x1a7: {  	_ = 	snop;
	(pc) =	sbr.rel @p0 .LBB2_1-.Ltmp32, $2  }
0x1a8: {  	_ =	sdelay $0x2  }
0x1a9: {  	[sflag:s29] =	ssyncadd.s32 $0xFFFF9E00  }
0x1aa: {  	_ =	sfence.sel $0x180000  }
0x1ab: {  	[bflag:$0x0] =	sbarrier.arrive $0xFFFF  }
0x1ac: {  	_ =	strace $0x90000047  }
0x1ad: {  	s0 =	stileid.u32;
	[bflag:$0x2] =	sbarrier.arrive $0xFFFF  }
0x1ae: {  	p0 =	sne.s32 s0, $0x0;
	s0 =	rddreg [dreg:$0x2]  }
0x1af: {  	s0 =	sadd.s32 @!p0 $0x100000, s0  }
0x1b0: {  	[sflag:s0] =	ssyncadd.tile.s32 @!p0 $0x1;
	_ =	shalt  }
.Lfunc_end2:
_tile_overlayer_lowered:
.L_overlay_start_2:
0x1b1: {  	(tag) =	ssettag $0x2  }
0x1b2: {  	s0 =	rddreg [dreg:$0x0];
	s2 =	stileid.u32  }
0x1b3: {  	s1 =	rddreg [dreg:$0x1];
	p0 =	sne.s32 s2, $0x0  }
0x1b4: {  	s3 =	rddreg [dreg:$0x2];
	[bflag:$0x3] =	sbarrier.arrive $0xFFFF;
	s2 =	simm.s32 @!p0 $0x1C07  }
0x1b5: {  	[timem:s3], [sflag:s2] =	dma.local @!p0 [hbm:s0], s1  }
0x1b6: {  	s0 =	simm.s32 @!p0 $0x7  }
0x1b7: {  	_ =	swait.ge @!p0 [sflag:s0], s1  }
0x1b8: {  	s1 =	ssub.s32 @!p0 $0x0, s1;
	[sflag:s0] =	ssyncset.done @!p0 $0x0  }
0x1b9: {  	[sflag:s0] =	ssyncadd.s32 @!p0 s1  }
0x1ba: {  	[bflag:$0x3] =	sbarrier.arrive $0xFFFF  }
0x1bb: {  	_ =	shalt  }

</sc_bundles>
